<compile_context>
chip_gen: v7x
topology: tpu7x:2x2x1
jax: 0.10.2.dev20260603
libtpu: 0.0.44.dev20260713+nightly
codegen_flags: <defaults>
</compile_context>

<pallas_src>
import jax
import jax.numpy as jnp
from jax import lax
from jax.experimental import pallas as pl
from jax.experimental.pallas import tpu as pltpu
from jax.experimental.pallas import tpu_sc as plsc

N = 10000
E = 320000
FEAT = 128

NW = 16
EPW = 20480
EP = NW * EPW
SEG = 512
NSEG = EPW // SEG
CH = 64
NCH = SEG // CH
DR = 80
NA = 10240
ZR = 640
GN = 18000
PN = 10000
TB = 10080


def _prep_body(f_ref, ih_ref, win_ref, wsc_ref, g_ref, p_ref):
    h = lax.dot_general(ih_ref[...], win_ref[...], (((1,), (1,)), ((), ())),
                        preferred_element_type=jnp.float32)
    wsc = wsc_ref[...]
    w1 = jnp.broadcast_to(wsc[:, :FEAT], (8, FEAT))
    w2 = jnp.broadcast_to(wsc[:, FEAT:], (8, FEAT))
    c = lax.dot_general(h, w1, (((1,), (1,)), ((), ())),
                        preferred_element_type=jnp.float32)[:, :1]
    fb = f_ref[...]
    s = lax.dot_general(fb, w2, (((1,), (1,)), ((), ())),
                        preferred_element_type=jnp.float32)[:, :1]
    p = jnp.exp(s + c)
    g_ref[...] = fb * p
    p_ref[...] = p


def _prep(feats, input_hidden, w_in, w_score, block, out_rows=None):
    rows = feats.shape[0]
    out_rows = rows if out_rows is None else out_rows
    return pl.pallas_call(
        _prep_body,
        grid=(rows // block,),
        in_specs=[
            pl.BlockSpec((block, FEAT), lambda i: (i, 0)),
            pl.BlockSpec((1, 512), lambda i: (0, 0)),
            pl.BlockSpec((FEAT, 512), lambda i: (0, 0)),
            pl.BlockSpec((1, 2 * FEAT), lambda i: (0, 0)),
        ],
        out_specs=[
            pl.BlockSpec((block, FEAT), lambda i: (i, 0)),
            pl.BlockSpec((block, 1), lambda i: (i, 0)),
        ],
        out_shape=[
            jax.ShapeDtypeStruct((out_rows, FEAT), jnp.float32),
            jax.ShapeDtypeStruct((out_rows, 1), jnp.float32),
        ],
    )(feats, input_hidden, w_in, w_score)


def _sc_body(g_n, g_e, p_n, p_e, srcf, dstf,
             out_f,
             src_v, dst_v, pe_v, pn_v, rows_v, erows_v, accd_v, sbuf_v,
             drow_v, dch_v, accf_sh, sem, sem_g, sem_s, sem_t):
    s = lax.axis_index("s")
    w = s
    base = s * ZR
    ebase = w * EPW
    pltpu.sync_copy(p_n, pn_v)

    def zbody(i, carry):
        accd_v[i >> 3, pl.ds((i & 7) * 16, 16)] = jnp.zeros((16,), jnp.float32)
        return carry

    lax.fori_loop(0, DR * 8, zbody, 0)

    def ibody(i, carry):
        drow_v[pl.ds(i * 16, 16)] = lax.iota(jnp.int32, 16) + (N + i * 16)
        return carry

    lax.fori_loop(0, DR // 16, ibody, 0)

    def zsbody(q, carry):
        pltpu.sync_copy(accd_v.at[pl.ds(0, 64)],
                        accf_sh.at[pl.ds(base + q * 64, 64)])
        return carry

    lax.fori_loop(0, ZR // 64, zsbody, 0)

    sbuf_v[pl.ds(16, 16)] = jnp.full((16,), -1, jnp.int32)
    plsc.subcore_barrier()

    pltpu.sync_copy(srcf.at[pl.ds(ebase, SEG)], src_v.at[0])
    pltpu.sync_copy(dstf.at[pl.ds(ebase, SEG)], dst_v.at[0])
    pltpu.sync_copy(p_e.at[pl.ds(ebase, SEG)], pe_v.at[0])

    def seg_body(g, carry0):
        sbase = ebase + g * SEG
        q = g & 1

        @pl.when(g > 0)
        def _():
            pltpu.make_async_copy(srcf.at[pl.ds(sbase, SEG)],
                                  src_v.at[q], sem_t).wait()
            pltpu.make_async_copy(dstf.at[pl.ds(sbase, SEG)],
                                  dst_v.at[q], sem_t).wait()
            pltpu.make_async_copy(p_e.at[pl.ds(sbase, SEG)],
                                  pe_v.at[q], sem_t).wait()

        @pl.when(g < NSEG - 1)
        def _():
            pltpu.async_copy(srcf.at[pl.ds(sbase + SEG, SEG)],
                             src_v.at[1 - q], sem_t)
            pltpu.async_copy(dstf.at[pl.ds(sbase + SEG, SEG)],
                             dst_v.at[1 - q], sem_t)
            pltpu.async_copy(p_e.at[pl.ds(sbase + SEG, SEG)],
                             pe_v.at[1 - q], sem_t)

        def cfill(j, row):
            def cbody(k, carry2):
                dch_v[row, pl.ds(k * 16, 16)] = dst_v[q, pl.ds(j * CH + k * 16, 16)]
                return carry2

            lax.fori_loop(0, CH // 16, cbody, 0)

        def denom(j):
            def dbody(k, carry2):
                d16 = dst_v[q, pl.ds(j * CH + k * 16, 16)]
                s16 = src_v[q, pl.ds(j * CH + k * 16, 16)]
                pe16 = pe_v[q, pl.ds(j * CH + k * 16, 16)]
                val = plsc.load_gather(pn_v, [s16]) + pe16
                d_s, v_s = plsc.sort_key_val(d16, val)
                c = plsc.cumsum(v_s)
                sbuf_v[pl.ds(0, 16)] = d_s
                nxt = sbuf_v[pl.ds(1, 16)]
                is_last = d_s != nxt
                nx = jnp.maximum(nxt, 0)
                plsc.addupdate_scatter(accd_v, [d_s >> 7, d_s & 127], c,
                                       mask=is_last)
                plsc.addupdate_scatter(accd_v, [nx >> 7, nx & 127], -c,
                                       mask=is_last & (nxt >= 0))
                return carry2

            lax.fori_loop(0, CH // 16, dbody, 0)

        cfill(0, 0)
        pltpu.async_copy(g_n.at[src_v.at[q, pl.ds(0, CH)]],
                         rows_v.at[0], sem_g)
        for j in range(NCH):
            p = j & 1
            pltpu.make_async_copy(g_n.at[src_v.at[q, pl.ds(j * CH, CH)]],
                                  rows_v.at[p], sem_g).wait()
            if j >= 1:
                pltpu.make_async_copy(rows_v.at[1 - p],
                                      accf_sh.at[dch_v.at[1 - p]],
                                      sem_s).wait()
                pltpu.make_async_copy(erows_v,
                                      accf_sh.at[dch_v.at[1 - p]],
                                      sem_s).wait()
            if j + 1 < NCH:
                cfill(j + 1, 1 - p)
                pltpu.async_copy(
                    g_n.at[src_v.at[q, pl.ds((j + 1) * CH, CH)]],
                    rows_v.at[1 - p], sem_g)
            pltpu.sync_copy(g_e.at[pl.ds(sbase + j * CH, CH)], erows_v)
            pltpu.async_copy(rows_v.at[p], accf_sh.at[dch_v.at[p]], sem_s,
                             add=True)
            pltpu.async_copy(erows_v, accf_sh.at[dch_v.at[p]], sem_s,
                             add=True)
            denom(j)
        pltpu.make_async_copy(rows_v.at[(NCH - 1) & 1],
                              accf_sh.at[dch_v.at[(NCH - 1) & 1]],
                              sem_s).wait()
        pltpu.make_async_copy(erows_v,
                              accf_sh.at[dch_v.at[(NCH - 1) & 1]],
                              sem_s).wait()
        return carry0

    lax.fori_loop(0, NSEG, seg_body, 0)
    pltpu.sync_copy(accd_v, accf_sh.at[drow_v], add=True)
    plsc.subcore_barrier()

    def dump(q, carry):
        pltpu.sync_copy(accf_sh.at[pl.ds(base + q * 64, 64)],
                        out_f.at[pl.ds(base + q * 64, 64)])
        return carry

    lax.fori_loop(0, ZR // 64, dump, 0)


def _sc_scatter(g_n, g_e, p_n, p_e, srcf, dstf):
    mesh = plsc.VectorSubcoreMesh(core_axis_name="c", subcore_axis_name="s",
                                  num_cores=1)
    return pl.kernel(
        _sc_body,
        out_type=jax.ShapeDtypeStruct((NA, FEAT), jnp.float32),
        mesh=mesh,
        compiler_params=pltpu.CompilerParams(
            use_tc_tiling_on_sc=True, needs_layout_passes=False),
        scratch_types=[
            pltpu.VMEM((2, SEG), jnp.int32),
            pltpu.VMEM((2, SEG), jnp.int32),
            pltpu.VMEM((2, SEG), jnp.float32),
            pltpu.VMEM((PN,), jnp.float32),
            pltpu.VMEM((2, CH, FEAT), jnp.float32),
            pltpu.VMEM((CH, FEAT), jnp.float32),
            pltpu.VMEM((DR, FEAT), jnp.float32),
            pltpu.VMEM((32,), jnp.int32),
            pltpu.VMEM((DR,), jnp.int32),
            pltpu.VMEM((2, CH), jnp.int32),
            pltpu.VMEM_SHARED((NA, FEAT), jnp.float32),
            pltpu.SemaphoreType.DMA,
            pltpu.SemaphoreType.DMA,
            pltpu.SemaphoreType.DMA,
            pltpu.SemaphoreType.DMA,
        ],
    )(g_n, g_e, p_n, p_e, srcf, dstf)


def _final_body(pf_ref, pd_ref, fn_ref, wphi_ref, io_ref, ms_ref):
    numer = pf_ref[...]
    denom = pd_ref[...]
    applied = numer / jnp.maximum(denom, 1e-30)
    wphi = wphi_ref[...]
    z = lax.dot_general(applied, wphi[:, :FEAT], (((1,), (1,)), ((), ())),
                        preferred_element_type=jnp.float32)
    z = z + lax.dot_general(fn_ref[...], wphi[:, FEAT:],
                            (((1,), (1,)), ((), ())),
                            preferred_element_type=jnp.float32)
    f = jnp.maximum(z, 0.0)
    f = jnp.where(denom > 0, f, 0.0)
    io_ref[...] = f
    ms_ref[...] = lax.dot_general(f, jnp.ones((FEAT, 1), jnp.float32),
                                  (((1,), (0,)), ((), ())),
                                  preferred_element_type=jnp.float32)


def _final(parts_f, parts_d, f_n, w_phi, block=2000):
    return pl.pallas_call(
        _final_body,
        grid=(N // block,),
        in_specs=[
            pl.BlockSpec((block, FEAT), lambda i: (i, 0)),
            pl.BlockSpec((block, 1), lambda i: (i, 0)),
            pl.BlockSpec((block, FEAT), lambda i: (i, 0)),
            pl.BlockSpec((FEAT, 2 * FEAT), lambda i: (0, 0)),
        ],
        out_specs=[
            pl.BlockSpec((block, FEAT), lambda i: (i, 0)),
            pl.BlockSpec((block, 1), lambda i: (i, 0)),
        ],
        out_shape=[
            jax.ShapeDtypeStruct((N, FEAT), jnp.float32),
            jax.ShapeDtypeStruct((N, 1), jnp.float32),
        ],
    )(parts_f, parts_d, f_n, w_phi)


def kernel(input_hidden, F_n, F_e, edge_index, W_in, W_obj, W_rel, W_phi_node):
    npad = EP - E
    srcf = jnp.concatenate([edge_index[0],
                            (jnp.arange(npad) % 8192).astype(jnp.int32)])
    dstf = jnp.concatenate([edge_index[1], TB + (jnp.arange(npad)
                            % (NA - TB)).astype(jnp.int32)])
    g_n, p_n = _prep(F_n, input_hidden, W_in, W_obj, block=2000,
                     out_rows=GN)
    g_e, p_e = _prep(F_e, input_hidden, W_in, W_rel, block=4000,
                     out_rows=EP)
    p_n1 = p_n[:N].reshape(N)
    p_e1 = p_e.reshape(EP)
    acc = _sc_scatter(g_n, g_e, p_n1, p_e1, srcf, dstf)
    parts_f = acc[:N]
    pd = acc[N:N + DR].reshape(DR * FEAT, 1)[:N]
    io2d, ms = _final(parts_f, pd, F_n, W_phi_node)
    io = io2d[None]
    io_mask = (ms[:, 0] != 0)[None]
    return io, io_mask

# --- scband reference (transcript-rebuilt; emitter-appended) ---
"""Pipeline reference for scband-context-gat-11166914970419 (READ-ONLY COPY).

The authoritative reference and input builder live on the scoring server;
editing this copy changes nothing except your own understanding.
"""

import jax, jax.numpy as jnp
import numpy as np

N_NODES = 10000
N_EDGES = 320000
FEAT = 128
CTX = 512
K_UPDATE_STEPS = 1


def setup_inputs(seed: int = 0) -> dict:
    key = jax.random.key(seed)
    ks = jax.random.split(key, 8)
    inp = {}
    inp['input_hidden'] = jax.random.normal(ks[0], (1, CTX), dtype=jnp.float32)
    inp['F_n'] = jax.random.normal(ks[1], (N_NODES, FEAT), dtype=jnp.float32)
    inp['F_e'] = jax.random.normal(ks[2], (N_EDGES, FEAT), dtype=jnp.float32)
    inp['edge_index'] = jax.random.randint(ks[3], (2, N_EDGES), 0, N_NODES, dtype=jnp.int32)

    def lin_w(k, out_f, in_f):
        bound = 1.0 / np.sqrt(in_f)
        return jax.random.uniform(k, (out_f, in_f), dtype=jnp.float32, minval=-bound, maxval=bound)

    inp['W_in'] = lin_w(ks[4], FEAT, CTX)            # input_proj (no bias)
    inp['W_obj'] = lin_w(ks[5], 1, 2 * FEAT)         # object_score (no bias)
    inp['W_rel'] = lin_w(ks[6], 1, 2 * FEAT)         # relation_score (no bias)
    inp['W_phi_node'] = lin_w(ks[7], FEAT, 2 * FEAT) # linear_phi_node (no bias)
    return inp


def reference(input_hidden, F_n, F_e, edge_index, W_in, W_obj, W_rel, W_phi_node):
    # Single batched graph: batch_num_nodes = [N]
    N = F_n.shape[0]
    E = F_e.shape[0]
    src = edge_index[0]
    dst = edge_index[1]

    # h_t = self.input_proj(input_hidden); broadcast_nodes / broadcast_edges (1 graph -> tile)
    h_t = input_hidden @ W_in.T                       # [1, F]
    h_nodes = jnp.broadcast_to(h_t, (N, h_t.shape[-1]))
    h_edges = jnp.broadcast_to(h_t, (E, h_t.shape[-1]))

    F_n_t = F_n
    F_e_t = F_e

    for _ in range(K_UPDATE_STEPS):
        # s_n = object_score(cat([h_t, F_n_t]))
        s_n = jnp.concatenate([h_nodes, F_n_t], axis=-1) @ W_obj.T   # [N, 1]
        # send: s_e = relation_score(cat([h_t(edge), F_e_t]))
        s_e = jnp.concatenate([h_edges, F_e_t], axis=-1) @ W_rel.T   # [E, 1]

        # reduce: per-dst softmax over concatenated node-messages and edge-messages
        scores = jnp.concatenate([s_n[src], s_e], axis=0)            # [2E, 1]
        feats = jnp.concatenate([F_n_t[src], F_e_t], axis=0)         # [2E, F]
        seg = jnp.concatenate([dst, dst], axis=0)                    # [2E]

        m = jax.ops.segment_max(scores, seg, num_segments=N)         # [N, 1]
        m = jnp.where(jnp.isfinite(m), m, 0.0)
        ex = jnp.exp(scores - m[seg])                                # [2E, 1]
        denom = jax.ops.segment_sum(ex, seg, num_segments=N)         # [N, 1]
        alpha = ex / jnp.maximum(denom[seg], 1e-30)
        applied_alpha = jax.ops.segment_sum(alpha * feats, seg, num_segments=N)  # [N, F]

        new_F = jax.nn.relu(jnp.concatenate([applied_alpha, F_n_t], axis=-1) @ W_phi_node.T)
        # DGL update_all zero-fills nodes with no incoming messages
        indeg = jax.ops.segment_sum(jnp.ones((E,), dtype=jnp.float32), dst, num_segments=N)
        F_n_t = jnp.where((indeg > 0)[:, None], new_F, jnp.zeros_like(new_F))

    # split + pad_sequence with a single graph -> [1, N, F]
    io = F_n_t[None, :, :]
    io_mask = jnp.sum(io, axis=-1) != 0
    return io, io_mask

if __name__ == "__main__":
    import jax
    _d = setup_inputs()
    print(jax.jit(kernel)(*tuple(_d.values())))

</pallas_src>

<mosaic_0001>
#map = affine_map<(d0, d1) -> (0, 0)>
#map1 = affine_map<(d0, d1) -> (0)>
module attributes {stable_mosaic.version = 14 : i64} {
  func.func @_sc_body(%arg0: i32, %arg1: i32, %arg2: memref<18000x128xf32, #tpu.memory_space<hbm>>, %arg3: memref<327680x128xf32, #tpu.memory_space<hbm>>, %arg4: memref<10000xf32, #tpu.memory_space<hbm>>, %arg5: memref<327680xf32, #tpu.memory_space<hbm>>, %arg6: memref<327680xi32, #tpu.memory_space<hbm>>, %arg7: memref<327680xi32, #tpu.memory_space<hbm>>, %arg8: memref<10240x128xf32, #tpu.memory_space<hbm>>, %arg9: memref<2x512xi32, #tpu.memory_space<vmem>>, %arg10: memref<2x512xi32, #tpu.memory_space<vmem>>, %arg11: memref<2x512xf32, #tpu.memory_space<vmem>>, %arg12: memref<10000xf32, #tpu.memory_space<vmem>>, %arg13: memref<2x64x128xf32, #tpu.memory_space<vmem>>, %arg14: memref<64x128xf32, #tpu.memory_space<vmem>>, %arg15: memref<80x128xf32, #tpu.memory_space<vmem>>, %arg16: memref<32xi32, #tpu.memory_space<vmem>>, %arg17: memref<80xi32, #tpu.memory_space<vmem>>, %arg18: memref<2x64xi32, #tpu.memory_space<vmem>>, %arg19: memref<10240x128xf32, #tpu.memory_space<vmem_shared>>, %arg20: memref<!tpu.dma_semaphore, #tpu.memory_space<semaphore_mem>>, %arg21: memref<!tpu.dma_semaphore, #tpu.memory_space<semaphore_mem>>, %arg22: memref<!tpu.dma_semaphore, #tpu.memory_space<semaphore_mem>>, %arg23: memref<!tpu.dma_semaphore, #tpu.memory_space<semaphore_mem>>) attributes {dimension_semantics = [#tpu.dimension_semantics<core_parallel>, #tpu.dimension_semantics<subcore_parallel>], iteration_bounds = array<i64: 1, 16>, scalar_prefetch = 0 : i64, scratch_operands = 15 : i64, tpu.core_type = #tpu.core_type<sc_vector_subcore>, window_params = [{transform_indices = #map}, {transform_indices = #map}, {transform_indices = #map1}, {transform_indices = #map1}, {transform_indices = #map1}, {transform_indices = #map1}, {transform_indices = #map}]} {
    %mul3A = arith.constant 640 : i32
    %mul3A_0 = arith.muli %arg1, %mul3A : i32
    %mul3A_1 = arith.constant 20480 : i32
    %mul3A_2 = arith.muli %arg1, %mul3A_1 : i32
    "tpu.region"() ({
      %run_scoped3A_37 = tpu.sem_alloc : memref<!tpu.dma_semaphore, #tpu.memory_space<semaphore_mem>>
      tpu.enqueue_dma source(%arg4 : memref<10000xf32, #tpu.memory_space<hbm>>) target(%arg12 : memref<10000xf32, #tpu.memory_space<vmem>>) target_semaphore(%run_scoped3A_37 : memref<!tpu.dma_semaphore, #tpu.memory_space<semaphore_mem>>)
      tpu.wait_dma2 semaphore(%run_scoped3A_37 : memref<!tpu.dma_semaphore, #tpu.memory_space<semaphore_mem>>) src(%arg4 : memref<10000xf32, #tpu.memory_space<hbm>>) dst(%arg12 : memref<10000xf32, #tpu.memory_space<vmem>>)
      tpu.yield
    }) : () -> ()
    %scan3A = arith.constant 0 : i32
    %scan3A_3 = arith.constant 0 : i32
    %scan3A_4 = arith.constant 640 : i32
    %scan3A_5 = arith.addi %scan3A_3, %scan3A_4 : i32
    %scan3A_6 = arith.constant 1 : i32
    scf.for %scan3A_37 = %scan3A_3 to %scan3A_5 step %scan3A_6  : i32 {
      %broadcast_in_dim3A_38 = arith.constant 0.000000e+00 : f32
      %broadcast_in_dim3A_39 = vector.broadcast %broadcast_in_dim3A_38 : f32 to vector<16xf32>
      %shift_right_arithmetic3A = arith.constant 3 : i32
      %shift_right_arithmetic3A_40 = arith.shrsi %scan3A_37, %shift_right_arithmetic3A : i32
      %and3A = arith.constant 7 : i32
      %and3A_41 = arith.andi %scan3A_37, %and3A : i32
      %mul3A_42 = arith.constant 16 : i32
      %mul3A_43 = arith.muli %and3A_41, %mul3A_42 : i32
      %swap3A_44 = arith.index_cast %shift_right_arithmetic3A_40 : i32 to index
      %swap3A_45 = arith.index_cast %mul3A_43 : i32 to index
      %swap3A_46 = tpu.vector_load %arg15[%swap3A_44, %swap3A_45] {strides = array<i32>} : memref<80x128xf32, #tpu.memory_space<vmem>>, vector<16xf32>,
      tpu.vector_store %arg15[%swap3A_44, %swap3A_45], %broadcast_in_dim3A_39 {strides = array<i32>} : memref<80x128xf32, #tpu.memory_space<vmem>>, vector<16xf32>,
    }
    %scan3A_7 = arith.constant 640 : i32
    %scan3A_8 = arith.constant 0 : i32
    %scan3A_9 = arith.constant 0 : i32
    %scan3A_10 = arith.constant 5 : i32
    %scan3A_11 = arith.addi %scan3A_9, %scan3A_10 : i32
    %scan3A_12 = arith.constant 1 : i32
    scf.for %scan3A_37 = %scan3A_9 to %scan3A_11 step %scan3A_12  : i32 {
      %iota3A = tpu.iota {dimensions = array<i32: 0>} : vector<16xi32>
      %mul3A_38 = arith.constant 16 : i32
      %mul3A_39 = arith.muli %scan3A_37, %mul3A_38 : i32
      %add3A = arith.constant 10000 : i32
      %add3A_40 = arith.addi %add3A, %mul3A_39 : i32
      %add3A_41 = vector.broadcast %add3A_40 : i32 to vector<16xi32>
      %add3A_42 = arith.addi %iota3A, %add3A_41 : vector<16xi32>
      %mul3A_43 = arith.constant 16 : i32
      %mul3A_44 = arith.muli %scan3A_37, %mul3A_43 : i32
      %swap3A_45 = arith.index_cast %mul3A_44 : i32 to index
      %swap3A_46 = tpu.vector_load %arg17[%swap3A_45] {strides = array<i32>} : memref<80xi32, #tpu.memory_space<vmem>>, vector<16xi32>,
      tpu.vector_store %arg17[%swap3A_45], %add3A_42 {strides = array<i32>} : memref<80xi32, #tpu.memory_space<vmem>>, vector<16xi32>,
    }
    %scan3A_13 = arith.constant 5 : i32
    %scan3A_14 = arith.constant 0 : i32
    %scan3A_15 = arith.constant 0 : i32
    %scan3A_16 = arith.constant 10 : i32
    %scan3A_17 = arith.addi %scan3A_15, %scan3A_16 : i32
    %scan3A_18 = arith.constant 1 : i32
    scf.for %scan3A_37 = %scan3A_15 to %scan3A_17 step %scan3A_18  : i32 {
      %mul3A_38 = arith.constant 64 : i32
      %mul3A_39 = arith.muli %scan3A_37, %mul3A_38 : i32
      %add3A = arith.addi %mul3A_0, %mul3A_39 : i32
      "tpu.region"() ({
        %run_scoped3A_40 = tpu.sem_alloc : memref<!tpu.dma_semaphore, #tpu.memory_space<semaphore_mem>>
        %dma_start3A = arith.constant 0 : i32
        %dma_start3A_41 = arith.constant 0 : i32
        %dma_start3A_42 = tpu.memref_slice %arg15[%dma_start3A, %dma_start3A_41] : memref<80x128xf32, #tpu.memory_space<vmem>> -> memref<64x128xf32, #tpu.memory_space<vmem>>
        %dma_start3A_43 = arith.constant 0 : i32
        %dma_start3A_44 = tpu.memref_slice %arg19[%add3A, %dma_start3A_43] : memref<10240x128xf32, #tpu.memory_space<vmem_shared>> -> memref<64x128xf32, #tpu.memory_space<vmem_shared>>
        %dma_start3A_45 = arith.constant 0 : i32
        %dma_start3A_46 = tpu.memref_slice %arg19[%add3A, %dma_start3A_45] : memref<10240x128xf32, #tpu.memory_space<vmem_shared>> -> memref<64x128xf32, #tpu.memory_space<vmem_shared>>
        %dma_start3A_47 = arith.constant 0 : i32
        %dma_start3A_48 = arith.constant 0 : i32
        %dma_start3A_49 = tpu.memref_slice %arg15[%dma_start3A_47, %dma_start3A_48] : memref<80x128xf32, #tpu.memory_space<vmem>> -> memref<64x128xf32, #tpu.memory_space<vmem>>
        tpu.enqueue_dma source(%dma_start3A_49 : memref<64x128xf32, #tpu.memory_space<vmem>>) target(%dma_start3A_46 : memref<64x128xf32, #tpu.memory_space<vmem_shared>>) target_semaphore(%run_scoped3A_40 : memref<!tpu.dma_semaphore, #tpu.memory_space<semaphore_mem>>)
        %dma_wait3A = arith.constant 0 : i32
        %dma_wait3A_50 = arith.constant 0 : i32
        %dma_wait3A_51 = tpu.memref_slice %arg15[%dma_wait3A, %dma_wait3A_50] : memref<80x128xf32, #tpu.memory_space<vmem>> -> memref<64x128xf32, #tpu.memory_space<vmem>>
        %dma_wait3A_52 = arith.constant 0 : i32
        %dma_wait3A_53 = tpu.memref_slice %arg19[%add3A, %dma_wait3A_52] : memref<10240x128xf32, #tpu.memory_space<vmem_shared>> -> memref<64x128xf32, #tpu.memory_space<vmem_shared>>
        %dma_wait3A_54 = arith.constant 0 : i32
        %dma_wait3A_55 = tpu.memref_slice %arg19[%add3A, %dma_wait3A_54] : memref<10240x128xf32, #tpu.memory_space<vmem_shared>> -> memref<64x128xf32, #tpu.memory_space<vmem_shared>>
        %dma_wait3A_56 = arith.constant 0 : i32
        %dma_wait3A_57 = arith.constant 0 : i32
        %dma_wait3A_58 = tpu.memref_slice %arg15[%dma_wait3A_56, %dma_wait3A_57] : memref<80x128xf32, #tpu.memory_space<vmem>> -> memref<64x128xf32, #tpu.memory_space<vmem>>
        tpu.wait_dma2 semaphore(%run_scoped3A_40 : memref<!tpu.dma_semaphore, #tpu.memory_space<semaphore_mem>>) src(%dma_wait3A_58 : memref<64x128xf32, #tpu.memory_space<vmem>>) dst(%dma_wait3A_55 : memref<64x128xf32, #tpu.memory_space<vmem_shared>>)
        tpu.yield
      }) : () -> ()
    }
    %scan3A_19 = arith.constant 10 : i32
    %broadcast_in_dim3A = arith.constant -1 : i32
    %broadcast_in_dim3A_20 = vector.broadcast %broadcast_in_dim3A : i32 to vector<16xi32>
    %swap3A = arith.constant 16 : index
    %swap3A_21 = tpu.vector_load %arg16[%swap3A] {strides = array<i32>} : memref<32xi32, #tpu.memory_space<vmem>>, vector<16xi32>,
    tpu.vector_store %arg16[%swap3A], %broadcast_in_dim3A_20 {strides = array<i32>} : memref<32xi32, #tpu.memory_space<vmem>>, vector<16xi32>,
    %barrier3A = arith.constant 0 : index
    tpu.barrier barrier_id(%barrier3A)
    %run_scoped3A = arith.constant 0 : i32
    "tpu.region"() ({
      %run_scoped3A_37 = tpu.sem_alloc : memref<!tpu.dma_semaphore, #tpu.memory_space<semaphore_mem>>
      %dma_start3A = arith.constant 0 : i32
      %dma_start3A_38 = tpu.memref_slice %arg9[%run_scoped3A, %dma_start3A] : memref<2x512xi32, #tpu.memory_space<vmem>> -> memref<1x512xi32, #tpu.memory_space<vmem>>
      %dma_start3A_39 = tpu.memref_squeeze %dma_start3A_38 : memref<1x512xi32, #tpu.memory_space<vmem>> -> memref<512xi32, #tpu.memory_space<vmem>>
      %dma_start3A_40 = tpu.memref_slice %arg6[%mul3A_2] : memref<327680xi32, #tpu.memory_space<hbm>> -> memref<512xi32, #tpu.memory_space<hbm>>
      %dma_start3A_41 = arith.constant 0 : i32
      %dma_start3A_42 = tpu.memref_slice %arg9[%run_scoped3A, %dma_start3A_41] : memref<2x512xi32, #tpu.memory_space<vmem>> -> memref<1x512xi32, #tpu.memory_space<vmem>>
      %dma_start3A_43 = tpu.memref_squeeze %dma_start3A_42 : memref<1x512xi32, #tpu.memory_space<vmem>> -> memref<512xi32, #tpu.memory_space<vmem>>
      %dma_start3A_44 = tpu.memref_slice %arg6[%mul3A_2] : memref<327680xi32, #tpu.memory_space<hbm>> -> memref<512xi32, #tpu.memory_space<hbm>>
      tpu.enqueue_dma source(%dma_start3A_44 : memref<512xi32, #tpu.memory_space<hbm>>) target(%dma_start3A_43 : memref<512xi32, #tpu.memory_space<vmem>>) target_semaphore(%run_scoped3A_37 : memref<!tpu.dma_semaphore, #tpu.memory_space<semaphore_mem>>)
      %dma_wait3A = arith.constant 0 : i32
      %dma_wait3A_45 = tpu.memref_slice %arg9[%run_scoped3A, %dma_wait3A] : memref<2x512xi32, #tpu.memory_space<vmem>> -> memref<1x512xi32, #tpu.memory_space<vmem>>
      %dma_wait3A_46 = tpu.memref_squeeze %dma_wait3A_45 : memref<1x512xi32, #tpu.memory_space<vmem>> -> memref<512xi32, #tpu.memory_space<vmem>>
      %dma_wait3A_47 = tpu.memref_slice %arg6[%mul3A_2] : memref<327680xi32, #tpu.memory_space<hbm>> -> memref<512xi32, #tpu.memory_space<hbm>>
      %dma_wait3A_48 = arith.constant 0 : i32
      %dma_wait3A_49 = tpu.memref_slice %arg9[%run_scoped3A, %dma_wait3A_48] : memref<2x512xi32, #tpu.memory_space<vmem>> -> memref<1x512xi32, #tpu.memory_space<vmem>>
      %dma_wait3A_50 = tpu.memref_squeeze %dma_wait3A_49 : memref<1x512xi32, #tpu.memory_space<vmem>> -> memref<512xi32, #tpu.memory_space<vmem>>
      %dma_wait3A_51 = tpu.memref_slice %arg6[%mul3A_2] : memref<327680xi32, #tpu.memory_space<hbm>> -> memref<512xi32, #tpu.memory_space<hbm>>
      tpu.wait_dma2 semaphore(%run_scoped3A_37 : memref<!tpu.dma_semaphore, #tpu.memory_space<semaphore_mem>>) src(%dma_wait3A_51 : memref<512xi32, #tpu.memory_space<hbm>>) dst(%dma_wait3A_50 : memref<512xi32, #tpu.memory_space<vmem>>)
      tpu.yield
    }) : () -> ()
    %run_scoped3A_22 = arith.constant 0 : i32
    "tpu.region"() ({
      %run_scoped3A_37 = tpu.sem_alloc : memref<!tpu.dma_semaphore, #tpu.memory_space<semaphore_mem>>
      %dma_start3A = arith.constant 0 : i32
      %dma_start3A_38 = tpu.memref_slice %arg10[%run_scoped3A_22, %dma_start3A] : memref<2x512xi32, #tpu.memory_space<vmem>> -> memref<1x512xi32, #tpu.memory_space<vmem>>
      %dma_start3A_39 = tpu.memref_squeeze %dma_start3A_38 : memref<1x512xi32, #tpu.memory_space<vmem>> -> memref<512xi32, #tpu.memory_space<vmem>>
      %dma_start3A_40 = tpu.memref_slice %arg7[%mul3A_2] : memref<327680xi32, #tpu.memory_space<hbm>> -> memref<512xi32, #tpu.memory_space<hbm>>
      %dma_start3A_41 = arith.constant 0 : i32
      %dma_start3A_42 = tpu.memref_slice %arg10[%run_scoped3A_22, %dma_start3A_41] : memref<2x512xi32, #tpu.memory_space<vmem>> -> memref<1x512xi32, #tpu.memory_space<vmem>>
      %dma_start3A_43 = tpu.memref_squeeze %dma_start3A_42 : memref<1x512xi32, #tpu.memory_space<vmem>> -> memref<512xi32, #tpu.memory_space<vmem>>
      %dma_start3A_44 = tpu.memref_slice %arg7[%mul3A_2] : memref<327680xi32, #tpu.memory_space<hbm>> -> memref<512xi32, #tpu.memory_space<hbm>>
      tpu.enqueue_dma source(%dma_start3A_44 : memref<512xi32, #tpu.memory_space<hbm>>) target(%dma_start3A_43 : memref<512xi32, #tpu.memory_space<vmem>>) target_semaphore(%run_scoped3A_37 : memref<!tpu.dma_semaphore, #tpu.memory_space<semaphore_mem>>)
      %dma_wait3A = arith.constant 0 : i32
      %dma_wait3A_45 = tpu.memref_slice %arg10[%run_scoped3A_22, %dma_wait3A] : memref<2x512xi32, #tpu.memory_space<vmem>> -> memref<1x512xi32, #tpu.memory_space<vmem>>
      %dma_wait3A_46 = tpu.memref_squeeze %dma_wait3A_45 : memref<1x512xi32, #tpu.memory_space<vmem>> -> memref<512xi32, #tpu.memory_space<vmem>>
      %dma_wait3A_47 = tpu.memref_slice %arg7[%mul3A_2] : memref<327680xi32, #tpu.memory_space<hbm>> -> memref<512xi32, #tpu.memory_space<hbm>>
      %dma_wait3A_48 = arith.constant 0 : i32
      %dma_wait3A_49 = tpu.memref_slice %arg10[%run_scoped3A_22, %dma_wait3A_48] : memref<2x512xi32, #tpu.memory_space<vmem>> -> memref<1x512xi32, #tpu.memory_space<vmem>>
      %dma_wait3A_50 = tpu.memref_squeeze %dma_wait3A_49 : memref<1x512xi32, #tpu.memory_space<vmem>> -> memref<512xi32, #tpu.memory_space<vmem>>
      %dma_wait3A_51 = tpu.memref_slice %arg7[%mul3A_2] : memref<327680xi32, #tpu.memory_space<hbm>> -> memref<512xi32, #tpu.memory_space<hbm>>
      tpu.wait_dma2 semaphore(%run_scoped3A_37 : memref<!tpu.dma_semaphore, #tpu.memory_space<semaphore_mem>>) src(%dma_wait3A_51 : memref<512xi32, #tpu.memory_space<hbm>>) dst(%dma_wait3A_50 : memref<512xi32, #tpu.memory_space<vmem>>)
      tpu.yield
    }) : () -> ()
    %run_scoped3A_23 = arith.constant 0 : i32
    "tpu.region"() ({
      %run_scoped3A_37 = tpu.sem_alloc : memref<!tpu.dma_semaphore, #tpu.memory_space<semaphore_mem>>
      %dma_start3A = arith.constant 0 : i32
      %dma_start3A_38 = tpu.memref_slice %arg11[%run_scoped3A_23, %dma_start3A] : memref<2x512xf32, #tpu.memory_space<vmem>> -> memref<1x512xf32, #tpu.memory_space<vmem>>
      %dma_start3A_39 = tpu.memref_squeeze %dma_start3A_38 : memref<1x512xf32, #tpu.memory_space<vmem>> -> memref<512xf32, #tpu.memory_space<vmem>>
      %dma_start3A_40 = tpu.memref_slice %arg5[%mul3A_2] : memref<327680xf32, #tpu.memory_space<hbm>> -> memref<512xf32, #tpu.memory_space<hbm>>
      %dma_start3A_41 = arith.constant 0 : i32
      %dma_start3A_42 = tpu.memref_slice %arg11[%run_scoped3A_23, %dma_start3A_41] : memref<2x512xf32, #tpu.memory_space<vmem>> -> memref<1x512xf32, #tpu.memory_space<vmem>>
      %dma_start3A_43 = tpu.memref_squeeze %dma_start3A_42 : memref<1x512xf32, #tpu.memory_space<vmem>> -> memref<512xf32, #tpu.memory_space<vmem>>
      %dma_start3A_44 = tpu.memref_slice %arg5[%mul3A_2] : memref<327680xf32, #tpu.memory_space<hbm>> -> memref<512xf32, #tpu.memory_space<hbm>>
      tpu.enqueue_dma source(%dma_start3A_44 : memref<512xf32, #tpu.memory_space<hbm>>) target(%dma_start3A_43 : memref<512xf32, #tpu.memory_space<vmem>>) target_semaphore(%run_scoped3A_37 : memref<!tpu.dma_semaphore, #tpu.memory_space<semaphore_mem>>)
      %dma_wait3A = arith.constant 0 : i32
      %dma_wait3A_45 = tpu.memref_slice %arg11[%run_scoped3A_23, %dma_wait3A] : memref<2x512xf32, #tpu.memory_space<vmem>> -> memref<1x512xf32, #tpu.memory_space<vmem>>
      %dma_wait3A_46 = tpu.memref_squeeze %dma_wait3A_45 : memref<1x512xf32, #tpu.memory_space<vmem>> -> memref<512xf32, #tpu.memory_space<vmem>>
      %dma_wait3A_47 = tpu.memref_slice %arg5[%mul3A_2] : memref<327680xf32, #tpu.memory_space<hbm>> -> memref<512xf32, #tpu.memory_space<hbm>>
      %dma_wait3A_48 = arith.constant 0 : i32
      %dma_wait3A_49 = tpu.memref_slice %arg11[%run_scoped3A_23, %dma_wait3A_48] : memref<2x512xf32, #tpu.memory_space<vmem>> -> memref<1x512xf32, #tpu.memory_space<vmem>>
      %dma_wait3A_50 = tpu.memref_squeeze %dma_wait3A_49 : memref<1x512xf32, #tpu.memory_space<vmem>> -> memref<512xf32, #tpu.memory_space<vmem>>
      %dma_wait3A_51 = tpu.memref_slice %arg5[%mul3A_2] : memref<327680xf32, #tpu.memory_space<hbm>> -> memref<512xf32, #tpu.memory_space<hbm>>
      tpu.wait_dma2 semaphore(%run_scoped3A_37 : memref<!tpu.dma_semaphore, #tpu.memory_space<semaphore_mem>>) src(%dma_wait3A_51 : memref<512xf32, #tpu.memory_space<hbm>>) dst(%dma_wait3A_50 : memref<512xf32, #tpu.memory_space<vmem>>)
      tpu.yield
    }) : () -> ()
    %scan3A_24 = arith.constant 0 : i32
    %scan3A_25 = arith.constant 0 : i32
    %scan3A_26 = arith.constant 40 : i32
    %scan3A_27 = arith.addi %scan3A_25, %scan3A_26 : i32
    %scan3A_28 = arith.constant 1 : i32
    scf.for %scan3A_37 = %scan3A_25 to %scan3A_27 step %scan3A_28  : i32 {
      %mul3A_38 = arith.constant 512 : i32
      %mul3A_39 = arith.muli %scan3A_37, %mul3A_38 : i32
      %add3A = arith.addi %mul3A_2, %mul3A_39 : i32
      %and3A = arith.constant 1 : i32
      %and3A_40 = arith.andi %scan3A_37, %and3A : i32
      %gt3A = arith.constant 0 : i32
      %gt3A_41 = arith.cmpi sgt, %scan3A_37, %gt3A : i32
      %convert_element_type3A = arith.extui %gt3A_41 : i1 to i32
      %cond3A = arith.constant 0 : i32
      %cond3A_42 = arith.cmpi ne, %convert_element_type3A, %cond3A : i32
      scf.if %cond3A_42 {
        %dma_wait3A_637 = arith.constant 0 : i32
        %dma_wait3A_638 = tpu.memref_slice %arg9[%and3A_40, %dma_wait3A_637] : memref<2x512xi32, #tpu.memory_space<vmem>> -> memref<1x512xi32, #tpu.memory_space<vmem>>
        %dma_wait3A_639 = tpu.memref_squeeze %dma_wait3A_638 : memref<1x512xi32, #tpu.memory_space<vmem>> -> memref<512xi32, #tpu.memory_space<vmem>>
        %dma_wait3A_640 = tpu.memref_slice %arg6[%add3A] : memref<327680xi32, #tpu.memory_space<hbm>> -> memref<512xi32, #tpu.memory_space<hbm>>
        %dma_wait3A_641 = arith.constant 0 : i32
        %dma_wait3A_642 = tpu.memref_slice %arg9[%and3A_40, %dma_wait3A_641] : memref<2x512xi32, #tpu.memory_space<vmem>> -> memref<1x512xi32, #tpu.memory_space<vmem>>
        %dma_wait3A_643 = tpu.memref_squeeze %dma_wait3A_642 : memref<1x512xi32, #tpu.memory_space<vmem>> -> memref<512xi32, #tpu.memory_space<vmem>>
        %dma_wait3A_644 = tpu.memref_slice %arg6[%add3A] : memref<327680xi32, #tpu.memory_space<hbm>> -> memref<512xi32, #tpu.memory_space<hbm>>
        tpu.wait_dma2 semaphore(%arg23 : memref<!tpu.dma_semaphore, #tpu.memory_space<semaphore_mem>>) src(%dma_wait3A_644 : memref<512xi32, #tpu.memory_space<hbm>>) dst(%dma_wait3A_643 : memref<512xi32, #tpu.memory_space<vmem>>)
        %dma_wait3A_645 = arith.constant 0 : i32
        %dma_wait3A_646 = tpu.memref_slice %arg10[%and3A_40, %dma_wait3A_645] : memref<2x512xi32, #tpu.memory_space<vmem>> -> memref<1x512xi32, #tpu.memory_space<vmem>>
        %dma_wait3A_647 = tpu.memref_squeeze %dma_wait3A_646 : memref<1x512xi32, #tpu.memory_space<vmem>> -> memref<512xi32, #tpu.memory_space<vmem>>
        %dma_wait3A_648 = tpu.memref_slice %arg7[%add3A] : memref<327680xi32, #tpu.memory_space<hbm>> -> memref<512xi32, #tpu.memory_space<hbm>>
        %dma_wait3A_649 = arith.constant 0 : i32
        %dma_wait3A_650 = tpu.memref_slice %arg10[%and3A_40, %dma_wait3A_649] : memref<2x512xi32, #tpu.memory_space<vmem>> -> memref<1x512xi32, #tpu.memory_space<vmem>>
        %dma_wait3A_651 = tpu.memref_squeeze %dma_wait3A_650 : memref<1x512xi32, #tpu.memory_space<vmem>> -> memref<512xi32, #tpu.memory_space<vmem>>
        %dma_wait3A_652 = tpu.memref_slice %arg7[%add3A] : memref<327680xi32, #tpu.memory_space<hbm>> -> memref<512xi32, #tpu.memory_space<hbm>>
        tpu.wait_dma2 semaphore(%arg23 : memref<!tpu.dma_semaphore, #tpu.memory_space<semaphore_mem>>) src(%dma_wait3A_652 : memref<512xi32, #tpu.memory_space<hbm>>) dst(%dma_wait3A_651 : memref<512xi32, #tpu.memory_space<vmem>>)
        %dma_wait3A_653 = arith.constant 0 : i32
        %dma_wait3A_654 = tpu.memref_slice %arg11[%and3A_40, %dma_wait3A_653] : memref<2x512xf32, #tpu.memory_space<vmem>> -> memref<1x512xf32, #tpu.memory_space<vmem>>
        %dma_wait3A_655 = tpu.memref_squeeze %dma_wait3A_654 : memref<1x512xf32, #tpu.memory_space<vmem>> -> memref<512xf32, #tpu.memory_space<vmem>>
        %dma_wait3A_656 = tpu.memref_slice %arg5[%add3A] : memref<327680xf32, #tpu.memory_space<hbm>> -> memref<512xf32, #tpu.memory_space<hbm>>
        %dma_wait3A_657 = arith.constant 0 : i32
        %dma_wait3A_658 = tpu.memref_slice %arg11[%and3A_40, %dma_wait3A_657] : memref<2x512xf32, #tpu.memory_space<vmem>> -> memref<1x512xf32, #tpu.memory_space<vmem>>
        %dma_wait3A_659 = tpu.memref_squeeze %dma_wait3A_658 : memref<1x512xf32, #tpu.memory_space<vmem>> -> memref<512xf32, #tpu.memory_space<vmem>>
        %dma_wait3A_660 = tpu.memref_slice %arg5[%add3A] : memref<327680xf32, #tpu.memory_space<hbm>> -> memref<512xf32, #tpu.memory_space<hbm>>
        tpu.wait_dma2 semaphore(%arg23 : memref<!tpu.dma_semaphore, #tpu.memory_space<semaphore_mem>>) src(%dma_wait3A_660 : memref<512xf32, #tpu.memory_space<hbm>>) dst(%dma_wait3A_659 : memref<512xf32, #tpu.memory_space<vmem>>)
      } else {
      }
      %lt3A = arith.constant 39 : i32
      %lt3A_43 = arith.cmpi slt, %scan3A_37, %lt3A : i32
      %convert_element_type3A_44 = arith.extui %lt3A_43 : i1 to i32
      %cond3A_45 = arith.constant 0 : i32
      %cond3A_46 = arith.cmpi ne, %convert_element_type3A_44, %cond3A_45 : i32
      scf.if %cond3A_46 {
        %add3A_637 = arith.constant 512 : i32
        %add3A_638 = arith.addi %add3A, %add3A_637 : i32
        %sub3A = arith.constant 1 : i32
        %sub3A_639 = arith.subi %sub3A, %and3A_40 : i32
        %dma_start3A_640 = arith.constant 0 : i32
        %dma_start3A_641 = tpu.memref_slice %arg9[%sub3A_639, %dma_start3A_640] : memref<2x512xi32, #tpu.memory_space<vmem>> -> memref<1x512xi32, #tpu.memory_space<vmem>>
        %dma_start3A_642 = tpu.memref_squeeze %dma_start3A_641 : memref<1x512xi32, #tpu.memory_space<vmem>> -> memref<512xi32, #tpu.memory_space<vmem>>
        %dma_start3A_643 = tpu.memref_slice %arg6[%add3A_638] : memref<327680xi32, #tpu.memory_space<hbm>> -> memref<512xi32, #tpu.memory_space<hbm>>
        %dma_start3A_644 = arith.constant 0 : i32
        %dma_start3A_645 = tpu.memref_slice %arg9[%sub3A_639, %dma_start3A_644] : memref<2x512xi32, #tpu.memory_space<vmem>> -> memref<1x512xi32, #tpu.memory_space<vmem>>
        %dma_start3A_646 = tpu.memref_squeeze %dma_start3A_645 : memref<1x512xi32, #tpu.memory_space<vmem>> -> memref<512xi32, #tpu.memory_space<vmem>>
        %dma_start3A_647 = tpu.memref_slice %arg6[%add3A_638] : memref<327680xi32, #tpu.memory_space<hbm>> -> memref<512xi32, #tpu.memory_space<hbm>>
        tpu.enqueue_dma source(%dma_start3A_647 : memref<512xi32, #tpu.memory_space<hbm>>) target(%dma_start3A_646 : memref<512xi32, #tpu.memory_space<vmem>>) target_semaphore(%arg23 : memref<!tpu.dma_semaphore, #tpu.memory_space<semaphore_mem>>)
        %add3A_648 = arith.constant 512 : i32
        %add3A_649 = arith.addi %add3A, %add3A_648 : i32
        %sub3A_650 = arith.constant 1 : i32
        %sub3A_651 = arith.subi %sub3A_650, %and3A_40 : i32
        %dma_start3A_652 = arith.constant 0 : i32
        %dma_start3A_653 = tpu.memref_slice %arg10[%sub3A_651, %dma_start3A_652] : memref<2x512xi32, #tpu.memory_space<vmem>> -> memref<1x512xi32, #tpu.memory_space<vmem>>
        %dma_start3A_654 = tpu.memref_squeeze %dma_start3A_653 : memref<1x512xi32, #tpu.memory_space<vmem>> -> memref<512xi32, #tpu.memory_space<vmem>>
        %dma_start3A_655 = tpu.memref_slice %arg7[%add3A_649] : memref<327680xi32, #tpu.memory_space<hbm>> -> memref<512xi32, #tpu.memory_space<hbm>>
        %dma_start3A_656 = arith.constant 0 : i32
        %dma_start3A_657 = tpu.memref_slice %arg10[%sub3A_651, %dma_start3A_656] : memref<2x512xi32, #tpu.memory_space<vmem>> -> memref<1x512xi32, #tpu.memory_space<vmem>>
        %dma_start3A_658 = tpu.memref_squeeze %dma_start3A_657 : memref<1x512xi32, #tpu.memory_space<vmem>> -> memref<512xi32, #tpu.memory_space<vmem>>
        %dma_start3A_659 = tpu.memref_slice %arg7[%add3A_649] : memref<327680xi32, #tpu.memory_space<hbm>> -> memref<512xi32, #tpu.memory_space<hbm>>
        tpu.enqueue_dma source(%dma_start3A_659 : memref<512xi32, #tpu.memory_space<hbm>>) target(%dma_start3A_658 : memref<512xi32, #tpu.memory_space<vmem>>) target_semaphore(%arg23 : memref<!tpu.dma_semaphore, #tpu.memory_space<semaphore_mem>>)
        %add3A_660 = arith.constant 512 : i32
        %add3A_661 = arith.addi %add3A, %add3A_660 : i32
        %sub3A_662 = arith.constant 1 : i32
        %sub3A_663 = arith.subi %sub3A_662, %and3A_40 : i32
        %dma_start3A_664 = arith.constant 0 : i32
        %dma_start3A_665 = tpu.memref_slice %arg11[%sub3A_663, %dma_start3A_664] : memref<2x512xf32, #tpu.memory_space<vmem>> -> memref<1x512xf32, #tpu.memory_space<vmem>>
        %dma_start3A_666 = tpu.memref_squeeze %dma_start3A_665 : memref<1x512xf32, #tpu.memory_space<vmem>> -> memref<512xf32, #tpu.memory_space<vmem>>
        %dma_start3A_667 = tpu.memref_slice %arg5[%add3A_661] : memref<327680xf32, #tpu.memory_space<hbm>> -> memref<512xf32, #tpu.memory_space<hbm>>
        %dma_start3A_668 = arith.constant 0 : i32
        %dma_start3A_669 = tpu.memref_slice %arg11[%sub3A_663, %dma_start3A_668] : memref<2x512xf32, #tpu.memory_space<vmem>> -> memref<1x512xf32, #tpu.memory_space<vmem>>
        %dma_start3A_670 = tpu.memref_squeeze %dma_start3A_669 : memref<1x512xf32, #tpu.memory_space<vmem>> -> memref<512xf32, #tpu.memory_space<vmem>>
        %dma_start3A_671 = tpu.memref_slice %arg5[%add3A_661] : memref<327680xf32, #tpu.memory_space<hbm>> -> memref<512xf32, #tpu.memory_space<hbm>>
        tpu.enqueue_dma source(%dma_start3A_671 : memref<512xf32, #tpu.memory_space<hbm>>) target(%dma_start3A_670 : memref<512xf32, #tpu.memory_space<vmem>>) target_semaphore(%arg23 : memref<!tpu.dma_semaphore, #tpu.memory_space<semaphore_mem>>)
      } else {
      }
      %scan3A_47 = arith.constant 0 : i32
      %scan3A_48 = arith.constant 0 : i32
      %scan3A_49 = arith.constant 4 : i32
      %scan3A_50 = arith.addi %scan3A_48, %scan3A_49 : i32
      %scan3A_51 = arith.constant 1 : i32
      scf.for %scan3A_637 = %scan3A_48 to %scan3A_50 step %scan3A_51  : i32 {
        %mul3A_638 = arith.constant 16 : i32
        %mul3A_639 = arith.muli %scan3A_637, %mul3A_638 : i32
        %add3A_640 = arith.constant 0 : i32
        %add3A_641 = arith.addi %add3A_640, %mul3A_639 : i32
        %get3A = arith.index_cast %and3A_40 : i32 to index
        %get3A_642 = arith.index_cast %add3A_641 : i32 to index
        %get3A_643 = tpu.vector_load %arg10[%get3A, %get3A_642] {strides = array<i32>} : memref<2x512xi32, #tpu.memory_space<vmem>>, vector<16xi32>,
        %mul3A_644 = arith.constant 16 : i32
        %mul3A_645 = arith.muli %scan3A_637, %mul3A_644 : i32
        %swap3A_646 = arith.constant 0 : i32
        %swap3A_647 = arith.index_cast %swap3A_646 : i32 to index
        %swap3A_648 = arith.index_cast %mul3A_645 : i32 to index
        %swap3A_649 = tpu.vector_load %arg18[%swap3A_647, %swap3A_648] {strides = array<i32>} : memref<2x64xi32, #tpu.memory_space<vmem>>, vector<16xi32>,
        tpu.vector_store %arg18[%swap3A_647, %swap3A_648], %get3A_643 {strides = array<i32>} : memref<2x64xi32, #tpu.memory_space<vmem>>, vector<16xi32>,
      }
      %scan3A_52 = arith.constant 4 : i32
      %dma_start3A = arith.constant 0 : i32
      %dma_start3A_53 = arith.constant 0 : i32
      %dma_start3A_54 = arith.constant 0 : i32
      %dma_start3A_55 = tpu.memref_slice %arg13[%dma_start3A, %dma_start3A_53, %dma_start3A_54] : memref<2x64x128xf32, #tpu.memory_space<vmem>> -> memref<1x64x128xf32, #tpu.memory_space<vmem>>
      %dma_start3A_56 = tpu.memref_squeeze %dma_start3A_55 : memref<1x64x128xf32, #tpu.memory_space<vmem>> -> memref<64x128xf32, #tpu.memory_space<vmem>>
      %dma_start3A_57 = arith.constant 0 : i32
      %dma_start3A_58 = tpu.memref_slice %arg9[%and3A_40, %dma_start3A_57] : memref<2x512xi32, #tpu.memory_space<vmem>> -> memref<1x64xi32, #tpu.memory_space<vmem>>
      %dma_start3A_59 = tpu.memref_squeeze %dma_start3A_58 : memref<1x64xi32, #tpu.memory_space<vmem>> -> memref<64xi32, #tpu.memory_space<vmem>>
      %dma_start3A_60 = arith.constant 0 : i32
      %dma_start3A_61 = arith.constant 0 : i32
      %dma_start3A_62 = tpu.memref_slice %arg2[%dma_start3A_60, %dma_start3A_61] : memref<18000x128xf32, #tpu.memory_space<hbm>> -> memref<18000x128xf32, #tpu.memory_space<hbm>>
      tpu.enqueue_indirect_dma source(%dma_start3A_62 : memref<18000x128xf32, #tpu.memory_space<hbm>>) target(%dma_start3A_56 : memref<64x128xf32, #tpu.memory_space<vmem>>) offsets(%dma_start3A_59 : memref<64xi32, #tpu.memory_space<vmem>>) semaphore(%arg21 : memref<!tpu.dma_semaphore, #tpu.memory_space<semaphore_mem>>)
      %dma_wait3A = arith.constant 0 : i32
      %dma_wait3A_63 = arith.constant 0 : i32
      %dma_wait3A_64 = arith.constant 0 : i32
      %dma_wait3A_65 = tpu.memref_slice %arg13[%dma_wait3A, %dma_wait3A_63, %dma_wait3A_64] : memref<2x64x128xf32, #tpu.memory_space<vmem>> -> memref<1x64x128xf32, #tpu.memory_space<vmem>>
      %dma_wait3A_66 = tpu.memref_squeeze %dma_wait3A_65 : memref<1x64x128xf32, #tpu.memory_space<vmem>> -> memref<64x128xf32, #tpu.memory_space<vmem>>
      %dma_wait3A_67 = arith.constant 0 : i32
      %dma_wait3A_68 = tpu.memref_slice %arg9[%and3A_40, %dma_wait3A_67] : memref<2x512xi32, #tpu.memory_space<vmem>> -> memref<1x64xi32, #tpu.memory_space<vmem>>
      %dma_wait3A_69 = tpu.memref_squeeze %dma_wait3A_68 : memref<1x64xi32, #tpu.memory_space<vmem>> -> memref<64xi32, #tpu.memory_space<vmem>>
      %dma_wait3A_70 = arith.constant 0 : i32
      %dma_wait3A_71 = arith.constant 0 : i32
      %dma_wait3A_72 = tpu.memref_slice %arg2[%dma_wait3A_70, %dma_wait3A_71] : memref<18000x128xf32, #tpu.memory_space<hbm>> -> memref<18000x128xf32, #tpu.memory_space<hbm>>
      tpu.wait_indirect_dma semaphore(%arg21 : memref<!tpu.dma_semaphore, #tpu.memory_space<semaphore_mem>>) src(%dma_wait3A_72 : memref<18000x128xf32, #tpu.memory_space<hbm>>) dst(%dma_wait3A_66 : memref<64x128xf32, #tpu.memory_space<vmem>>)
      %scan3A_73 = arith.constant 0 : i32
      %scan3A_74 = arith.constant 0 : i32
      %scan3A_75 = arith.constant 4 : i32
      %scan3A_76 = arith.addi %scan3A_74, %scan3A_75 : i32
      %scan3A_77 = arith.constant 1 : i32
      scf.for %scan3A_637 = %scan3A_74 to %scan3A_76 step %scan3A_77  : i32 {
        %mul3A_638 = arith.constant 16 : i32
        %mul3A_639 = arith.muli %scan3A_637, %mul3A_638 : i32
        %add3A_640 = arith.constant 64 : i32
        %add3A_641 = arith.addi %add3A_640, %mul3A_639 : i32
        %get3A = arith.index_cast %and3A_40 : i32 to index
        %get3A_642 = arith.index_cast %add3A_641 : i32 to index
        %get3A_643 = tpu.vector_load %arg10[%get3A, %get3A_642] {strides = array<i32>} : memref<2x512xi32, #tpu.memory_space<vmem>>, vector<16xi32>,
        %mul3A_644 = arith.constant 16 : i32
        %mul3A_645 = arith.muli %scan3A_637, %mul3A_644 : i32
        %swap3A_646 = arith.constant 1 : i32
        %swap3A_647 = arith.index_cast %swap3A_646 : i32 to index
        %swap3A_648 = arith.index_cast %mul3A_645 : i32 to index
        %swap3A_649 = tpu.vector_load %arg18[%swap3A_647, %swap3A_648] {strides = array<i32>} : memref<2x64xi32, #tpu.memory_space<vmem>>, vector<16xi32>,
        tpu.vector_store %arg18[%swap3A_647, %swap3A_648], %get3A_643 {strides = array<i32>} : memref<2x64xi32, #tpu.memory_space<vmem>>, vector<16xi32>,
      }
      %scan3A_78 = arith.constant 4 : i32
      %dma_start3A_79 = arith.constant 1 : i32
      %dma_start3A_80 = arith.constant 0 : i32
      %dma_start3A_81 = arith.constant 0 : i32
      %dma_start3A_82 = tpu.memref_slice %arg13[%dma_start3A_79, %dma_start3A_80, %dma_start3A_81] : memref<2x64x128xf32, #tpu.memory_space<vmem>> -> memref<1x64x128xf32, #tpu.memory_space<vmem>>
      %dma_start3A_83 = tpu.memref_squeeze %dma_start3A_82 : memref<1x64x128xf32, #tpu.memory_space<vmem>> -> memref<64x128xf32, #tpu.memory_space<vmem>>
      %dma_start3A_84 = arith.constant 64 : i32
      %dma_start3A_85 = tpu.memref_slice %arg9[%and3A_40, %dma_start3A_84] : memref<2x512xi32, #tpu.memory_space<vmem>> -> memref<1x64xi32, #tpu.memory_space<vmem>>
      %dma_start3A_86 = tpu.memref_squeeze %dma_start3A_85 : memref<1x64xi32, #tpu.memory_space<vmem>> -> memref<64xi32, #tpu.memory_space<vmem>>
      %dma_start3A_87 = arith.constant 0 : i32
      %dma_start3A_88 = arith.constant 0 : i32
      %dma_start3A_89 = tpu.memref_slice %arg2[%dma_start3A_87, %dma_start3A_88] : memref<18000x128xf32, #tpu.memory_space<hbm>> -> memref<18000x128xf32, #tpu.memory_space<hbm>>
      tpu.enqueue_indirect_dma source(%dma_start3A_89 : memref<18000x128xf32, #tpu.memory_space<hbm>>) target(%dma_start3A_83 : memref<64x128xf32, #tpu.memory_space<vmem>>) offsets(%dma_start3A_86 : memref<64xi32, #tpu.memory_space<vmem>>) semaphore(%arg21 : memref<!tpu.dma_semaphore, #tpu.memory_space<semaphore_mem>>)
      %add3A_90 = arith.constant 0 : i32
      %add3A_91 = arith.addi %add3A, %add3A_90 : i32
      "tpu.region"() ({
        %run_scoped3A_637 = tpu.sem_alloc : memref<!tpu.dma_semaphore, #tpu.memory_space<semaphore_mem>>
        %dma_start3A_638 = arith.constant 0 : i32
        %dma_start3A_639 = tpu.memref_slice %arg3[%add3A_91, %dma_start3A_638] : memref<327680x128xf32, #tpu.memory_space<hbm>> -> memref<64x128xf32, #tpu.memory_space<hbm>>
        %dma_start3A_640 = arith.constant 0 : i32
        %dma_start3A_641 = tpu.memref_slice %arg3[%add3A_91, %dma_start3A_640] : memref<327680x128xf32, #tpu.memory_space<hbm>> -> memref<64x128xf32, #tpu.memory_space<hbm>>
        tpu.enqueue_dma source(%dma_start3A_641 : memref<64x128xf32, #tpu.memory_space<hbm>>) target(%arg14 : memref<64x128xf32, #tpu.memory_space<vmem>>) target_semaphore(%run_scoped3A_637 : memref<!tpu.dma_semaphore, #tpu.memory_space<semaphore_mem>>)
        %dma_wait3A_642 = arith.constant 0 : i32
        %dma_wait3A_643 = tpu.memref_slice %arg3[%add3A_91, %dma_wait3A_642] : memref<327680x128xf32, #tpu.memory_space<hbm>> -> memref<64x128xf32, #tpu.memory_space<hbm>>
        %dma_wait3A_644 = arith.constant 0 : i32
        %dma_wait3A_645 = tpu.memref_slice %arg3[%add3A_91, %dma_wait3A_644] : memref<327680x128xf32, #tpu.memory_space<hbm>> -> memref<64x128xf32, #tpu.memory_space<hbm>>
        tpu.wait_dma2 semaphore(%run_scoped3A_637 : memref<!tpu.dma_semaphore, #tpu.memory_space<semaphore_mem>>) src(%dma_wait3A_645 : memref<64x128xf32, #tpu.memory_space<hbm>>) dst(%arg14 : memref<64x128xf32, #tpu.memory_space<vmem>>)
        tpu.yield
      }) : () -> ()
      %dma_start3A_92 = arith.constant 0 : i32
      %dma_start3A_93 = arith.constant 0 : i32
      %dma_start3A_94 = arith.constant 0 : i32
      %dma_start3A_95 = arith.constant 0 : i32
      %dma_start3A_96 = tpu.memref_slice %arg13[%dma_start3A_92, %dma_start3A_94, %dma_start3A_95] : memref<2x64x128xf32, #tpu.memory_space<vmem>> -> memref<1x64x128xf32, #tpu.memory_space<vmem>>
      %dma_start3A_97 = tpu.memref_squeeze %dma_start3A_96 : memref<1x64x128xf32, #tpu.memory_space<vmem>> -> memref<64x128xf32, #tpu.memory_space<vmem>>
      %dma_start3A_98 = arith.constant 0 : i32
      %dma_start3A_99 = tpu.memref_slice %arg18[%dma_start3A_93, %dma_start3A_98] : memref<2x64xi32, #tpu.memory_space<vmem>> -> memref<1x64xi32, #tpu.memory_space<vmem>>
      %dma_start3A_100 = tpu.memref_squeeze %dma_start3A_99 : memref<1x64xi32, #tpu.memory_space<vmem>> -> memref<64xi32, #tpu.memory_space<vmem>>
      %dma_start3A_101 = arith.constant 0 : i32
      %dma_start3A_102 = arith.constant 0 : i32
      %dma_start3A_103 = tpu.memref_slice %arg19[%dma_start3A_101, %dma_start3A_102] : memref<10240x128xf32, #tpu.memory_space<vmem_shared>> -> memref<10240x128xf32, #tpu.memory_space<vmem_shared>>
      tpu.enqueue_indirect_dma source(%dma_start3A_97 : memref<64x128xf32, #tpu.memory_space<vmem>>) target(%dma_start3A_103 : memref<10240x128xf32, #tpu.memory_space<vmem_shared>>) offsets(%dma_start3A_100 : memref<64xi32, #tpu.memory_space<vmem>>) semaphore(%arg22 : memref<!tpu.dma_semaphore, #tpu.memory_space<semaphore_mem>>) {add = true}
      %dma_start3A_104 = arith.constant 0 : i32
      %dma_start3A_105 = arith.constant 0 : i32
      %dma_start3A_106 = tpu.memref_slice %arg18[%dma_start3A_104, %dma_start3A_105] : memref<2x64xi32, #tpu.memory_space<vmem>> -> memref<1x64xi32, #tpu.memory_space<vmem>>
      %dma_start3A_107 = tpu.memref_squeeze %dma_start3A_106 : memref<1x64xi32, #tpu.memory_space<vmem>> -> memref<64xi32, #tpu.memory_space<vmem>>
      %dma_start3A_108 = arith.constant 0 : i32
      %dma_start3A_109 = arith.constant 0 : i32
      %dma_start3A_110 = tpu.memref_slice %arg19[%dma_start3A_108, %dma_start3A_109] : memref<10240x128xf32, #tpu.memory_space<vmem_shared>> -> memref<10240x128xf32, #tpu.memory_space<vmem_shared>>
      tpu.enqueue_indirect_dma source(%arg14 : memref<64x128xf32, #tpu.memory_space<vmem>>) target(%dma_start3A_110 : memref<10240x128xf32, #tpu.memory_space<vmem_shared>>) offsets(%dma_start3A_107 : memref<64xi32, #tpu.memory_space<vmem>>) semaphore(%arg22 : memref<!tpu.dma_semaphore, #tpu.memory_space<semaphore_mem>>) {add = true}
      %scan3A_111 = arith.constant 0 : i32
      %scan3A_112 = arith.constant 0 : i32
      %scan3A_113 = arith.constant 4 : i32
      %scan3A_114 = arith.addi %scan3A_112, %scan3A_113 : i32
      %scan3A_115 = arith.constant 1 : i32
      scf.for %scan3A_637 = %scan3A_112 to %scan3A_114 step %scan3A_115  : i32 {
        %mul3A_638 = arith.constant 16 : i32
        %mul3A_639 = arith.muli %scan3A_637, %mul3A_638 : i32
        %add3A_640 = arith.constant 0 : i32
        %add3A_641 = arith.addi %add3A_640, %mul3A_639 : i32
        %get3A = arith.index_cast %and3A_40 : i32 to index
        %get3A_642 = arith.index_cast %add3A_641 : i32 to index
        %get3A_643 = tpu.vector_load %arg10[%get3A, %get3A_642] {strides = array<i32>} : memref<2x512xi32, #tpu.memory_space<vmem>>, vector<16xi32>,
        %mul3A_644 = arith.constant 16 : i32
        %mul3A_645 = arith.muli %scan3A_637, %mul3A_644 : i32
        %add3A_646 = arith.constant 0 : i32
        %add3A_647 = arith.addi %add3A_646, %mul3A_645 : i32
        %get3A_648 = arith.index_cast %and3A_40 : i32 to index
        %get3A_649 = arith.index_cast %add3A_647 : i32 to index
        %get3A_650 = tpu.vector_load %arg9[%get3A_648, %get3A_649] {strides = array<i32>} : memref<2x512xi32, #tpu.memory_space<vmem>>, vector<16xi32>,
        %mul3A_651 = arith.constant 16 : i32
        %mul3A_652 = arith.muli %scan3A_637, %mul3A_651 : i32
        %add3A_653 = arith.constant 0 : i32
        %add3A_654 = arith.addi %add3A_653, %mul3A_652 : i32
        %get3A_655 = arith.index_cast %and3A_40 : i32 to index
        %get3A_656 = arith.index_cast %add3A_654 : i32 to index
        %get3A_657 = tpu.vector_load %arg11[%get3A_655, %get3A_656] {strides = array<i32>} : memref<2x512xf32, #tpu.memory_space<vmem>>, vector<16xf32>,
        %gather3A = tpu.vector_load_idx %arg12[%get3A_650] : memref<10000xf32, #tpu.memory_space<vmem>>[vector<16xi32>], vector<16xf32>,
        %add3A_658 = arith.addf %gather3A, %get3A_657 : vector<16xf32>
        %masked_sort3A = arith.constant dense<true> : vector<16xi1>
        %masked_sort3A_659 = arith.constant -2147483648 : i32
        %masked_sort3A_660 = vector.broadcast %masked_sort3A_659 : i32 to vector<16xi32>
        %masked_sort3A_661 = arith.xori %get3A_643, %masked_sort3A_660 : vector<16xi32>
        %masked_sort3A_662, %masked_sort3A_663, %masked_sort3A_664 = tpu.sort %masked_sort3A_661, %add3A_658 masked %masked_sort3A : (vector<16xi32>, vector<16xf32>, vector<16xi1>) -> (vector<16xi1>, vector<16xi32>, vector<16xf32>)
        %masked_sort3A_665 = arith.xori %masked_sort3A_663, %masked_sort3A_660 : vector<16xi32>
        %broadcast_in_dim3A_666 = arith.constant true
        %broadcast_in_dim3A_667 = vector.broadcast %broadcast_in_dim3A_666 : i1 to vector<16xi1>
        %masked_cumsum3A = tpu.scan <sum>, %masked_sort3A_664 masked %broadcast_in_dim3A_667 : vector<16xf32>, vector<16xi1> -> vector<16xf32>
        %swap3A_668 = arith.constant 0 : index
        %swap3A_669 = tpu.vector_load %arg16[%swap3A_668] {strides = array<i32>} : memref<32xi32, #tpu.memory_space<vmem>>, vector<16xi32>,
        tpu.vector_store %arg16[%swap3A_668], %masked_sort3A_665 {strides = array<i32>} : memref<32xi32, #tpu.memory_space<vmem>>, vector<16xi32>,
        %get3A_670 = arith.constant 1 : index
        %get3A_671 = tpu.vector_load %arg16[%get3A_670] {strides = array<i32>} : memref<32xi32, #tpu.memory_space<vmem>>, vector<16xi32>,
        %ne3A = arith.cmpi ne, %masked_sort3A_665, %get3A_671 : vector<16xi32>
        %max3A = arith.constant 0 : i32
        %max3A_672 = vector.broadcast %max3A : i32 to vector<16xi32>
        %max3A_673 = arith.maxsi %get3A_671, %max3A_672 : vector<16xi32>
        %shift_right_arithmetic3A = arith.constant 7 : i32
        %shift_right_arithmetic3A_674 = vector.broadcast %shift_right_arithmetic3A : i32 to vector<16xi32>
        %shift_right_arithmetic3A_675 = arith.shrsi %masked_sort3A_665, %shift_right_arithmetic3A_674 : vector<16xi32>
        %and3A_676 = arith.constant 127 : i32
        %and3A_677 = vector.broadcast %and3A_676 : i32 to vector<16xi32>
        %and3A_678 = arith.andi %masked_sort3A_665, %and3A_677 : vector<16xi32>
        tpu.vector_store_idx %arg15[%shift_right_arithmetic3A_675, %and3A_678], %masked_cumsum3A masked %ne3A {add = true} : memref<80x128xf32, #tpu.memory_space<vmem>>[vector<16xi32>, vector<16xi32>], vector<16xf32>, vector<16xi1>
        %shift_right_arithmetic3A_679 = arith.constant 7 : i32
        %shift_right_arithmetic3A_680 = vector.broadcast %shift_right_arithmetic3A_679 : i32 to vector<16xi32>
        %shift_right_arithmetic3A_681 = arith.shrsi %max3A_673, %shift_right_arithmetic3A_680 : vector<16xi32>
        %and3A_682 = arith.constant 127 : i32
        %and3A_683 = vector.broadcast %and3A_682 : i32 to vector<16xi32>
        %and3A_684 = arith.andi %max3A_673, %and3A_683 : vector<16xi32>
        %neg3A = arith.constant 0.000000e+00 : f32
        %neg3A_685 = vector.broadcast %neg3A : f32 to vector<16xf32>
        %neg3A_686 = arith.subf %neg3A_685, %masked_cumsum3A : vector<16xf32>
        %ge3A = arith.constant 0 : i32
        %ge3A_687 = vector.broadcast %ge3A : i32 to vector<16xi32>
        %ge3A_688 = arith.cmpi sge, %get3A_671, %ge3A_687 : vector<16xi32>
        %and3A_689 = arith.andi %ne3A, %ge3A_688 : vector<16xi1>
        tpu.vector_store_idx %arg15[%shift_right_arithmetic3A_681, %and3A_684], %neg3A_686 masked %and3A_689 {add = true} : memref<80x128xf32, #tpu.memory_space<vmem>>[vector<16xi32>, vector<16xi32>], vector<16xf32>, vector<16xi1>
      }
      %scan3A_116 = arith.constant 4 : i32
      %dma_wait3A_117 = arith.constant 1 : i32
      %dma_wait3A_118 = arith.constant 0 : i32
      %dma_wait3A_119 = arith.constant 0 : i32
      %dma_wait3A_120 = tpu.memref_slice %arg13[%dma_wait3A_117, %dma_wait3A_118, %dma_wait3A_119] : memref<2x64x128xf32, #tpu.memory_space<vmem>> -> memref<1x64x128xf32, #tpu.memory_space<vmem>>
      %dma_wait3A_121 = tpu.memref_squeeze %dma_wait3A_120 : memref<1x64x128xf32, #tpu.memory_space<vmem>> -> memref<64x128xf32, #tpu.memory_space<vmem>>
      %dma_wait3A_122 = arith.constant 64 : i32
      %dma_wait3A_123 = tpu.memref_slice %arg9[%and3A_40, %dma_wait3A_122] : memref<2x512xi32, #tpu.memory_space<vmem>> -> memref<1x64xi32, #tpu.memory_space<vmem>>
      %dma_wait3A_124 = tpu.memref_squeeze %dma_wait3A_123 : memref<1x64xi32, #tpu.memory_space<vmem>> -> memref<64xi32, #tpu.memory_space<vmem>>
      %dma_wait3A_125 = arith.constant 0 : i32
      %dma_wait3A_126 = arith.constant 0 : i32
      %dma_wait3A_127 = tpu.memref_slice %arg2[%dma_wait3A_125, %dma_wait3A_126] : memref<18000x128xf32, #tpu.memory_space<hbm>> -> memref<18000x128xf32, #tpu.memory_space<hbm>>
      tpu.wait_indirect_dma semaphore(%arg21 : memref<!tpu.dma_semaphore, #tpu.memory_space<semaphore_mem>>) src(%dma_wait3A_127 : memref<18000x128xf32, #tpu.memory_space<hbm>>) dst(%dma_wait3A_121 : memref<64x128xf32, #tpu.memory_space<vmem>>)
      %dma_wait3A_128 = arith.constant 0 : i32
      %dma_wait3A_129 = arith.constant 0 : i32
      %dma_wait3A_130 = arith.constant 0 : i32
      %dma_wait3A_131 = arith.constant 0 : i32
      %dma_wait3A_132 = tpu.memref_slice %arg13[%dma_wait3A_128, %dma_wait3A_130, %dma_wait3A_131] : memref<2x64x128xf32, #tpu.memory_space<vmem>> -> memref<1x64x128xf32, #tpu.memory_space<vmem>>
      %dma_wait3A_133 = tpu.memref_squeeze %dma_wait3A_132 : memref<1x64x128xf32, #tpu.memory_space<vmem>> -> memref<64x128xf32, #tpu.memory_space<vmem>>
      %dma_wait3A_134 = arith.constant 0 : i32
      %dma_wait3A_135 = tpu.memref_slice %arg18[%dma_wait3A_129, %dma_wait3A_134] : memref<2x64xi32, #tpu.memory_space<vmem>> -> memref<1x64xi32, #tpu.memory_space<vmem>>
      %dma_wait3A_136 = tpu.memref_squeeze %dma_wait3A_135 : memref<1x64xi32, #tpu.memory_space<vmem>> -> memref<64xi32, #tpu.memory_space<vmem>>
      %dma_wait3A_137 = arith.constant 0 : i32
      %dma_wait3A_138 = arith.constant 0 : i32
      %dma_wait3A_139 = tpu.memref_slice %arg19[%dma_wait3A_137, %dma_wait3A_138] : memref<10240x128xf32, #tpu.memory_space<vmem_shared>> -> memref<10240x128xf32, #tpu.memory_space<vmem_shared>>
      tpu.wait_indirect_dma semaphore(%arg22 : memref<!tpu.dma_semaphore, #tpu.memory_space<semaphore_mem>>) src(%dma_wait3A_133 : memref<64x128xf32, #tpu.memory_space<vmem>>) dst(%dma_wait3A_139 : memref<10240x128xf32, #tpu.memory_space<vmem_shared>>)
      %dma_wait3A_140 = arith.constant 0 : i32
      %dma_wait3A_141 = arith.constant 0 : i32
      %dma_wait3A_142 = tpu.memref_slice %arg18[%dma_wait3A_140, %dma_wait3A_141] : memref<2x64xi32, #tpu.memory_space<vmem>> -> memref<1x64xi32, #tpu.memory_space<vmem>>
      %dma_wait3A_143 = tpu.memref_squeeze %dma_wait3A_142 : memref<1x64xi32, #tpu.memory_space<vmem>> -> memref<64xi32, #tpu.memory_space<vmem>>
      %dma_wait3A_144 = arith.constant 0 : i32
      %dma_wait3A_145 = arith.constant 0 : i32
      %dma_wait3A_146 = tpu.memref_slice %arg19[%dma_wait3A_144, %dma_wait3A_145] : memref<10240x128xf32, #tpu.memory_space<vmem_shared>> -> memref<10240x128xf32, #tpu.memory_space<vmem_shared>>
      tpu.wait_indirect_dma semaphore(%arg22 : memref<!tpu.dma_semaphore, #tpu.memory_space<semaphore_mem>>) src(%arg14 : memref<64x128xf32, #tpu.memory_space<vmem>>) dst(%dma_wait3A_146 : memref<10240x128xf32, #tpu.memory_space<vmem_shared>>)
      %scan3A_147 = arith.constant 0 : i32
      %scan3A_148 = arith.constant 0 : i32
      %scan3A_149 = arith.constant 4 : i32
      %scan3A_150 = arith.addi %scan3A_148, %scan3A_149 : i32
      %scan3A_151 = arith.constant 1 : i32
      scf.for %scan3A_637 = %scan3A_148 to %scan3A_150 step %scan3A_151  : i32 {
        %mul3A_638 = arith.constant 16 : i32
        %mul3A_639 = arith.muli %scan3A_637, %mul3A_638 : i32
        %add3A_640 = arith.constant 128 : i32
        %add3A_641 = arith.addi %add3A_640, %mul3A_639 : i32
        %get3A = arith.index_cast %and3A_40 : i32 to index
        %get3A_642 = arith.index_cast %add3A_641 : i32 to index
        %get3A_643 = tpu.vector_load %arg10[%get3A, %get3A_642] {strides = array<i32>} : memref<2x512xi32, #tpu.memory_space<vmem>>, vector<16xi32>,
        %mul3A_644 = arith.constant 16 : i32
        %mul3A_645 = arith.muli %scan3A_637, %mul3A_644 : i32
        %swap3A_646 = arith.constant 0 : i32
        %swap3A_647 = arith.index_cast %swap3A_646 : i32 to index
        %swap3A_648 = arith.index_cast %mul3A_645 : i32 to index
        %swap3A_649 = tpu.vector_load %arg18[%swap3A_647, %swap3A_648] {strides = array<i32>} : memref<2x64xi32, #tpu.memory_space<vmem>>, vector<16xi32>,
        tpu.vector_store %arg18[%swap3A_647, %swap3A_648], %get3A_643 {strides = array<i32>} : memref<2x64xi32, #tpu.memory_space<vmem>>, vector<16xi32>,
      }
      %scan3A_152 = arith.constant 4 : i32
      %dma_start3A_153 = arith.constant 0 : i32
      %dma_start3A_154 = arith.constant 0 : i32
      %dma_start3A_155 = arith.constant 0 : i32
      %dma_start3A_156 = tpu.memref_slice %arg13[%dma_start3A_153, %dma_start3A_154, %dma_start3A_155] : memref<2x64x128xf32, #tpu.memory_space<vmem>> -> memref<1x64x128xf32, #tpu.memory_space<vmem>>
      %dma_start3A_157 = tpu.memref_squeeze %dma_start3A_156 : memref<1x64x128xf32, #tpu.memory_space<vmem>> -> memref<64x128xf32, #tpu.memory_space<vmem>>
      %dma_start3A_158 = arith.constant 128 : i32
      %dma_start3A_159 = tpu.memref_slice %arg9[%and3A_40, %dma_start3A_158] : memref<2x512xi32, #tpu.memory_space<vmem>> -> memref<1x64xi32, #tpu.memory_space<vmem>>
      %dma_start3A_160 = tpu.memref_squeeze %dma_start3A_159 : memref<1x64xi32, #tpu.memory_space<vmem>> -> memref<64xi32, #tpu.memory_space<vmem>>
      %dma_start3A_161 = arith.constant 0 : i32
      %dma_start3A_162 = arith.constant 0 : i32
      %dma_start3A_163 = tpu.memref_slice %arg2[%dma_start3A_161, %dma_start3A_162] : memref<18000x128xf32, #tpu.memory_space<hbm>> -> memref<18000x128xf32, #tpu.memory_space<hbm>>
      tpu.enqueue_indirect_dma source(%dma_start3A_163 : memref<18000x128xf32, #tpu.memory_space<hbm>>) target(%dma_start3A_157 : memref<64x128xf32, #tpu.memory_space<vmem>>) offsets(%dma_start3A_160 : memref<64xi32, #tpu.memory_space<vmem>>) semaphore(%arg21 : memref<!tpu.dma_semaphore, #tpu.memory_space<semaphore_mem>>)
      %add3A_164 = arith.constant 64 : i32
      %add3A_165 = arith.addi %add3A, %add3A_164 : i32
      "tpu.region"() ({
        %run_scoped3A_637 = tpu.sem_alloc : memref<!tpu.dma_semaphore, #tpu.memory_space<semaphore_mem>>
        %dma_start3A_638 = arith.constant 0 : i32
        %dma_start3A_639 = tpu.memref_slice %arg3[%add3A_165, %dma_start3A_638] : memref<327680x128xf32, #tpu.memory_space<hbm>> -> memref<64x128xf32, #tpu.memory_space<hbm>>
        %dma_start3A_640 = arith.constant 0 : i32
        %dma_start3A_641 = tpu.memref_slice %arg3[%add3A_165, %dma_start3A_640] : memref<327680x128xf32, #tpu.memory_space<hbm>> -> memref<64x128xf32, #tpu.memory_space<hbm>>
        tpu.enqueue_dma source(%dma_start3A_641 : memref<64x128xf32, #tpu.memory_space<hbm>>) target(%arg14 : memref<64x128xf32, #tpu.memory_space<vmem>>) target_semaphore(%run_scoped3A_637 : memref<!tpu.dma_semaphore, #tpu.memory_space<semaphore_mem>>)
        %dma_wait3A_642 = arith.constant 0 : i32
        %dma_wait3A_643 = tpu.memref_slice %arg3[%add3A_165, %dma_wait3A_642] : memref<327680x128xf32, #tpu.memory_space<hbm>> -> memref<64x128xf32, #tpu.memory_space<hbm>>
        %dma_wait3A_644 = arith.constant 0 : i32
        %dma_wait3A_645 = tpu.memref_slice %arg3[%add3A_165, %dma_wait3A_644] : memref<327680x128xf32, #tpu.memory_space<hbm>> -> memref<64x128xf32, #tpu.memory_space<hbm>>
        tpu.wait_dma2 semaphore(%run_scoped3A_637 : memref<!tpu.dma_semaphore, #tpu.memory_space<semaphore_mem>>) src(%dma_wait3A_645 : memref<64x128xf32, #tpu.memory_space<hbm>>) dst(%arg14 : memref<64x128xf32, #tpu.memory_space<vmem>>)
        tpu.yield
      }) : () -> ()
      %dma_start3A_166 = arith.constant 1 : i32
      %dma_start3A_167 = arith.constant 1 : i32
      %dma_start3A_168 = arith.constant 0 : i32
      %dma_start3A_169 = arith.constant 0 : i32
      %dma_start3A_170 = tpu.memref_slice %arg13[%dma_start3A_166, %dma_start3A_168, %dma_start3A_169] : memref<2x64x128xf32, #tpu.memory_space<vmem>> -> memref<1x64x128xf32, #tpu.memory_space<vmem>>
      %dma_start3A_171 = tpu.memref_squeeze %dma_start3A_170 : memref<1x64x128xf32, #tpu.memory_space<vmem>> -> memref<64x128xf32, #tpu.memory_space<vmem>>
      %dma_start3A_172 = arith.constant 0 : i32
      %dma_start3A_173 = tpu.memref_slice %arg18[%dma_start3A_167, %dma_start3A_172] : memref<2x64xi32, #tpu.memory_space<vmem>> -> memref<1x64xi32, #tpu.memory_space<vmem>>
      %dma_start3A_174 = tpu.memref_squeeze %dma_start3A_173 : memref<1x64xi32, #tpu.memory_space<vmem>> -> memref<64xi32, #tpu.memory_space<vmem>>
      %dma_start3A_175 = arith.constant 0 : i32
      %dma_start3A_176 = arith.constant 0 : i32
      %dma_start3A_177 = tpu.memref_slice %arg19[%dma_start3A_175, %dma_start3A_176] : memref<10240x128xf32, #tpu.memory_space<vmem_shared>> -> memref<10240x128xf32, #tpu.memory_space<vmem_shared>>
      tpu.enqueue_indirect_dma source(%dma_start3A_171 : memref<64x128xf32, #tpu.memory_space<vmem>>) target(%dma_start3A_177 : memref<10240x128xf32, #tpu.memory_space<vmem_shared>>) offsets(%dma_start3A_174 : memref<64xi32, #tpu.memory_space<vmem>>) semaphore(%arg22 : memref<!tpu.dma_semaphore, #tpu.memory_space<semaphore_mem>>) {add = true}
      %dma_start3A_178 = arith.constant 1 : i32
      %dma_start3A_179 = arith.constant 0 : i32
      %dma_start3A_180 = tpu.memref_slice %arg18[%dma_start3A_178, %dma_start3A_179] : memref<2x64xi32, #tpu.memory_space<vmem>> -> memref<1x64xi32, #tpu.memory_space<vmem>>
      %dma_start3A_181 = tpu.memref_squeeze %dma_start3A_180 : memref<1x64xi32, #tpu.memory_space<vmem>> -> memref<64xi32, #tpu.memory_space<vmem>>
      %dma_start3A_182 = arith.constant 0 : i32
      %dma_start3A_183 = arith.constant 0 : i32
      %dma_start3A_184 = tpu.memref_slice %arg19[%dma_start3A_182, %dma_start3A_183] : memref<10240x128xf32, #tpu.memory_space<vmem_shared>> -> memref<10240x128xf32, #tpu.memory_space<vmem_shared>>
      tpu.enqueue_indirect_dma source(%arg14 : memref<64x128xf32, #tpu.memory_space<vmem>>) target(%dma_start3A_184 : memref<10240x128xf32, #tpu.memory_space<vmem_shared>>) offsets(%dma_start3A_181 : memref<64xi32, #tpu.memory_space<vmem>>) semaphore(%arg22 : memref<!tpu.dma_semaphore, #tpu.memory_space<semaphore_mem>>) {add = true}
      %scan3A_185 = arith.constant 0 : i32
      %scan3A_186 = arith.constant 0 : i32
      %scan3A_187 = arith.constant 4 : i32
      %scan3A_188 = arith.addi %scan3A_186, %scan3A_187 : i32
      %scan3A_189 = arith.constant 1 : i32
      scf.for %scan3A_637 = %scan3A_186 to %scan3A_188 step %scan3A_189  : i32 {
        %mul3A_638 = arith.constant 16 : i32
        %mul3A_639 = arith.muli %scan3A_637, %mul3A_638 : i32
        %add3A_640 = arith.constant 64 : i32
        %add3A_641 = arith.addi %add3A_640, %mul3A_639 : i32
        %get3A = arith.index_cast %and3A_40 : i32 to index
        %get3A_642 = arith.index_cast %add3A_641 : i32 to index
        %get3A_643 = tpu.vector_load %arg10[%get3A, %get3A_642] {strides = array<i32>} : memref<2x512xi32, #tpu.memory_space<vmem>>, vector<16xi32>,
        %mul3A_644 = arith.constant 16 : i32
        %mul3A_645 = arith.muli %scan3A_637, %mul3A_644 : i32
        %add3A_646 = arith.constant 64 : i32
        %add3A_647 = arith.addi %add3A_646, %mul3A_645 : i32
        %get3A_648 = arith.index_cast %and3A_40 : i32 to index
        %get3A_649 = arith.index_cast %add3A_647 : i32 to index
        %get3A_650 = tpu.vector_load %arg9[%get3A_648, %get3A_649] {strides = array<i32>} : memref<2x512xi32, #tpu.memory_space<vmem>>, vector<16xi32>,
        %mul3A_651 = arith.constant 16 : i32
        %mul3A_652 = arith.muli %scan3A_637, %mul3A_651 : i32
        %add3A_653 = arith.constant 64 : i32
        %add3A_654 = arith.addi %add3A_653, %mul3A_652 : i32
        %get3A_655 = arith.index_cast %and3A_40 : i32 to index
        %get3A_656 = arith.index_cast %add3A_654 : i32 to index
        %get3A_657 = tpu.vector_load %arg11[%get3A_655, %get3A_656] {strides = array<i32>} : memref<2x512xf32, #tpu.memory_space<vmem>>, vector<16xf32>,
        %gather3A = tpu.vector_load_idx %arg12[%get3A_650] : memref<10000xf32, #tpu.memory_space<vmem>>[vector<16xi32>], vector<16xf32>,
        %add3A_658 = arith.addf %gather3A, %get3A_657 : vector<16xf32>
        %masked_sort3A = arith.constant dense<true> : vector<16xi1>
        %masked_sort3A_659 = arith.constant -2147483648 : i32
        %masked_sort3A_660 = vector.broadcast %masked_sort3A_659 : i32 to vector<16xi32>
        %masked_sort3A_661 = arith.xori %get3A_643, %masked_sort3A_660 : vector<16xi32>
        %masked_sort3A_662, %masked_sort3A_663, %masked_sort3A_664 = tpu.sort %masked_sort3A_661, %add3A_658 masked %masked_sort3A : (vector<16xi32>, vector<16xf32>, vector<16xi1>) -> (vector<16xi1>, vector<16xi32>, vector<16xf32>)
        %masked_sort3A_665 = arith.xori %masked_sort3A_663, %masked_sort3A_660 : vector<16xi32>
        %broadcast_in_dim3A_666 = arith.constant true
        %broadcast_in_dim3A_667 = vector.broadcast %broadcast_in_dim3A_666 : i1 to vector<16xi1>
        %masked_cumsum3A = tpu.scan <sum>, %masked_sort3A_664 masked %broadcast_in_dim3A_667 : vector<16xf32>, vector<16xi1> -> vector<16xf32>
        %swap3A_668 = arith.constant 0 : index
        %swap3A_669 = tpu.vector_load %arg16[%swap3A_668] {strides = array<i32>} : memref<32xi32, #tpu.memory_space<vmem>>, vector<16xi32>,
        tpu.vector_store %arg16[%swap3A_668], %masked_sort3A_665 {strides = array<i32>} : memref<32xi32, #tpu.memory_space<vmem>>, vector<16xi32>,
        %get3A_670 = arith.constant 1 : index
        %get3A_671 = tpu.vector_load %arg16[%get3A_670] {strides = array<i32>} : memref<32xi32, #tpu.memory_space<vmem>>, vector<16xi32>,
        %ne3A = arith.cmpi ne, %masked_sort3A_665, %get3A_671 : vector<16xi32>
        %max3A = arith.constant 0 : i32
        %max3A_672 = vector.broadcast %max3A : i32 to vector<16xi32>
        %max3A_673 = arith.maxsi %get3A_671, %max3A_672 : vector<16xi32>
        %shift_right_arithmetic3A = arith.constant 7 : i32
        %shift_right_arithmetic3A_674 = vector.broadcast %shift_right_arithmetic3A : i32 to vector<16xi32>
        %shift_right_arithmetic3A_675 = arith.shrsi %masked_sort3A_665, %shift_right_arithmetic3A_674 : vector<16xi32>
        %and3A_676 = arith.constant 127 : i32
        %and3A_677 = vector.broadcast %and3A_676 : i32 to vector<16xi32>
        %and3A_678 = arith.andi %masked_sort3A_665, %and3A_677 : vector<16xi32>
        tpu.vector_store_idx %arg15[%shift_right_arithmetic3A_675, %and3A_678], %masked_cumsum3A masked %ne3A {add = true} : memref<80x128xf32, #tpu.memory_space<vmem>>[vector<16xi32>, vector<16xi32>], vector<16xf32>, vector<16xi1>
        %shift_right_arithmetic3A_679 = arith.constant 7 : i32
        %shift_right_arithmetic3A_680 = vector.broadcast %shift_right_arithmetic3A_679 : i32 to vector<16xi32>
        %shift_right_arithmetic3A_681 = arith.shrsi %max3A_673, %shift_right_arithmetic3A_680 : vector<16xi32>
        %and3A_682 = arith.constant 127 : i32
        %and3A_683 = vector.broadcast %and3A_682 : i32 to vector<16xi32>
        %and3A_684 = arith.andi %max3A_673, %and3A_683 : vector<16xi32>
        %neg3A = arith.constant 0.000000e+00 : f32
        %neg3A_685 = vector.broadcast %neg3A : f32 to vector<16xf32>
        %neg3A_686 = arith.subf %neg3A_685, %masked_cumsum3A : vector<16xf32>
        %ge3A = arith.constant 0 : i32
        %ge3A_687 = vector.broadcast %ge3A : i32 to vector<16xi32>
        %ge3A_688 = arith.cmpi sge, %get3A_671, %ge3A_687 : vector<16xi32>
        %and3A_689 = arith.andi %ne3A, %ge3A_688 : vector<16xi1>
        tpu.vector_store_idx %arg15[%shift_right_arithmetic3A_681, %and3A_684], %neg3A_686 masked %and3A_689 {add = true} : memref<80x128xf32, #tpu.memory_space<vmem>>[vector<16xi32>, vector<16xi32>], vector<16xf32>, vector<16xi1>
      }
      %scan3A_190 = arith.constant 4 : i32
      %dma_wait3A_191 = arith.constant 0 : i32
      %dma_wait3A_192 = arith.constant 0 : i32
      %dma_wait3A_193 = arith.constant 0 : i32
      %dma_wait3A_194 = tpu.memref_slice %arg13[%dma_wait3A_191, %dma_wait3A_192, %dma_wait3A_193] : memref<2x64x128xf32, #tpu.memory_space<vmem>> -> memref<1x64x128xf32, #tpu.memory_space<vmem>>
      %dma_wait3A_195 = tpu.memref_squeeze %dma_wait3A_194 : memref<1x64x128xf32, #tpu.memory_space<vmem>> -> memref<64x128xf32, #tpu.memory_space<vmem>>
      %dma_wait3A_196 = arith.constant 128 : i32
      %dma_wait3A_197 = tpu.memref_slice %arg9[%and3A_40, %dma_wait3A_196] : memref<2x512xi32, #tpu.memory_space<vmem>> -> memref<1x64xi32, #tpu.memory_space<vmem>>
      %dma_wait3A_198 = tpu.memref_squeeze %dma_wait3A_197 : memref<1x64xi32, #tpu.memory_space<vmem>> -> memref<64xi32, #tpu.memory_space<vmem>>
      %dma_wait3A_199 = arith.constant 0 : i32
      %dma_wait3A_200 = arith.constant 0 : i32
      %dma_wait3A_201 = tpu.memref_slice %arg2[%dma_wait3A_199, %dma_wait3A_200] : memref<18000x128xf32, #tpu.memory_space<hbm>> -> memref<18000x128xf32, #tpu.memory_space<hbm>>
      tpu.wait_indirect_dma semaphore(%arg21 : memref<!tpu.dma_semaphore, #tpu.memory_space<semaphore_mem>>) src(%dma_wait3A_201 : memref<18000x128xf32, #tpu.memory_space<hbm>>) dst(%dma_wait3A_195 : memref<64x128xf32, #tpu.memory_space<vmem>>)
      %dma_wait3A_202 = arith.constant 1 : i32
      %dma_wait3A_203 = arith.constant 1 : i32
      %dma_wait3A_204 = arith.constant 0 : i32
      %dma_wait3A_205 = arith.constant 0 : i32
      %dma_wait3A_206 = tpu.memref_slice %arg13[%dma_wait3A_202, %dma_wait3A_204, %dma_wait3A_205] : memref<2x64x128xf32, #tpu.memory_space<vmem>> -> memref<1x64x128xf32, #tpu.memory_space<vmem>>
      %dma_wait3A_207 = tpu.memref_squeeze %dma_wait3A_206 : memref<1x64x128xf32, #tpu.memory_space<vmem>> -> memref<64x128xf32, #tpu.memory_space<vmem>>
      %dma_wait3A_208 = arith.constant 0 : i32
      %dma_wait3A_209 = tpu.memref_slice %arg18[%dma_wait3A_203, %dma_wait3A_208] : memref<2x64xi32, #tpu.memory_space<vmem>> -> memref<1x64xi32, #tpu.memory_space<vmem>>
      %dma_wait3A_210 = tpu.memref_squeeze %dma_wait3A_209 : memref<1x64xi32, #tpu.memory_space<vmem>> -> memref<64xi32, #tpu.memory_space<vmem>>
      %dma_wait3A_211 = arith.constant 0 : i32
      %dma_wait3A_212 = arith.constant 0 : i32
      %dma_wait3A_213 = tpu.memref_slice %arg19[%dma_wait3A_211, %dma_wait3A_212] : memref<10240x128xf32, #tpu.memory_space<vmem_shared>> -> memref<10240x128xf32, #tpu.memory_space<vmem_shared>>
      tpu.wait_indirect_dma semaphore(%arg22 : memref<!tpu.dma_semaphore, #tpu.memory_space<semaphore_mem>>) src(%dma_wait3A_207 : memref<64x128xf32, #tpu.memory_space<vmem>>) dst(%dma_wait3A_213 : memref<10240x128xf32, #tpu.memory_space<vmem_shared>>)
      %dma_wait3A_214 = arith.constant 1 : i32
      %dma_wait3A_215 = arith.constant 0 : i32
      %dma_wait3A_216 = tpu.memref_slice %arg18[%dma_wait3A_214, %dma_wait3A_215] : memref<2x64xi32, #tpu.memory_space<vmem>> -> memref<1x64xi32, #tpu.memory_space<vmem>>
      %dma_wait3A_217 = tpu.memref_squeeze %dma_wait3A_216 : memref<1x64xi32, #tpu.memory_space<vmem>> -> memref<64xi32, #tpu.memory_space<vmem>>
      %dma_wait3A_218 = arith.constant 0 : i32
      %dma_wait3A_219 = arith.constant 0 : i32
      %dma_wait3A_220 = tpu.memref_slice %arg19[%dma_wait3A_218, %dma_wait3A_219] : memref<10240x128xf32, #tpu.memory_space<vmem_shared>> -> memref<10240x128xf32, #tpu.memory_space<vmem_shared>>
      tpu.wait_indirect_dma semaphore(%arg22 : memref<!tpu.dma_semaphore, #tpu.memory_space<semaphore_mem>>) src(%arg14 : memref<64x128xf32, #tpu.memory_space<vmem>>) dst(%dma_wait3A_220 : memref<10240x128xf32, #tpu.memory_space<vmem_shared>>)
      %scan3A_221 = arith.constant 0 : i32
      %scan3A_222 = arith.constant 0 : i32
      %scan3A_223 = arith.constant 4 : i32
      %scan3A_224 = arith.addi %scan3A_222, %scan3A_223 : i32
      %scan3A_225 = arith.constant 1 : i32
      scf.for %scan3A_637 = %scan3A_222 to %scan3A_224 step %scan3A_225  : i32 {
        %mul3A_638 = arith.constant 16 : i32
        %mul3A_639 = arith.muli %scan3A_637, %mul3A_638 : i32
        %add3A_640 = arith.constant 192 : i32
        %add3A_641 = arith.addi %add3A_640, %mul3A_639 : i32
        %get3A = arith.index_cast %and3A_40 : i32 to index
        %get3A_642 = arith.index_cast %add3A_641 : i32 to index
        %get3A_643 = tpu.vector_load %arg10[%get3A, %get3A_642] {strides = array<i32>} : memref<2x512xi32, #tpu.memory_space<vmem>>, vector<16xi32>,
        %mul3A_644 = arith.constant 16 : i32
        %mul3A_645 = arith.muli %scan3A_637, %mul3A_644 : i32
        %swap3A_646 = arith.constant 1 : i32
        %swap3A_647 = arith.index_cast %swap3A_646 : i32 to index
        %swap3A_648 = arith.index_cast %mul3A_645 : i32 to index
        %swap3A_649 = tpu.vector_load %arg18[%swap3A_647, %swap3A_648] {strides = array<i32>} : memref<2x64xi32, #tpu.memory_space<vmem>>, vector<16xi32>,
        tpu.vector_store %arg18[%swap3A_647, %swap3A_648], %get3A_643 {strides = array<i32>} : memref<2x64xi32, #tpu.memory_space<vmem>>, vector<16xi32>,
      }
      %scan3A_226 = arith.constant 4 : i32
      %dma_start3A_227 = arith.constant 1 : i32
      %dma_start3A_228 = arith.constant 0 : i32
      %dma_start3A_229 = arith.constant 0 : i32
      %dma_start3A_230 = tpu.memref_slice %arg13[%dma_start3A_227, %dma_start3A_228, %dma_start3A_229] : memref<2x64x128xf32, #tpu.memory_space<vmem>> -> memref<1x64x128xf32, #tpu.memory_space<vmem>>
      %dma_start3A_231 = tpu.memref_squeeze %dma_start3A_230 : memref<1x64x128xf32, #tpu.memory_space<vmem>> -> memref<64x128xf32, #tpu.memory_space<vmem>>
      %dma_start3A_232 = arith.constant 192 : i32
      %dma_start3A_233 = tpu.memref_slice %arg9[%and3A_40, %dma_start3A_232] : memref<2x512xi32, #tpu.memory_space<vmem>> -> memref<1x64xi32, #tpu.memory_space<vmem>>
      %dma_start3A_234 = tpu.memref_squeeze %dma_start3A_233 : memref<1x64xi32, #tpu.memory_space<vmem>> -> memref<64xi32, #tpu.memory_space<vmem>>
      %dma_start3A_235 = arith.constant 0 : i32
      %dma_start3A_236 = arith.constant 0 : i32
      %dma_start3A_237 = tpu.memref_slice %arg2[%dma_start3A_235, %dma_start3A_236] : memref<18000x128xf32, #tpu.memory_space<hbm>> -> memref<18000x128xf32, #tpu.memory_space<hbm>>
      tpu.enqueue_indirect_dma source(%dma_start3A_237 : memref<18000x128xf32, #tpu.memory_space<hbm>>) target(%dma_start3A_231 : memref<64x128xf32, #tpu.memory_space<vmem>>) offsets(%dma_start3A_234 : memref<64xi32, #tpu.memory_space<vmem>>) semaphore(%arg21 : memref<!tpu.dma_semaphore, #tpu.memory_space<semaphore_mem>>)
      %add3A_238 = arith.constant 128 : i32
      %add3A_239 = arith.addi %add3A, %add3A_238 : i32
      "tpu.region"() ({
        %run_scoped3A_637 = tpu.sem_alloc : memref<!tpu.dma_semaphore, #tpu.memory_space<semaphore_mem>>
        %dma_start3A_638 = arith.constant 0 : i32
        %dma_start3A_639 = tpu.memref_slice %arg3[%add3A_239, %dma_start3A_638] : memref<327680x128xf32, #tpu.memory_space<hbm>> -> memref<64x128xf32, #tpu.memory_space<hbm>>
        %dma_start3A_640 = arith.constant 0 : i32
        %dma_start3A_641 = tpu.memref_slice %arg3[%add3A_239, %dma_start3A_640] : memref<327680x128xf32, #tpu.memory_space<hbm>> -> memref<64x128xf32, #tpu.memory_space<hbm>>
        tpu.enqueue_dma source(%dma_start3A_641 : memref<64x128xf32, #tpu.memory_space<hbm>>) target(%arg14 : memref<64x128xf32, #tpu.memory_space<vmem>>) target_semaphore(%run_scoped3A_637 : memref<!tpu.dma_semaphore, #tpu.memory_space<semaphore_mem>>)
        %dma_wait3A_642 = arith.constant 0 : i32
        %dma_wait3A_643 = tpu.memref_slice %arg3[%add3A_239, %dma_wait3A_642] : memref<327680x128xf32, #tpu.memory_space<hbm>> -> memref<64x128xf32, #tpu.memory_space<hbm>>
        %dma_wait3A_644 = arith.constant 0 : i32
        %dma_wait3A_645 = tpu.memref_slice %arg3[%add3A_239, %dma_wait3A_644] : memref<327680x128xf32, #tpu.memory_space<hbm>> -> memref<64x128xf32, #tpu.memory_space<hbm>>
        tpu.wait_dma2 semaphore(%run_scoped3A_637 : memref<!tpu.dma_semaphore, #tpu.memory_space<semaphore_mem>>) src(%dma_wait3A_645 : memref<64x128xf32, #tpu.memory_space<hbm>>) dst(%arg14 : memref<64x128xf32, #tpu.memory_space<vmem>>)
        tpu.yield
      }) : () -> ()
      %dma_start3A_240 = arith.constant 0 : i32
      %dma_start3A_241 = arith.constant 0 : i32
      %dma_start3A_242 = arith.constant 0 : i32
      %dma_start3A_243 = arith.constant 0 : i32
      %dma_start3A_244 = tpu.memref_slice %arg13[%dma_start3A_240, %dma_start3A_242, %dma_start3A_243] : memref<2x64x128xf32, #tpu.memory_space<vmem>> -> memref<1x64x128xf32, #tpu.memory_space<vmem>>
      %dma_start3A_245 = tpu.memref_squeeze %dma_start3A_244 : memref<1x64x128xf32, #tpu.memory_space<vmem>> -> memref<64x128xf32, #tpu.memory_space<vmem>>
      %dma_start3A_246 = arith.constant 0 : i32
      %dma_start3A_247 = tpu.memref_slice %arg18[%dma_start3A_241, %dma_start3A_246] : memref<2x64xi32, #tpu.memory_space<vmem>> -> memref<1x64xi32, #tpu.memory_space<vmem>>
      %dma_start3A_248 = tpu.memref_squeeze %dma_start3A_247 : memref<1x64xi32, #tpu.memory_space<vmem>> -> memref<64xi32, #tpu.memory_space<vmem>>
      %dma_start3A_249 = arith.constant 0 : i32
      %dma_start3A_250 = arith.constant 0 : i32
      %dma_start3A_251 = tpu.memref_slice %arg19[%dma_start3A_249, %dma_start3A_250] : memref<10240x128xf32, #tpu.memory_space<vmem_shared>> -> memref<10240x128xf32, #tpu.memory_space<vmem_shared>>
      tpu.enqueue_indirect_dma source(%dma_start3A_245 : memref<64x128xf32, #tpu.memory_space<vmem>>) target(%dma_start3A_251 : memref<10240x128xf32, #tpu.memory_space<vmem_shared>>) offsets(%dma_start3A_248 : memref<64xi32, #tpu.memory_space<vmem>>) semaphore(%arg22 : memref<!tpu.dma_semaphore, #tpu.memory_space<semaphore_mem>>) {add = true}
      %dma_start3A_252 = arith.constant 0 : i32
      %dma_start3A_253 = arith.constant 0 : i32
      %dma_start3A_254 = tpu.memref_slice %arg18[%dma_start3A_252, %dma_start3A_253] : memref<2x64xi32, #tpu.memory_space<vmem>> -> memref<1x64xi32, #tpu.memory_space<vmem>>
      %dma_start3A_255 = tpu.memref_squeeze %dma_start3A_254 : memref<1x64xi32, #tpu.memory_space<vmem>> -> memref<64xi32, #tpu.memory_space<vmem>>
      %dma_start3A_256 = arith.constant 0 : i32
      %dma_start3A_257 = arith.constant 0 : i32
      %dma_start3A_258 = tpu.memref_slice %arg19[%dma_start3A_256, %dma_start3A_257] : memref<10240x128xf32, #tpu.memory_space<vmem_shared>> -> memref<10240x128xf32, #tpu.memory_space<vmem_shared>>
      tpu.enqueue_indirect_dma source(%arg14 : memref<64x128xf32, #tpu.memory_space<vmem>>) target(%dma_start3A_258 : memref<10240x128xf32, #tpu.memory_space<vmem_shared>>) offsets(%dma_start3A_255 : memref<64xi32, #tpu.memory_space<vmem>>) semaphore(%arg22 : memref<!tpu.dma_semaphore, #tpu.memory_space<semaphore_mem>>) {add = true}
      %scan3A_259 = arith.constant 0 : i32
      %scan3A_260 = arith.constant 0 : i32
      %scan3A_261 = arith.constant 4 : i32
      %scan3A_262 = arith.addi %scan3A_260, %scan3A_261 : i32
      %scan3A_263 = arith.constant 1 : i32
      scf.for %scan3A_637 = %scan3A_260 to %scan3A_262 step %scan3A_263  : i32 {
        %mul3A_638 = arith.constant 16 : i32
        %mul3A_639 = arith.muli %scan3A_637, %mul3A_638 : i32
        %add3A_640 = arith.constant 128 : i32
        %add3A_641 = arith.addi %add3A_640, %mul3A_639 : i32
        %get3A = arith.index_cast %and3A_40 : i32 to index
        %get3A_642 = arith.index_cast %add3A_641 : i32 to index
        %get3A_643 = tpu.vector_load %arg10[%get3A, %get3A_642] {strides = array<i32>} : memref<2x512xi32, #tpu.memory_space<vmem>>, vector<16xi32>,
        %mul3A_644 = arith.constant 16 : i32
        %mul3A_645 = arith.muli %scan3A_637, %mul3A_644 : i32
        %add3A_646 = arith.constant 128 : i32
        %add3A_647 = arith.addi %add3A_646, %mul3A_645 : i32
        %get3A_648 = arith.index_cast %and3A_40 : i32 to index
        %get3A_649 = arith.index_cast %add3A_647 : i32 to index
        %get3A_650 = tpu.vector_load %arg9[%get3A_648, %get3A_649] {strides = array<i32>} : memref<2x512xi32, #tpu.memory_space<vmem>>, vector<16xi32>,
        %mul3A_651 = arith.constant 16 : i32
        %mul3A_652 = arith.muli %scan3A_637, %mul3A_651 : i32
        %add3A_653 = arith.constant 128 : i32
        %add3A_654 = arith.addi %add3A_653, %mul3A_652 : i32
        %get3A_655 = arith.index_cast %and3A_40 : i32 to index
        %get3A_656 = arith.index_cast %add3A_654 : i32 to index
        %get3A_657 = tpu.vector_load %arg11[%get3A_655, %get3A_656] {strides = array<i32>} : memref<2x512xf32, #tpu.memory_space<vmem>>, vector<16xf32>,
        %gather3A = tpu.vector_load_idx %arg12[%get3A_650] : memref<10000xf32, #tpu.memory_space<vmem>>[vector<16xi32>], vector<16xf32>,
        %add3A_658 = arith.addf %gather3A, %get3A_657 : vector<16xf32>
        %masked_sort3A = arith.constant dense<true> : vector<16xi1>
        %masked_sort3A_659 = arith.constant -2147483648 : i32
        %masked_sort3A_660 = vector.broadcast %masked_sort3A_659 : i32 to vector<16xi32>
        %masked_sort3A_661 = arith.xori %get3A_643, %masked_sort3A_660 : vector<16xi32>
        %masked_sort3A_662, %masked_sort3A_663, %masked_sort3A_664 = tpu.sort %masked_sort3A_661, %add3A_658 masked %masked_sort3A : (vector<16xi32>, vector<16xf32>, vector<16xi1>) -> (vector<16xi1>, vector<16xi32>, vector<16xf32>)
        %masked_sort3A_665 = arith.xori %masked_sort3A_663, %masked_sort3A_660 : vector<16xi32>
        %broadcast_in_dim3A_666 = arith.constant true
        %broadcast_in_dim3A_667 = vector.broadcast %broadcast_in_dim3A_666 : i1 to vector<16xi1>
        %masked_cumsum3A = tpu.scan <sum>, %masked_sort3A_664 masked %broadcast_in_dim3A_667 : vector<16xf32>, vector<16xi1> -> vector<16xf32>
        %swap3A_668 = arith.constant 0 : index
        %swap3A_669 = tpu.vector_load %arg16[%swap3A_668] {strides = array<i32>} : memref<32xi32, #tpu.memory_space<vmem>>, vector<16xi32>,
        tpu.vector_store %arg16[%swap3A_668], %masked_sort3A_665 {strides = array<i32>} : memref<32xi32, #tpu.memory_space<vmem>>, vector<16xi32>,
        %get3A_670 = arith.constant 1 : index
        %get3A_671 = tpu.vector_load %arg16[%get3A_670] {strides = array<i32>} : memref<32xi32, #tpu.memory_space<vmem>>, vector<16xi32>,
        %ne3A = arith.cmpi ne, %masked_sort3A_665, %get3A_671 : vector<16xi32>
        %max3A = arith.constant 0 : i32
        %max3A_672 = vector.broadcast %max3A : i32 to vector<16xi32>
        %max3A_673 = arith.maxsi %get3A_671, %max3A_672 : vector<16xi32>
        %shift_right_arithmetic3A = arith.constant 7 : i32
        %shift_right_arithmetic3A_674 = vector.broadcast %shift_right_arithmetic3A : i32 to vector<16xi32>
        %shift_right_arithmetic3A_675 = arith.shrsi %masked_sort3A_665, %shift_right_arithmetic3A_674 : vector<16xi32>
        %and3A_676 = arith.constant 127 : i32
        %and3A_677 = vector.broadcast %and3A_676 : i32 to vector<16xi32>
        %and3A_678 = arith.andi %masked_sort3A_665, %and3A_677 : vector<16xi32>
        tpu.vector_store_idx %arg15[%shift_right_arithmetic3A_675, %and3A_678], %masked_cumsum3A masked %ne3A {add = true} : memref<80x128xf32, #tpu.memory_space<vmem>>[vector<16xi32>, vector<16xi32>], vector<16xf32>, vector<16xi1>
        %shift_right_arithmetic3A_679 = arith.constant 7 : i32
        %shift_right_arithmetic3A_680 = vector.broadcast %shift_right_arithmetic3A_679 : i32 to vector<16xi32>
        %shift_right_arithmetic3A_681 = arith.shrsi %max3A_673, %shift_right_arithmetic3A_680 : vector<16xi32>
        %and3A_682 = arith.constant 127 : i32
        %and3A_683 = vector.broadcast %and3A_682 : i32 to vector<16xi32>
        %and3A_684 = arith.andi %max3A_673, %and3A_683 : vector<16xi32>
        %neg3A = arith.constant 0.000000e+00 : f32
        %neg3A_685 = vector.broadcast %neg3A : f32 to vector<16xf32>
        %neg3A_686 = arith.subf %neg3A_685, %masked_cumsum3A : vector<16xf32>
        %ge3A = arith.constant 0 : i32
        %ge3A_687 = vector.broadcast %ge3A : i32 to vector<16xi32>
        %ge3A_688 = arith.cmpi sge, %get3A_671, %ge3A_687 : vector<16xi32>
        %and3A_689 = arith.andi %ne3A, %ge3A_688 : vector<16xi1>
        tpu.vector_store_idx %arg15[%shift_right_arithmetic3A_681, %and3A_684], %neg3A_686 masked %and3A_689 {add = true} : memref<80x128xf32, #tpu.memory_space<vmem>>[vector<16xi32>, vector<16xi32>], vector<16xf32>, vector<16xi1>
      }
      %scan3A_264 = arith.constant 4 : i32
      %dma_wait3A_265 = arith.constant 1 : i32
      %dma_wait3A_266 = arith.constant 0 : i32
      %dma_wait3A_267 = arith.constant 0 : i32
      %dma_wait3A_268 = tpu.memref_slice %arg13[%dma_wait3A_265, %dma_wait3A_266, %dma_wait3A_267] : memref<2x64x128xf32, #tpu.memory_space<vmem>> -> memref<1x64x128xf32, #tpu.memory_space<vmem>>
      %dma_wait3A_269 = tpu.memref_squeeze %dma_wait3A_268 : memref<1x64x128xf32, #tpu.memory_space<vmem>> -> memref<64x128xf32, #tpu.memory_space<vmem>>
      %dma_wait3A_270 = arith.constant 192 : i32
      %dma_wait3A_271 = tpu.memref_slice %arg9[%and3A_40, %dma_wait3A_270] : memref<2x512xi32, #tpu.memory_space<vmem>> -> memref<1x64xi32, #tpu.memory_space<vmem>>
      %dma_wait3A_272 = tpu.memref_squeeze %dma_wait3A_271 : memref<1x64xi32, #tpu.memory_space<vmem>> -> memref<64xi32, #tpu.memory_space<vmem>>
      %dma_wait3A_273 = arith.constant 0 : i32
      %dma_wait3A_274 = arith.constant 0 : i32
      %dma_wait3A_275 = tpu.memref_slice %arg2[%dma_wait3A_273, %dma_wait3A_274] : memref<18000x128xf32, #tpu.memory_space<hbm>> -> memref<18000x128xf32, #tpu.memory_space<hbm>>
      tpu.wait_indirect_dma semaphore(%arg21 : memref<!tpu.dma_semaphore, #tpu.memory_space<semaphore_mem>>) src(%dma_wait3A_275 : memref<18000x128xf32, #tpu.memory_space<hbm>>) dst(%dma_wait3A_269 : memref<64x128xf32, #tpu.memory_space<vmem>>)
      %dma_wait3A_276 = arith.constant 0 : i32
      %dma_wait3A_277 = arith.constant 0 : i32
      %dma_wait3A_278 = arith.constant 0 : i32
      %dma_wait3A_279 = arith.constant 0 : i32
      %dma_wait3A_280 = tpu.memref_slice %arg13[%dma_wait3A_276, %dma_wait3A_278, %dma_wait3A_279] : memref<2x64x128xf32, #tpu.memory_space<vmem>> -> memref<1x64x128xf32, #tpu.memory_space<vmem>>
      %dma_wait3A_281 = tpu.memref_squeeze %dma_wait3A_280 : memref<1x64x128xf32, #tpu.memory_space<vmem>> -> memref<64x128xf32, #tpu.memory_space<vmem>>
      %dma_wait3A_282 = arith.constant 0 : i32
      %dma_wait3A_283 = tpu.memref_slice %arg18[%dma_wait3A_277, %dma_wait3A_282] : memref<2x64xi32, #tpu.memory_space<vmem>> -> memref<1x64xi32, #tpu.memory_space<vmem>>
      %dma_wait3A_284 = tpu.memref_squeeze %dma_wait3A_283 : memref<1x64xi32, #tpu.memory_space<vmem>> -> memref<64xi32, #tpu.memory_space<vmem>>
      %dma_wait3A_285 = arith.constant 0 : i32
      %dma_wait3A_286 = arith.constant 0 : i32
      %dma_wait3A_287 = tpu.memref_slice %arg19[%dma_wait3A_285, %dma_wait3A_286] : memref<10240x128xf32, #tpu.memory_space<vmem_shared>> -> memref<10240x128xf32, #tpu.memory_space<vmem_shared>>
      tpu.wait_indirect_dma semaphore(%arg22 : memref<!tpu.dma_semaphore, #tpu.memory_space<semaphore_mem>>) src(%dma_wait3A_281 : memref<64x128xf32, #tpu.memory_space<vmem>>) dst(%dma_wait3A_287 : memref<10240x128xf32, #tpu.memory_space<vmem_shared>>)
      %dma_wait3A_288 = arith.constant 0 : i32
      %dma_wait3A_289 = arith.constant 0 : i32
      %dma_wait3A_290 = tpu.memref_slice %arg18[%dma_wait3A_288, %dma_wait3A_289] : memref<2x64xi32, #tpu.memory_space<vmem>> -> memref<1x64xi32, #tpu.memory_space<vmem>>
      %dma_wait3A_291 = tpu.memref_squeeze %dma_wait3A_290 : memref<1x64xi32, #tpu.memory_space<vmem>> -> memref<64xi32, #tpu.memory_space<vmem>>
      %dma_wait3A_292 = arith.constant 0 : i32
      %dma_wait3A_293 = arith.constant 0 : i32
      %dma_wait3A_294 = tpu.memref_slice %arg19[%dma_wait3A_292, %dma_wait3A_293] : memref<10240x128xf32, #tpu.memory_space<vmem_shared>> -> memref<10240x128xf32, #tpu.memory_space<vmem_shared>>
      tpu.wait_indirect_dma semaphore(%arg22 : memref<!tpu.dma_semaphore, #tpu.memory_space<semaphore_mem>>) src(%arg14 : memref<64x128xf32, #tpu.memory_space<vmem>>) dst(%dma_wait3A_294 : memref<10240x128xf32, #tpu.memory_space<vmem_shared>>)
      %scan3A_295 = arith.constant 0 : i32
      %scan3A_296 = arith.constant 0 : i32
      %scan3A_297 = arith.constant 4 : i32
      %scan3A_298 = arith.addi %scan3A_296, %scan3A_297 : i32
      %scan3A_299 = arith.constant 1 : i32
      scf.for %scan3A_637 = %scan3A_296 to %scan3A_298 step %scan3A_299  : i32 {
        %mul3A_638 = arith.constant 16 : i32
        %mul3A_639 = arith.muli %scan3A_637, %mul3A_638 : i32
        %add3A_640 = arith.constant 256 : i32
        %add3A_641 = arith.addi %add3A_640, %mul3A_639 : i32
        %get3A = arith.index_cast %and3A_40 : i32 to index
        %get3A_642 = arith.index_cast %add3A_641 : i32 to index
        %get3A_643 = tpu.vector_load %arg10[%get3A, %get3A_642] {strides = array<i32>} : memref<2x512xi32, #tpu.memory_space<vmem>>, vector<16xi32>,
        %mul3A_644 = arith.constant 16 : i32
        %mul3A_645 = arith.muli %scan3A_637, %mul3A_644 : i32
        %swap3A_646 = arith.constant 0 : i32
        %swap3A_647 = arith.index_cast %swap3A_646 : i32 to index
        %swap3A_648 = arith.index_cast %mul3A_645 : i32 to index
        %swap3A_649 = tpu.vector_load %arg18[%swap3A_647, %swap3A_648] {strides = array<i32>} : memref<2x64xi32, #tpu.memory_space<vmem>>, vector<16xi32>,
        tpu.vector_store %arg18[%swap3A_647, %swap3A_648], %get3A_643 {strides = array<i32>} : memref<2x64xi32, #tpu.memory_space<vmem>>, vector<16xi32>,
      }
      %scan3A_300 = arith.constant 4 : i32
      %dma_start3A_301 = arith.constant 0 : i32
      %dma_start3A_302 = arith.constant 0 : i32
      %dma_start3A_303 = arith.constant 0 : i32
      %dma_start3A_304 = tpu.memref_slice %arg13[%dma_start3A_301, %dma_start3A_302, %dma_start3A_303] : memref<2x64x128xf32, #tpu.memory_space<vmem>> -> memref<1x64x128xf32, #tpu.memory_space<vmem>>
      %dma_start3A_305 = tpu.memref_squeeze %dma_start3A_304 : memref<1x64x128xf32, #tpu.memory_space<vmem>> -> memref<64x128xf32, #tpu.memory_space<vmem>>
      %dma_start3A_306 = arith.constant 256 : i32
      %dma_start3A_307 = tpu.memref_slice %arg9[%and3A_40, %dma_start3A_306] : memref<2x512xi32, #tpu.memory_space<vmem>> -> memref<1x64xi32, #tpu.memory_space<vmem>>
      %dma_start3A_308 = tpu.memref_squeeze %dma_start3A_307 : memref<1x64xi32, #tpu.memory_space<vmem>> -> memref<64xi32, #tpu.memory_space<vmem>>
      %dma_start3A_309 = arith.constant 0 : i32
      %dma_start3A_310 = arith.constant 0 : i32
      %dma_start3A_311 = tpu.memref_slice %arg2[%dma_start3A_309, %dma_start3A_310] : memref<18000x128xf32, #tpu.memory_space<hbm>> -> memref<18000x128xf32, #tpu.memory_space<hbm>>
      tpu.enqueue_indirect_dma source(%dma_start3A_311 : memref<18000x128xf32, #tpu.memory_space<hbm>>) target(%dma_start3A_305 : memref<64x128xf32, #tpu.memory_space<vmem>>) offsets(%dma_start3A_308 : memref<64xi32, #tpu.memory_space<vmem>>) semaphore(%arg21 : memref<!tpu.dma_semaphore, #tpu.memory_space<semaphore_mem>>)
      %add3A_312 = arith.constant 192 : i32
      %add3A_313 = arith.addi %add3A, %add3A_312 : i32
      "tpu.region"() ({
        %run_scoped3A_637 = tpu.sem_alloc : memref<!tpu.dma_semaphore, #tpu.memory_space<semaphore_mem>>
        %dma_start3A_638 = arith.constant 0 : i32
        %dma_start3A_639 = tpu.memref_slice %arg3[%add3A_313, %dma_start3A_638] : memref<327680x128xf32, #tpu.memory_space<hbm>> -> memref<64x128xf32, #tpu.memory_space<hbm>>
        %dma_start3A_640 = arith.constant 0 : i32
        %dma_start3A_641 = tpu.memref_slice %arg3[%add3A_313, %dma_start3A_640] : memref<327680x128xf32, #tpu.memory_space<hbm>> -> memref<64x128xf32, #tpu.memory_space<hbm>>
        tpu.enqueue_dma source(%dma_start3A_641 : memref<64x128xf32, #tpu.memory_space<hbm>>) target(%arg14 : memref<64x128xf32, #tpu.memory_space<vmem>>) target_semaphore(%run_scoped3A_637 : memref<!tpu.dma_semaphore, #tpu.memory_space<semaphore_mem>>)
        %dma_wait3A_642 = arith.constant 0 : i32
        %dma_wait3A_643 = tpu.memref_slice %arg3[%add3A_313, %dma_wait3A_642] : memref<327680x128xf32, #tpu.memory_space<hbm>> -> memref<64x128xf32, #tpu.memory_space<hbm>>
        %dma_wait3A_644 = arith.constant 0 : i32
        %dma_wait3A_645 = tpu.memref_slice %arg3[%add3A_313, %dma_wait3A_644] : memref<327680x128xf32, #tpu.memory_space<hbm>> -> memref<64x128xf32, #tpu.memory_space<hbm>>
        tpu.wait_dma2 semaphore(%run_scoped3A_637 : memref<!tpu.dma_semaphore, #tpu.memory_space<semaphore_mem>>) src(%dma_wait3A_645 : memref<64x128xf32, #tpu.memory_space<hbm>>) dst(%arg14 : memref<64x128xf32, #tpu.memory_space<vmem>>)
        tpu.yield
      }) : () -> ()
      %dma_start3A_314 = arith.constant 1 : i32
      %dma_start3A_315 = arith.constant 1 : i32
      %dma_start3A_316 = arith.constant 0 : i32
      %dma_start3A_317 = arith.constant 0 : i32
      %dma_start3A_318 = tpu.memref_slice %arg13[%dma_start3A_314, %dma_start3A_316, %dma_start3A_317] : memref<2x64x128xf32, #tpu.memory_space<vmem>> -> memref<1x64x128xf32, #tpu.memory_space<vmem>>
      %dma_start3A_319 = tpu.memref_squeeze %dma_start3A_318 : memref<1x64x128xf32, #tpu.memory_space<vmem>> -> memref<64x128xf32, #tpu.memory_space<vmem>>
      %dma_start3A_320 = arith.constant 0 : i32
      %dma_start3A_321 = tpu.memref_slice %arg18[%dma_start3A_315, %dma_start3A_320] : memref<2x64xi32, #tpu.memory_space<vmem>> -> memref<1x64xi32, #tpu.memory_space<vmem>>
      %dma_start3A_322 = tpu.memref_squeeze %dma_start3A_321 : memref<1x64xi32, #tpu.memory_space<vmem>> -> memref<64xi32, #tpu.memory_space<vmem>>
      %dma_start3A_323 = arith.constant 0 : i32
      %dma_start3A_324 = arith.constant 0 : i32
      %dma_start3A_325 = tpu.memref_slice %arg19[%dma_start3A_323, %dma_start3A_324] : memref<10240x128xf32, #tpu.memory_space<vmem_shared>> -> memref<10240x128xf32, #tpu.memory_space<vmem_shared>>
      tpu.enqueue_indirect_dma source(%dma_start3A_319 : memref<64x128xf32, #tpu.memory_space<vmem>>) target(%dma_start3A_325 : memref<10240x128xf32, #tpu.memory_space<vmem_shared>>) offsets(%dma_start3A_322 : memref<64xi32, #tpu.memory_space<vmem>>) semaphore(%arg22 : memref<!tpu.dma_semaphore, #tpu.memory_space<semaphore_mem>>) {add = true}
      %dma_start3A_326 = arith.constant 1 : i32
      %dma_start3A_327 = arith.constant 0 : i32
      %dma_start3A_328 = tpu.memref_slice %arg18[%dma_start3A_326, %dma_start3A_327] : memref<2x64xi32, #tpu.memory_space<vmem>> -> memref<1x64xi32, #tpu.memory_space<vmem>>
      %dma_start3A_329 = tpu.memref_squeeze %dma_start3A_328 : memref<1x64xi32, #tpu.memory_space<vmem>> -> memref<64xi32, #tpu.memory_space<vmem>>
      %dma_start3A_330 = arith.constant 0 : i32
      %dma_start3A_331 = arith.constant 0 : i32
      %dma_start3A_332 = tpu.memref_slice %arg19[%dma_start3A_330, %dma_start3A_331] : memref<10240x128xf32, #tpu.memory_space<vmem_shared>> -> memref<10240x128xf32, #tpu.memory_space<vmem_shared>>
      tpu.enqueue_indirect_dma source(%arg14 : memref<64x128xf32, #tpu.memory_space<vmem>>) target(%dma_start3A_332 : memref<10240x128xf32, #tpu.memory_space<vmem_shared>>) offsets(%dma_start3A_329 : memref<64xi32, #tpu.memory_space<vmem>>) semaphore(%arg22 : memref<!tpu.dma_semaphore, #tpu.memory_space<semaphore_mem>>) {add = true}
      %scan3A_333 = arith.constant 0 : i32
      %scan3A_334 = arith.constant 0 : i32
      %scan3A_335 = arith.constant 4 : i32
      %scan3A_336 = arith.addi %scan3A_334, %scan3A_335 : i32
      %scan3A_337 = arith.constant 1 : i32
      scf.for %scan3A_637 = %scan3A_334 to %scan3A_336 step %scan3A_337  : i32 {
        %mul3A_638 = arith.constant 16 : i32
        %mul3A_639 = arith.muli %scan3A_637, %mul3A_638 : i32
        %add3A_640 = arith.constant 192 : i32
        %add3A_641 = arith.addi %add3A_640, %mul3A_639 : i32
        %get3A = arith.index_cast %and3A_40 : i32 to index
        %get3A_642 = arith.index_cast %add3A_641 : i32 to index
        %get3A_643 = tpu.vector_load %arg10[%get3A, %get3A_642] {strides = array<i32>} : memref<2x512xi32, #tpu.memory_space<vmem>>, vector<16xi32>,
        %mul3A_644 = arith.constant 16 : i32
        %mul3A_645 = arith.muli %scan3A_637, %mul3A_644 : i32
        %add3A_646 = arith.constant 192 : i32
        %add3A_647 = arith.addi %add3A_646, %mul3A_645 : i32
        %get3A_648 = arith.index_cast %and3A_40 : i32 to index
        %get3A_649 = arith.index_cast %add3A_647 : i32 to index
        %get3A_650 = tpu.vector_load %arg9[%get3A_648, %get3A_649] {strides = array<i32>} : memref<2x512xi32, #tpu.memory_space<vmem>>, vector<16xi32>,
        %mul3A_651 = arith.constant 16 : i32
        %mul3A_652 = arith.muli %scan3A_637, %mul3A_651 : i32
        %add3A_653 = arith.constant 192 : i32
        %add3A_654 = arith.addi %add3A_653, %mul3A_652 : i32
        %get3A_655 = arith.index_cast %and3A_40 : i32 to index
        %get3A_656 = arith.index_cast %add3A_654 : i32 to index
        %get3A_657 = tpu.vector_load %arg11[%get3A_655, %get3A_656] {strides = array<i32>} : memref<2x512xf32, #tpu.memory_space<vmem>>, vector<16xf32>,
        %gather3A = tpu.vector_load_idx %arg12[%get3A_650] : memref<10000xf32, #tpu.memory_space<vmem>>[vector<16xi32>], vector<16xf32>,
        %add3A_658 = arith.addf %gather3A, %get3A_657 : vector<16xf32>
        %masked_sort3A = arith.constant dense<true> : vector<16xi1>
        %masked_sort3A_659 = arith.constant -2147483648 : i32
        %masked_sort3A_660 = vector.broadcast %masked_sort3A_659 : i32 to vector<16xi32>
        %masked_sort3A_661 = arith.xori %get3A_643, %masked_sort3A_660 : vector<16xi32>
        %masked_sort3A_662, %masked_sort3A_663, %masked_sort3A_664 = tpu.sort %masked_sort3A_661, %add3A_658 masked %masked_sort3A : (vector<16xi32>, vector<16xf32>, vector<16xi1>) -> (vector<16xi1>, vector<16xi32>, vector<16xf32>)
        %masked_sort3A_665 = arith.xori %masked_sort3A_663, %masked_sort3A_660 : vector<16xi32>
        %broadcast_in_dim3A_666 = arith.constant true
        %broadcast_in_dim3A_667 = vector.broadcast %broadcast_in_dim3A_666 : i1 to vector<16xi1>
        %masked_cumsum3A = tpu.scan <sum>, %masked_sort3A_664 masked %broadcast_in_dim3A_667 : vector<16xf32>, vector<16xi1> -> vector<16xf32>
        %swap3A_668 = arith.constant 0 : index
        %swap3A_669 = tpu.vector_load %arg16[%swap3A_668] {strides = array<i32>} : memref<32xi32, #tpu.memory_space<vmem>>, vector<16xi32>,
        tpu.vector_store %arg16[%swap3A_668], %masked_sort3A_665 {strides = array<i32>} : memref<32xi32, #tpu.memory_space<vmem>>, vector<16xi32>,
        %get3A_670 = arith.constant 1 : index
        %get3A_671 = tpu.vector_load %arg16[%get3A_670] {strides = array<i32>} : memref<32xi32, #tpu.memory_space<vmem>>, vector<16xi32>,
        %ne3A = arith.cmpi ne, %masked_sort3A_665, %get3A_671 : vector<16xi32>
        %max3A = arith.constant 0 : i32
        %max3A_672 = vector.broadcast %max3A : i32 to vector<16xi32>
        %max3A_673 = arith.maxsi %get3A_671, %max3A_672 : vector<16xi32>
        %shift_right_arithmetic3A = arith.constant 7 : i32
        %shift_right_arithmetic3A_674 = vector.broadcast %shift_right_arithmetic3A : i32 to vector<16xi32>
        %shift_right_arithmetic3A_675 = arith.shrsi %masked_sort3A_665, %shift_right_arithmetic3A_674 : vector<16xi32>
        %and3A_676 = arith.constant 127 : i32
        %and3A_677 = vector.broadcast %and3A_676 : i32 to vector<16xi32>
        %and3A_678 = arith.andi %masked_sort3A_665, %and3A_677 : vector<16xi32>
        tpu.vector_store_idx %arg15[%shift_right_arithmetic3A_675, %and3A_678], %masked_cumsum3A masked %ne3A {add = true} : memref<80x128xf32, #tpu.memory_space<vmem>>[vector<16xi32>, vector<16xi32>], vector<16xf32>, vector<16xi1>
        %shift_right_arithmetic3A_679 = arith.constant 7 : i32
        %shift_right_arithmetic3A_680 = vector.broadcast %shift_right_arithmetic3A_679 : i32 to vector<16xi32>
        %shift_right_arithmetic3A_681 = arith.shrsi %max3A_673, %shift_right_arithmetic3A_680 : vector<16xi32>
        %and3A_682 = arith.constant 127 : i32
        %and3A_683 = vector.broadcast %and3A_682 : i32 to vector<16xi32>
        %and3A_684 = arith.andi %max3A_673, %and3A_683 : vector<16xi32>
        %neg3A = arith.constant 0.000000e+00 : f32
        %neg3A_685 = vector.broadcast %neg3A : f32 to vector<16xf32>
        %neg3A_686 = arith.subf %neg3A_685, %masked_cumsum3A : vector<16xf32>
        %ge3A = arith.constant 0 : i32
        %ge3A_687 = vector.broadcast %ge3A : i32 to vector<16xi32>
        %ge3A_688 = arith.cmpi sge, %get3A_671, %ge3A_687 : vector<16xi32>
        %and3A_689 = arith.andi %ne3A, %ge3A_688 : vector<16xi1>
        tpu.vector_store_idx %arg15[%shift_right_arithmetic3A_681, %and3A_684], %neg3A_686 masked %and3A_689 {add = true} : memref<80x128xf32, #tpu.memory_space<vmem>>[vector<16xi32>, vector<16xi32>], vector<16xf32>, vector<16xi1>
      }
      %scan3A_338 = arith.constant 4 : i32
      %dma_wait3A_339 = arith.constant 0 : i32
      %dma_wait3A_340 = arith.constant 0 : i32
      %dma_wait3A_341 = arith.constant 0 : i32
      %dma_wait3A_342 = tpu.memref_slice %arg13[%dma_wait3A_339, %dma_wait3A_340, %dma_wait3A_341] : memref<2x64x128xf32, #tpu.memory_space<vmem>> -> memref<1x64x128xf32, #tpu.memory_space<vmem>>
      %dma_wait3A_343 = tpu.memref_squeeze %dma_wait3A_342 : memref<1x64x128xf32, #tpu.memory_space<vmem>> -> memref<64x128xf32, #tpu.memory_space<vmem>>
      %dma_wait3A_344 = arith.constant 256 : i32
      %dma_wait3A_345 = tpu.memref_slice %arg9[%and3A_40, %dma_wait3A_344] : memref<2x512xi32, #tpu.memory_space<vmem>> -> memref<1x64xi32, #tpu.memory_space<vmem>>
      %dma_wait3A_346 = tpu.memref_squeeze %dma_wait3A_345 : memref<1x64xi32, #tpu.memory_space<vmem>> -> memref<64xi32, #tpu.memory_space<vmem>>
      %dma_wait3A_347 = arith.constant 0 : i32
      %dma_wait3A_348 = arith.constant 0 : i32
      %dma_wait3A_349 = tpu.memref_slice %arg2[%dma_wait3A_347, %dma_wait3A_348] : memref<18000x128xf32, #tpu.memory_space<hbm>> -> memref<18000x128xf32, #tpu.memory_space<hbm>>
      tpu.wait_indirect_dma semaphore(%arg21 : memref<!tpu.dma_semaphore, #tpu.memory_space<semaphore_mem>>) src(%dma_wait3A_349 : memref<18000x128xf32, #tpu.memory_space<hbm>>) dst(%dma_wait3A_343 : memref<64x128xf32, #tpu.memory_space<vmem>>)
      %dma_wait3A_350 = arith.constant 1 : i32
      %dma_wait3A_351 = arith.constant 1 : i32
      %dma_wait3A_352 = arith.constant 0 : i32
      %dma_wait3A_353 = arith.constant 0 : i32
      %dma_wait3A_354 = tpu.memref_slice %arg13[%dma_wait3A_350, %dma_wait3A_352, %dma_wait3A_353] : memref<2x64x128xf32, #tpu.memory_space<vmem>> -> memref<1x64x128xf32, #tpu.memory_space<vmem>>
      %dma_wait3A_355 = tpu.memref_squeeze %dma_wait3A_354 : memref<1x64x128xf32, #tpu.memory_space<vmem>> -> memref<64x128xf32, #tpu.memory_space<vmem>>
      %dma_wait3A_356 = arith.constant 0 : i32
      %dma_wait3A_357 = tpu.memref_slice %arg18[%dma_wait3A_351, %dma_wait3A_356] : memref<2x64xi32, #tpu.memory_space<vmem>> -> memref<1x64xi32, #tpu.memory_space<vmem>>
      %dma_wait3A_358 = tpu.memref_squeeze %dma_wait3A_357 : memref<1x64xi32, #tpu.memory_space<vmem>> -> memref<64xi32, #tpu.memory_space<vmem>>
      %dma_wait3A_359 = arith.constant 0 : i32
      %dma_wait3A_360 = arith.constant 0 : i32
      %dma_wait3A_361 = tpu.memref_slice %arg19[%dma_wait3A_359, %dma_wait3A_360] : memref<10240x128xf32, #tpu.memory_space<vmem_shared>> -> memref<10240x128xf32, #tpu.memory_space<vmem_shared>>
      tpu.wait_indirect_dma semaphore(%arg22 : memref<!tpu.dma_semaphore, #tpu.memory_space<semaphore_mem>>) src(%dma_wait3A_355 : memref<64x128xf32, #tpu.memory_space<vmem>>) dst(%dma_wait3A_361 : memref<10240x128xf32, #tpu.memory_space<vmem_shared>>)
      %dma_wait3A_362 = arith.constant 1 : i32
      %dma_wait3A_363 = arith.constant 0 : i32
      %dma_wait3A_364 = tpu.memref_slice %arg18[%dma_wait3A_362, %dma_wait3A_363] : memref<2x64xi32, #tpu.memory_space<vmem>> -> memref<1x64xi32, #tpu.memory_space<vmem>>
      %dma_wait3A_365 = tpu.memref_squeeze %dma_wait3A_364 : memref<1x64xi32, #tpu.memory_space<vmem>> -> memref<64xi32, #tpu.memory_space<vmem>>
      %dma_wait3A_366 = arith.constant 0 : i32
      %dma_wait3A_367 = arith.constant 0 : i32
      %dma_wait3A_368 = tpu.memref_slice %arg19[%dma_wait3A_366, %dma_wait3A_367] : memref<10240x128xf32, #tpu.memory_space<vmem_shared>> -> memref<10240x128xf32, #tpu.memory_space<vmem_shared>>
      tpu.wait_indirect_dma semaphore(%arg22 : memref<!tpu.dma_semaphore, #tpu.memory_space<semaphore_mem>>) src(%arg14 : memref<64x128xf32, #tpu.memory_space<vmem>>) dst(%dma_wait3A_368 : memref<10240x128xf32, #tpu.memory_space<vmem_shared>>)
      %scan3A_369 = arith.constant 0 : i32
      %scan3A_370 = arith.constant 0 : i32
      %scan3A_371 = arith.constant 4 : i32
      %scan3A_372 = arith.addi %scan3A_370, %scan3A_371 : i32
      %scan3A_373 = arith.constant 1 : i32
      scf.for %scan3A_637 = %scan3A_370 to %scan3A_372 step %scan3A_373  : i32 {
        %mul3A_638 = arith.constant 16 : i32
        %mul3A_639 = arith.muli %scan3A_637, %mul3A_638 : i32
        %add3A_640 = arith.constant 320 : i32
        %add3A_641 = arith.addi %add3A_640, %mul3A_639 : i32
        %get3A = arith.index_cast %and3A_40 : i32 to index
        %get3A_642 = arith.index_cast %add3A_641 : i32 to index
        %get3A_643 = tpu.vector_load %arg10[%get3A, %get3A_642] {strides = array<i32>} : memref<2x512xi32, #tpu.memory_space<vmem>>, vector<16xi32>,
        %mul3A_644 = arith.constant 16 : i32
        %mul3A_645 = arith.muli %scan3A_637, %mul3A_644 : i32
        %swap3A_646 = arith.constant 1 : i32
        %swap3A_647 = arith.index_cast %swap3A_646 : i32 to index
        %swap3A_648 = arith.index_cast %mul3A_645 : i32 to index
        %swap3A_649 = tpu.vector_load %arg18[%swap3A_647, %swap3A_648] {strides = array<i32>} : memref<2x64xi32, #tpu.memory_space<vmem>>, vector<16xi32>,
        tpu.vector_store %arg18[%swap3A_647, %swap3A_648], %get3A_643 {strides = array<i32>} : memref<2x64xi32, #tpu.memory_space<vmem>>, vector<16xi32>,
      }
      %scan3A_374 = arith.constant 4 : i32
      %dma_start3A_375 = arith.constant 1 : i32
      %dma_start3A_376 = arith.constant 0 : i32
      %dma_start3A_377 = arith.constant 0 : i32
      %dma_start3A_378 = tpu.memref_slice %arg13[%dma_start3A_375, %dma_start3A_376, %dma_start3A_377] : memref<2x64x128xf32, #tpu.memory_space<vmem>> -> memref<1x64x128xf32, #tpu.memory_space<vmem>>
      %dma_start3A_379 = tpu.memref_squeeze %dma_start3A_378 : memref<1x64x128xf32, #tpu.memory_space<vmem>> -> memref<64x128xf32, #tpu.memory_space<vmem>>
      %dma_start3A_380 = arith.constant 320 : i32
      %dma_start3A_381 = tpu.memref_slice %arg9[%and3A_40, %dma_start3A_380] : memref<2x512xi32, #tpu.memory_space<vmem>> -> memref<1x64xi32, #tpu.memory_space<vmem>>
      %dma_start3A_382 = tpu.memref_squeeze %dma_start3A_381 : memref<1x64xi32, #tpu.memory_space<vmem>> -> memref<64xi32, #tpu.memory_space<vmem>>
      %dma_start3A_383 = arith.constant 0 : i32
      %dma_start3A_384 = arith.constant 0 : i32
      %dma_start3A_385 = tpu.memref_slice %arg2[%dma_start3A_383, %dma_start3A_384] : memref<18000x128xf32, #tpu.memory_space<hbm>> -> memref<18000x128xf32, #tpu.memory_space<hbm>>
      tpu.enqueue_indirect_dma source(%dma_start3A_385 : memref<18000x128xf32, #tpu.memory_space<hbm>>) target(%dma_start3A_379 : memref<64x128xf32, #tpu.memory_space<vmem>>) offsets(%dma_start3A_382 : memref<64xi32, #tpu.memory_space<vmem>>) semaphore(%arg21 : memref<!tpu.dma_semaphore, #tpu.memory_space<semaphore_mem>>)
      %add3A_386 = arith.constant 256 : i32
      %add3A_387 = arith.addi %add3A, %add3A_386 : i32
      "tpu.region"() ({
        %run_scoped3A_637 = tpu.sem_alloc : memref<!tpu.dma_semaphore, #tpu.memory_space<semaphore_mem>>
        %dma_start3A_638 = arith.constant 0 : i32
        %dma_start3A_639 = tpu.memref_slice %arg3[%add3A_387, %dma_start3A_638] : memref<327680x128xf32, #tpu.memory_space<hbm>> -> memref<64x128xf32, #tpu.memory_space<hbm>>
        %dma_start3A_640 = arith.constant 0 : i32
        %dma_start3A_641 = tpu.memref_slice %arg3[%add3A_387, %dma_start3A_640] : memref<327680x128xf32, #tpu.memory_space<hbm>> -> memref<64x128xf32, #tpu.memory_space<hbm>>
        tpu.enqueue_dma source(%dma_start3A_641 : memref<64x128xf32, #tpu.memory_space<hbm>>) target(%arg14 : memref<64x128xf32, #tpu.memory_space<vmem>>) target_semaphore(%run_scoped3A_637 : memref<!tpu.dma_semaphore, #tpu.memory_space<semaphore_mem>>)
        %dma_wait3A_642 = arith.constant 0 : i32
        %dma_wait3A_643 = tpu.memref_slice %arg3[%add3A_387, %dma_wait3A_642] : memref<327680x128xf32, #tpu.memory_space<hbm>> -> memref<64x128xf32, #tpu.memory_space<hbm>>
        %dma_wait3A_644 = arith.constant 0 : i32
        %dma_wait3A_645 = tpu.memref_slice %arg3[%add3A_387, %dma_wait3A_644] : memref<327680x128xf32, #tpu.memory_space<hbm>> -> memref<64x128xf32, #tpu.memory_space<hbm>>
        tpu.wait_dma2 semaphore(%run_scoped3A_637 : memref<!tpu.dma_semaphore, #tpu.memory_space<semaphore_mem>>) src(%dma_wait3A_645 : memref<64x128xf32, #tpu.memory_space<hbm>>) dst(%arg14 : memref<64x128xf32, #tpu.memory_space<vmem>>)
        tpu.yield
      }) : () -> ()
      %dma_start3A_388 = arith.constant 0 : i32
      %dma_start3A_389 = arith.constant 0 : i32
      %dma_start3A_390 = arith.constant 0 : i32
      %dma_start3A_391 = arith.constant 0 : i32
      %dma_start3A_392 = tpu.memref_slice %arg13[%dma_start3A_388, %dma_start3A_390, %dma_start3A_391] : memref<2x64x128xf32, #tpu.memory_space<vmem>> -> memref<1x64x128xf32, #tpu.memory_space<vmem>>
      %dma_start3A_393 = tpu.memref_squeeze %dma_start3A_392 : memref<1x64x128xf32, #tpu.memory_space<vmem>> -> memref<64x128xf32, #tpu.memory_space<vmem>>
      %dma_start3A_394 = arith.constant 0 : i32
      %dma_start3A_395 = tpu.memref_slice %arg18[%dma_start3A_389, %dma_start3A_394] : memref<2x64xi32, #tpu.memory_space<vmem>> -> memref<1x64xi32, #tpu.memory_space<vmem>>
      %dma_start3A_396 = tpu.memref_squeeze %dma_start3A_395 : memref<1x64xi32, #tpu.memory_space<vmem>> -> memref<64xi32, #tpu.memory_space<vmem>>
      %dma_start3A_397 = arith.constant 0 : i32
      %dma_start3A_398 = arith.constant 0 : i32
      %dma_start3A_399 = tpu.memref_slice %arg19[%dma_start3A_397, %dma_start3A_398] : memref<10240x128xf32, #tpu.memory_space<vmem_shared>> -> memref<10240x128xf32, #tpu.memory_space<vmem_shared>>
      tpu.enqueue_indirect_dma source(%dma_start3A_393 : memref<64x128xf32, #tpu.memory_space<vmem>>) target(%dma_start3A_399 : memref<10240x128xf32, #tpu.memory_space<vmem_shared>>) offsets(%dma_start3A_396 : memref<64xi32, #tpu.memory_space<vmem>>) semaphore(%arg22 : memref<!tpu.dma_semaphore, #tpu.memory_space<semaphore_mem>>) {add = true}
      %dma_start3A_400 = arith.constant 0 : i32
      %dma_start3A_401 = arith.constant 0 : i32
      %dma_start3A_402 = tpu.memref_slice %arg18[%dma_start3A_400, %dma_start3A_401] : memref<2x64xi32, #tpu.memory_space<vmem>> -> memref<1x64xi32, #tpu.memory_space<vmem>>
      %dma_start3A_403 = tpu.memref_squeeze %dma_start3A_402 : memref<1x64xi32, #tpu.memory_space<vmem>> -> memref<64xi32, #tpu.memory_space<vmem>>
      %dma_start3A_404 = arith.constant 0 : i32
      %dma_start3A_405 = arith.constant 0 : i32
      %dma_start3A_406 = tpu.memref_slice %arg19[%dma_start3A_404, %dma_start3A_405] : memref<10240x128xf32, #tpu.memory_space<vmem_shared>> -> memref<10240x128xf32, #tpu.memory_space<vmem_shared>>
      tpu.enqueue_indirect_dma source(%arg14 : memref<64x128xf32, #tpu.memory_space<vmem>>) target(%dma_start3A_406 : memref<10240x128xf32, #tpu.memory_space<vmem_shared>>) offsets(%dma_start3A_403 : memref<64xi32, #tpu.memory_space<vmem>>) semaphore(%arg22 : memref<!tpu.dma_semaphore, #tpu.memory_space<semaphore_mem>>) {add = true}
      %scan3A_407 = arith.constant 0 : i32
      %scan3A_408 = arith.constant 0 : i32
      %scan3A_409 = arith.constant 4 : i32
      %scan3A_410 = arith.addi %scan3A_408, %scan3A_409 : i32
      %scan3A_411 = arith.constant 1 : i32
      scf.for %scan3A_637 = %scan3A_408 to %scan3A_410 step %scan3A_411  : i32 {
        %mul3A_638 = arith.constant 16 : i32
        %mul3A_639 = arith.muli %scan3A_637, %mul3A_638 : i32
        %add3A_640 = arith.constant 256 : i32
        %add3A_641 = arith.addi %add3A_640, %mul3A_639 : i32
        %get3A = arith.index_cast %and3A_40 : i32 to index
        %get3A_642 = arith.index_cast %add3A_641 : i32 to index
        %get3A_643 = tpu.vector_load %arg10[%get3A, %get3A_642] {strides = array<i32>} : memref<2x512xi32, #tpu.memory_space<vmem>>, vector<16xi32>,
        %mul3A_644 = arith.constant 16 : i32
        %mul3A_645 = arith.muli %scan3A_637, %mul3A_644 : i32
        %add3A_646 = arith.constant 256 : i32
        %add3A_647 = arith.addi %add3A_646, %mul3A_645 : i32
        %get3A_648 = arith.index_cast %and3A_40 : i32 to index
        %get3A_649 = arith.index_cast %add3A_647 : i32 to index
        %get3A_650 = tpu.vector_load %arg9[%get3A_648, %get3A_649] {strides = array<i32>} : memref<2x512xi32, #tpu.memory_space<vmem>>, vector<16xi32>,
        %mul3A_651 = arith.constant 16 : i32
        %mul3A_652 = arith.muli %scan3A_637, %mul3A_651 : i32
        %add3A_653 = arith.constant 256 : i32
        %add3A_654 = arith.addi %add3A_653, %mul3A_652 : i32
        %get3A_655 = arith.index_cast %and3A_40 : i32 to index
        %get3A_656 = arith.index_cast %add3A_654 : i32 to index
        %get3A_657 = tpu.vector_load %arg11[%get3A_655, %get3A_656] {strides = array<i32>} : memref<2x512xf32, #tpu.memory_space<vmem>>, vector<16xf32>,
        %gather3A = tpu.vector_load_idx %arg12[%get3A_650] : memref<10000xf32, #tpu.memory_space<vmem>>[vector<16xi32>], vector<16xf32>,
        %add3A_658 = arith.addf %gather3A, %get3A_657 : vector<16xf32>
        %masked_sort3A = arith.constant dense<true> : vector<16xi1>
        %masked_sort3A_659 = arith.constant -2147483648 : i32
        %masked_sort3A_660 = vector.broadcast %masked_sort3A_659 : i32 to vector<16xi32>
        %masked_sort3A_661 = arith.xori %get3A_643, %masked_sort3A_660 : vector<16xi32>
        %masked_sort3A_662, %masked_sort3A_663, %masked_sort3A_664 = tpu.sort %masked_sort3A_661, %add3A_658 masked %masked_sort3A : (vector<16xi32>, vector<16xf32>, vector<16xi1>) -> (vector<16xi1>, vector<16xi32>, vector<16xf32>)
        %masked_sort3A_665 = arith.xori %masked_sort3A_663, %masked_sort3A_660 : vector<16xi32>
        %broadcast_in_dim3A_666 = arith.constant true
        %broadcast_in_dim3A_667 = vector.broadcast %broadcast_in_dim3A_666 : i1 to vector<16xi1>
        %masked_cumsum3A = tpu.scan <sum>, %masked_sort3A_664 masked %broadcast_in_dim3A_667 : vector<16xf32>, vector<16xi1> -> vector<16xf32>
        %swap3A_668 = arith.constant 0 : index
        %swap3A_669 = tpu.vector_load %arg16[%swap3A_668] {strides = array<i32>} : memref<32xi32, #tpu.memory_space<vmem>>, vector<16xi32>,
        tpu.vector_store %arg16[%swap3A_668], %masked_sort3A_665 {strides = array<i32>} : memref<32xi32, #tpu.memory_space<vmem>>, vector<16xi32>,
        %get3A_670 = arith.constant 1 : index
        %get3A_671 = tpu.vector_load %arg16[%get3A_670] {strides = array<i32>} : memref<32xi32, #tpu.memory_space<vmem>>, vector<16xi32>,
        %ne3A = arith.cmpi ne, %masked_sort3A_665, %get3A_671 : vector<16xi32>
        %max3A = arith.constant 0 : i32
        %max3A_672 = vector.broadcast %max3A : i32 to vector<16xi32>
        %max3A_673 = arith.maxsi %get3A_671, %max3A_672 : vector<16xi32>
        %shift_right_arithmetic3A = arith.constant 7 : i32
        %shift_right_arithmetic3A_674 = vector.broadcast %shift_right_arithmetic3A : i32 to vector<16xi32>
        %shift_right_arithmetic3A_675 = arith.shrsi %masked_sort3A_665, %shift_right_arithmetic3A_674 : vector<16xi32>
        %and3A_676 = arith.constant 127 : i32
        %and3A_677 = vector.broadcast %and3A_676 : i32 to vector<16xi32>
        %and3A_678 = arith.andi %masked_sort3A_665, %and3A_677 : vector<16xi32>
        tpu.vector_store_idx %arg15[%shift_right_arithmetic3A_675, %and3A_678], %masked_cumsum3A masked %ne3A {add = true} : memref<80x128xf32, #tpu.memory_space<vmem>>[vector<16xi32>, vector<16xi32>], vector<16xf32>, vector<16xi1>
        %shift_right_arithmetic3A_679 = arith.constant 7 : i32
        %shift_right_arithmetic3A_680 = vector.broadcast %shift_right_arithmetic3A_679 : i32 to vector<16xi32>
        %shift_right_arithmetic3A_681 = arith.shrsi %max3A_673, %shift_right_arithmetic3A_680 : vector<16xi32>
        %and3A_682 = arith.constant 127 : i32
        %and3A_683 = vector.broadcast %and3A_682 : i32 to vector<16xi32>
        %and3A_684 = arith.andi %max3A_673, %and3A_683 : vector<16xi32>
        %neg3A = arith.constant 0.000000e+00 : f32
        %neg3A_685 = vector.broadcast %neg3A : f32 to vector<16xf32>
        %neg3A_686 = arith.subf %neg3A_685, %masked_cumsum3A : vector<16xf32>
        %ge3A = arith.constant 0 : i32
        %ge3A_687 = vector.broadcast %ge3A : i32 to vector<16xi32>
        %ge3A_688 = arith.cmpi sge, %get3A_671, %ge3A_687 : vector<16xi32>
        %and3A_689 = arith.andi %ne3A, %ge3A_688 : vector<16xi1>
        tpu.vector_store_idx %arg15[%shift_right_arithmetic3A_681, %and3A_684], %neg3A_686 masked %and3A_689 {add = true} : memref<80x128xf32, #tpu.memory_space<vmem>>[vector<16xi32>, vector<16xi32>], vector<16xf32>, vector<16xi1>
      }
      %scan3A_412 = arith.constant 4 : i32
      %dma_wait3A_413 = arith.constant 1 : i32
      %dma_wait3A_414 = arith.constant 0 : i32
      %dma_wait3A_415 = arith.constant 0 : i32
      %dma_wait3A_416 = tpu.memref_slice %arg13[%dma_wait3A_413, %dma_wait3A_414, %dma_wait3A_415] : memref<2x64x128xf32, #tpu.memory_space<vmem>> -> memref<1x64x128xf32, #tpu.memory_space<vmem>>
      %dma_wait3A_417 = tpu.memref_squeeze %dma_wait3A_416 : memref<1x64x128xf32, #tpu.memory_space<vmem>> -> memref<64x128xf32, #tpu.memory_space<vmem>>
      %dma_wait3A_418 = arith.constant 320 : i32
      %dma_wait3A_419 = tpu.memref_slice %arg9[%and3A_40, %dma_wait3A_418] : memref<2x512xi32, #tpu.memory_space<vmem>> -> memref<1x64xi32, #tpu.memory_space<vmem>>
      %dma_wait3A_420 = tpu.memref_squeeze %dma_wait3A_419 : memref<1x64xi32, #tpu.memory_space<vmem>> -> memref<64xi32, #tpu.memory_space<vmem>>
      %dma_wait3A_421 = arith.constant 0 : i32
      %dma_wait3A_422 = arith.constant 0 : i32
      %dma_wait3A_423 = tpu.memref_slice %arg2[%dma_wait3A_421, %dma_wait3A_422] : memref<18000x128xf32, #tpu.memory_space<hbm>> -> memref<18000x128xf32, #tpu.memory_space<hbm>>
      tpu.wait_indirect_dma semaphore(%arg21 : memref<!tpu.dma_semaphore, #tpu.memory_space<semaphore_mem>>) src(%dma_wait3A_423 : memref<18000x128xf32, #tpu.memory_space<hbm>>) dst(%dma_wait3A_417 : memref<64x128xf32, #tpu.memory_space<vmem>>)
      %dma_wait3A_424 = arith.constant 0 : i32
      %dma_wait3A_425 = arith.constant 0 : i32
      %dma_wait3A_426 = arith.constant 0 : i32
      %dma_wait3A_427 = arith.constant 0 : i32
      %dma_wait3A_428 = tpu.memref_slice %arg13[%dma_wait3A_424, %dma_wait3A_426, %dma_wait3A_427] : memref<2x64x128xf32, #tpu.memory_space<vmem>> -> memref<1x64x128xf32, #tpu.memory_space<vmem>>
      %dma_wait3A_429 = tpu.memref_squeeze %dma_wait3A_428 : memref<1x64x128xf32, #tpu.memory_space<vmem>> -> memref<64x128xf32, #tpu.memory_space<vmem>>
      %dma_wait3A_430 = arith.constant 0 : i32
      %dma_wait3A_431 = tpu.memref_slice %arg18[%dma_wait3A_425, %dma_wait3A_430] : memref<2x64xi32, #tpu.memory_space<vmem>> -> memref<1x64xi32, #tpu.memory_space<vmem>>
      %dma_wait3A_432 = tpu.memref_squeeze %dma_wait3A_431 : memref<1x64xi32, #tpu.memory_space<vmem>> -> memref<64xi32, #tpu.memory_space<vmem>>
      %dma_wait3A_433 = arith.constant 0 : i32
      %dma_wait3A_434 = arith.constant 0 : i32
      %dma_wait3A_435 = tpu.memref_slice %arg19[%dma_wait3A_433, %dma_wait3A_434] : memref<10240x128xf32, #tpu.memory_space<vmem_shared>> -> memref<10240x128xf32, #tpu.memory_space<vmem_shared>>
      tpu.wait_indirect_dma semaphore(%arg22 : memref<!tpu.dma_semaphore, #tpu.memory_space<semaphore_mem>>) src(%dma_wait3A_429 : memref<64x128xf32, #tpu.memory_space<vmem>>) dst(%dma_wait3A_435 : memref<10240x128xf32, #tpu.memory_space<vmem_shared>>)
      %dma_wait3A_436 = arith.constant 0 : i32
      %dma_wait3A_437 = arith.constant 0 : i32
      %dma_wait3A_438 = tpu.memref_slice %arg18[%dma_wait3A_436, %dma_wait3A_437] : memref<2x64xi32, #tpu.memory_space<vmem>> -> memref<1x64xi32, #tpu.memory_space<vmem>>
      %dma_wait3A_439 = tpu.memref_squeeze %dma_wait3A_438 : memref<1x64xi32, #tpu.memory_space<vmem>> -> memref<64xi32, #tpu.memory_space<vmem>>
      %dma_wait3A_440 = arith.constant 0 : i32
      %dma_wait3A_441 = arith.constant 0 : i32
      %dma_wait3A_442 = tpu.memref_slice %arg19[%dma_wait3A_440, %dma_wait3A_441] : memref<10240x128xf32, #tpu.memory_space<vmem_shared>> -> memref<10240x128xf32, #tpu.memory_space<vmem_shared>>
      tpu.wait_indirect_dma semaphore(%arg22 : memref<!tpu.dma_semaphore, #tpu.memory_space<semaphore_mem>>) src(%arg14 : memref<64x128xf32, #tpu.memory_space<vmem>>) dst(%dma_wait3A_442 : memref<10240x128xf32, #tpu.memory_space<vmem_shared>>)
      %scan3A_443 = arith.constant 0 : i32
      %scan3A_444 = arith.constant 0 : i32
      %scan3A_445 = arith.constant 4 : i32
      %scan3A_446 = arith.addi %scan3A_444, %scan3A_445 : i32
      %scan3A_447 = arith.constant 1 : i32
      scf.for %scan3A_637 = %scan3A_444 to %scan3A_446 step %scan3A_447  : i32 {
        %mul3A_638 = arith.constant 16 : i32
        %mul3A_639 = arith.muli %scan3A_637, %mul3A_638 : i32
        %add3A_640 = arith.constant 384 : i32
        %add3A_641 = arith.addi %add3A_640, %mul3A_639 : i32
        %get3A = arith.index_cast %and3A_40 : i32 to index
        %get3A_642 = arith.index_cast %add3A_641 : i32 to index
        %get3A_643 = tpu.vector_load %arg10[%get3A, %get3A_642] {strides = array<i32>} : memref<2x512xi32, #tpu.memory_space<vmem>>, vector<16xi32>,
        %mul3A_644 = arith.constant 16 : i32
        %mul3A_645 = arith.muli %scan3A_637, %mul3A_644 : i32
        %swap3A_646 = arith.constant 0 : i32
        %swap3A_647 = arith.index_cast %swap3A_646 : i32 to index
        %swap3A_648 = arith.index_cast %mul3A_645 : i32 to index
        %swap3A_649 = tpu.vector_load %arg18[%swap3A_647, %swap3A_648] {strides = array<i32>} : memref<2x64xi32, #tpu.memory_space<vmem>>, vector<16xi32>,
        tpu.vector_store %arg18[%swap3A_647, %swap3A_648], %get3A_643 {strides = array<i32>} : memref<2x64xi32, #tpu.memory_space<vmem>>, vector<16xi32>,
      }
      %scan3A_448 = arith.constant 4 : i32
      %dma_start3A_449 = arith.constant 0 : i32
      %dma_start3A_450 = arith.constant 0 : i32
      %dma_start3A_451 = arith.constant 0 : i32
      %dma_start3A_452 = tpu.memref_slice %arg13[%dma_start3A_449, %dma_start3A_450, %dma_start3A_451] : memref<2x64x128xf32, #tpu.memory_space<vmem>> -> memref<1x64x128xf32, #tpu.memory_space<vmem>>
      %dma_start3A_453 = tpu.memref_squeeze %dma_start3A_452 : memref<1x64x128xf32, #tpu.memory_space<vmem>> -> memref<64x128xf32, #tpu.memory_space<vmem>>
      %dma_start3A_454 = arith.constant 384 : i32
      %dma_start3A_455 = tpu.memref_slice %arg9[%and3A_40, %dma_start3A_454] : memref<2x512xi32, #tpu.memory_space<vmem>> -> memref<1x64xi32, #tpu.memory_space<vmem>>
      %dma_start3A_456 = tpu.memref_squeeze %dma_start3A_455 : memref<1x64xi32, #tpu.memory_space<vmem>> -> memref<64xi32, #tpu.memory_space<vmem>>
      %dma_start3A_457 = arith.constant 0 : i32
      %dma_start3A_458 = arith.constant 0 : i32
      %dma_start3A_459 = tpu.memref_slice %arg2[%dma_start3A_457, %dma_start3A_458] : memref<18000x128xf32, #tpu.memory_space<hbm>> -> memref<18000x128xf32, #tpu.memory_space<hbm>>
      tpu.enqueue_indirect_dma source(%dma_start3A_459 : memref<18000x128xf32, #tpu.memory_space<hbm>>) target(%dma_start3A_453 : memref<64x128xf32, #tpu.memory_space<vmem>>) offsets(%dma_start3A_456 : memref<64xi32, #tpu.memory_space<vmem>>) semaphore(%arg21 : memref<!tpu.dma_semaphore, #tpu.memory_space<semaphore_mem>>)
      %add3A_460 = arith.constant 320 : i32
      %add3A_461 = arith.addi %add3A, %add3A_460 : i32
      "tpu.region"() ({
        %run_scoped3A_637 = tpu.sem_alloc : memref<!tpu.dma_semaphore, #tpu.memory_space<semaphore_mem>>
        %dma_start3A_638 = arith.constant 0 : i32
        %dma_start3A_639 = tpu.memref_slice %arg3[%add3A_461, %dma_start3A_638] : memref<327680x128xf32, #tpu.memory_space<hbm>> -> memref<64x128xf32, #tpu.memory_space<hbm>>
        %dma_start3A_640 = arith.constant 0 : i32
        %dma_start3A_641 = tpu.memref_slice %arg3[%add3A_461, %dma_start3A_640] : memref<327680x128xf32, #tpu.memory_space<hbm>> -> memref<64x128xf32, #tpu.memory_space<hbm>>
        tpu.enqueue_dma source(%dma_start3A_641 : memref<64x128xf32, #tpu.memory_space<hbm>>) target(%arg14 : memref<64x128xf32, #tpu.memory_space<vmem>>) target_semaphore(%run_scoped3A_637 : memref<!tpu.dma_semaphore, #tpu.memory_space<semaphore_mem>>)
        %dma_wait3A_642 = arith.constant 0 : i32
        %dma_wait3A_643 = tpu.memref_slice %arg3[%add3A_461, %dma_wait3A_642] : memref<327680x128xf32, #tpu.memory_space<hbm>> -> memref<64x128xf32, #tpu.memory_space<hbm>>
        %dma_wait3A_644 = arith.constant 0 : i32
        %dma_wait3A_645 = tpu.memref_slice %arg3[%add3A_461, %dma_wait3A_644] : memref<327680x128xf32, #tpu.memory_space<hbm>> -> memref<64x128xf32, #tpu.memory_space<hbm>>
        tpu.wait_dma2 semaphore(%run_scoped3A_637 : memref<!tpu.dma_semaphore, #tpu.memory_space<semaphore_mem>>) src(%dma_wait3A_645 : memref<64x128xf32, #tpu.memory_space<hbm>>) dst(%arg14 : memref<64x128xf32, #tpu.memory_space<vmem>>)
        tpu.yield
      }) : () -> ()
      %dma_start3A_462 = arith.constant 1 : i32
      %dma_start3A_463 = arith.constant 1 : i32
      %dma_start3A_464 = arith.constant 0 : i32
      %dma_start3A_465 = arith.constant 0 : i32
      %dma_start3A_466 = tpu.memref_slice %arg13[%dma_start3A_462, %dma_start3A_464, %dma_start3A_465] : memref<2x64x128xf32, #tpu.memory_space<vmem>> -> memref<1x64x128xf32, #tpu.memory_space<vmem>>
      %dma_start3A_467 = tpu.memref_squeeze %dma_start3A_466 : memref<1x64x128xf32, #tpu.memory_space<vmem>> -> memref<64x128xf32, #tpu.memory_space<vmem>>
      %dma_start3A_468 = arith.constant 0 : i32
      %dma_start3A_469 = tpu.memref_slice %arg18[%dma_start3A_463, %dma_start3A_468] : memref<2x64xi32, #tpu.memory_space<vmem>> -> memref<1x64xi32, #tpu.memory_space<vmem>>
      %dma_start3A_470 = tpu.memref_squeeze %dma_start3A_469 : memref<1x64xi32, #tpu.memory_space<vmem>> -> memref<64xi32, #tpu.memory_space<vmem>>
      %dma_start3A_471 = arith.constant 0 : i32
      %dma_start3A_472 = arith.constant 0 : i32
      %dma_start3A_473 = tpu.memref_slice %arg19[%dma_start3A_471, %dma_start3A_472] : memref<10240x128xf32, #tpu.memory_space<vmem_shared>> -> memref<10240x128xf32, #tpu.memory_space<vmem_shared>>
      tpu.enqueue_indirect_dma source(%dma_start3A_467 : memref<64x128xf32, #tpu.memory_space<vmem>>) target(%dma_start3A_473 : memref<10240x128xf32, #tpu.memory_space<vmem_shared>>) offsets(%dma_start3A_470 : memref<64xi32, #tpu.memory_space<vmem>>) semaphore(%arg22 : memref<!tpu.dma_semaphore, #tpu.memory_space<semaphore_mem>>) {add = true}
      %dma_start3A_474 = arith.constant 1 : i32
      %dma_start3A_475 = arith.constant 0 : i32
      %dma_start3A_476 = tpu.memref_slice %arg18[%dma_start3A_474, %dma_start3A_475] : memref<2x64xi32, #tpu.memory_space<vmem>> -> memref<1x64xi32, #tpu.memory_space<vmem>>
      %dma_start3A_477 = tpu.memref_squeeze %dma_start3A_476 : memref<1x64xi32, #tpu.memory_space<vmem>> -> memref<64xi32, #tpu.memory_space<vmem>>
      %dma_start3A_478 = arith.constant 0 : i32
      %dma_start3A_479 = arith.constant 0 : i32
      %dma_start3A_480 = tpu.memref_slice %arg19[%dma_start3A_478, %dma_start3A_479] : memref<10240x128xf32, #tpu.memory_space<vmem_shared>> -> memref<10240x128xf32, #tpu.memory_space<vmem_shared>>
      tpu.enqueue_indirect_dma source(%arg14 : memref<64x128xf32, #tpu.memory_space<vmem>>) target(%dma_start3A_480 : memref<10240x128xf32, #tpu.memory_space<vmem_shared>>) offsets(%dma_start3A_477 : memref<64xi32, #tpu.memory_space<vmem>>) semaphore(%arg22 : memref<!tpu.dma_semaphore, #tpu.memory_space<semaphore_mem>>) {add = true}
      %scan3A_481 = arith.constant 0 : i32
      %scan3A_482 = arith.constant 0 : i32
      %scan3A_483 = arith.constant 4 : i32
      %scan3A_484 = arith.addi %scan3A_482, %scan3A_483 : i32
      %scan3A_485 = arith.constant 1 : i32
      scf.for %scan3A_637 = %scan3A_482 to %scan3A_484 step %scan3A_485  : i32 {
        %mul3A_638 = arith.constant 16 : i32
        %mul3A_639 = arith.muli %scan3A_637, %mul3A_638 : i32
        %add3A_640 = arith.constant 320 : i32
        %add3A_641 = arith.addi %add3A_640, %mul3A_639 : i32
        %get3A = arith.index_cast %and3A_40 : i32 to index
        %get3A_642 = arith.index_cast %add3A_641 : i32 to index
        %get3A_643 = tpu.vector_load %arg10[%get3A, %get3A_642] {strides = array<i32>} : memref<2x512xi32, #tpu.memory_space<vmem>>, vector<16xi32>,
        %mul3A_644 = arith.constant 16 : i32
        %mul3A_645 = arith.muli %scan3A_637, %mul3A_644 : i32
        %add3A_646 = arith.constant 320 : i32
        %add3A_647 = arith.addi %add3A_646, %mul3A_645 : i32
        %get3A_648 = arith.index_cast %and3A_40 : i32 to index
        %get3A_649 = arith.index_cast %add3A_647 : i32 to index
        %get3A_650 = tpu.vector_load %arg9[%get3A_648, %get3A_649] {strides = array<i32>} : memref<2x512xi32, #tpu.memory_space<vmem>>, vector<16xi32>,
        %mul3A_651 = arith.constant 16 : i32
        %mul3A_652 = arith.muli %scan3A_637, %mul3A_651 : i32
        %add3A_653 = arith.constant 320 : i32
        %add3A_654 = arith.addi %add3A_653, %mul3A_652 : i32
        %get3A_655 = arith.index_cast %and3A_40 : i32 to index
        %get3A_656 = arith.index_cast %add3A_654 : i32 to index
        %get3A_657 = tpu.vector_load %arg11[%get3A_655, %get3A_656] {strides = array<i32>} : memref<2x512xf32, #tpu.memory_space<vmem>>, vector<16xf32>,
        %gather3A = tpu.vector_load_idx %arg12[%get3A_650] : memref<10000xf32, #tpu.memory_space<vmem>>[vector<16xi32>], vector<16xf32>,
        %add3A_658 = arith.addf %gather3A, %get3A_657 : vector<16xf32>
        %masked_sort3A = arith.constant dense<true> : vector<16xi1>
        %masked_sort3A_659 = arith.constant -2147483648 : i32
        %masked_sort3A_660 = vector.broadcast %masked_sort3A_659 : i32 to vector<16xi32>
        %masked_sort3A_661 = arith.xori %get3A_643, %masked_sort3A_660 : vector<16xi32>
        %masked_sort3A_662, %masked_sort3A_663, %masked_sort3A_664 = tpu.sort %masked_sort3A_661, %add3A_658 masked %masked_sort3A : (vector<16xi32>, vector<16xf32>, vector<16xi1>) -> (vector<16xi1>, vector<16xi32>, vector<16xf32>)
        %masked_sort3A_665 = arith.xori %masked_sort3A_663, %masked_sort3A_660 : vector<16xi32>
        %broadcast_in_dim3A_666 = arith.constant true
        %broadcast_in_dim3A_667 = vector.broadcast %broadcast_in_dim3A_666 : i1 to vector<16xi1>
        %masked_cumsum3A = tpu.scan <sum>, %masked_sort3A_664 masked %broadcast_in_dim3A_667 : vector<16xf32>, vector<16xi1> -> vector<16xf32>
        %swap3A_668 = arith.constant 0 : index
        %swap3A_669 = tpu.vector_load %arg16[%swap3A_668] {strides = array<i32>} : memref<32xi32, #tpu.memory_space<vmem>>, vector<16xi32>,
        tpu.vector_store %arg16[%swap3A_668], %masked_sort3A_665 {strides = array<i32>} : memref<32xi32, #tpu.memory_space<vmem>>, vector<16xi32>,
        %get3A_670 = arith.constant 1 : index
        %get3A_671 = tpu.vector_load %arg16[%get3A_670] {strides = array<i32>} : memref<32xi32, #tpu.memory_space<vmem>>, vector<16xi32>,
        %ne3A = arith.cmpi ne, %masked_sort3A_665, %get3A_671 : vector<16xi32>
        %max3A = arith.constant 0 : i32
        %max3A_672 = vector.broadcast %max3A : i32 to vector<16xi32>
        %max3A_673 = arith.maxsi %get3A_671, %max3A_672 : vector<16xi32>
        %shift_right_arithmetic3A = arith.constant 7 : i32
        %shift_right_arithmetic3A_674 = vector.broadcast %shift_right_arithmetic3A : i32 to vector<16xi32>
        %shift_right_arithmetic3A_675 = arith.shrsi %masked_sort3A_665, %shift_right_arithmetic3A_674 : vector<16xi32>
        %and3A_676 = arith.constant 127 : i32
        %and3A_677 = vector.broadcast %and3A_676 : i32 to vector<16xi32>
        %and3A_678 = arith.andi %masked_sort3A_665, %and3A_677 : vector<16xi32>
        tpu.vector_store_idx %arg15[%shift_right_arithmetic3A_675, %and3A_678], %masked_cumsum3A masked %ne3A {add = true} : memref<80x128xf32, #tpu.memory_space<vmem>>[vector<16xi32>, vector<16xi32>], vector<16xf32>, vector<16xi1>
        %shift_right_arithmetic3A_679 = arith.constant 7 : i32
        %shift_right_arithmetic3A_680 = vector.broadcast %shift_right_arithmetic3A_679 : i32 to vector<16xi32>
        %shift_right_arithmetic3A_681 = arith.shrsi %max3A_673, %shift_right_arithmetic3A_680 : vector<16xi32>
        %and3A_682 = arith.constant 127 : i32
        %and3A_683 = vector.broadcast %and3A_682 : i32 to vector<16xi32>
        %and3A_684 = arith.andi %max3A_673, %and3A_683 : vector<16xi32>
        %neg3A = arith.constant 0.000000e+00 : f32
        %neg3A_685 = vector.broadcast %neg3A : f32 to vector<16xf32>
        %neg3A_686 = arith.subf %neg3A_685, %masked_cumsum3A : vector<16xf32>
        %ge3A = arith.constant 0 : i32
        %ge3A_687 = vector.broadcast %ge3A : i32 to vector<16xi32>
        %ge3A_688 = arith.cmpi sge, %get3A_671, %ge3A_687 : vector<16xi32>
        %and3A_689 = arith.andi %ne3A, %ge3A_688 : vector<16xi1>
        tpu.vector_store_idx %arg15[%shift_right_arithmetic3A_681, %and3A_684], %neg3A_686 masked %and3A_689 {add = true} : memref<80x128xf32, #tpu.memory_space<vmem>>[vector<16xi32>, vector<16xi32>], vector<16xf32>, vector<16xi1>
      }
      %scan3A_486 = arith.constant 4 : i32
      %dma_wait3A_487 = arith.constant 0 : i32
      %dma_wait3A_488 = arith.constant 0 : i32
      %dma_wait3A_489 = arith.constant 0 : i32
      %dma_wait3A_490 = tpu.memref_slice %arg13[%dma_wait3A_487, %dma_wait3A_488, %dma_wait3A_489] : memref<2x64x128xf32, #tpu.memory_space<vmem>> -> memref<1x64x128xf32, #tpu.memory_space<vmem>>
      %dma_wait3A_491 = tpu.memref_squeeze %dma_wait3A_490 : memref<1x64x128xf32, #tpu.memory_space<vmem>> -> memref<64x128xf32, #tpu.memory_space<vmem>>
      %dma_wait3A_492 = arith.constant 384 : i32
      %dma_wait3A_493 = tpu.memref_slice %arg9[%and3A_40, %dma_wait3A_492] : memref<2x512xi32, #tpu.memory_space<vmem>> -> memref<1x64xi32, #tpu.memory_space<vmem>>
      %dma_wait3A_494 = tpu.memref_squeeze %dma_wait3A_493 : memref<1x64xi32, #tpu.memory_space<vmem>> -> memref<64xi32, #tpu.memory_space<vmem>>
      %dma_wait3A_495 = arith.constant 0 : i32
      %dma_wait3A_496 = arith.constant 0 : i32
      %dma_wait3A_497 = tpu.memref_slice %arg2[%dma_wait3A_495, %dma_wait3A_496] : memref<18000x128xf32, #tpu.memory_space<hbm>> -> memref<18000x128xf32, #tpu.memory_space<hbm>>
      tpu.wait_indirect_dma semaphore(%arg21 : memref<!tpu.dma_semaphore, #tpu.memory_space<semaphore_mem>>) src(%dma_wait3A_497 : memref<18000x128xf32, #tpu.memory_space<hbm>>) dst(%dma_wait3A_491 : memref<64x128xf32, #tpu.memory_space<vmem>>)
      %dma_wait3A_498 = arith.constant 1 : i32
      %dma_wait3A_499 = arith.constant 1 : i32
      %dma_wait3A_500 = arith.constant 0 : i32
      %dma_wait3A_501 = arith.constant 0 : i32
      %dma_wait3A_502 = tpu.memref_slice %arg13[%dma_wait3A_498, %dma_wait3A_500, %dma_wait3A_501] : memref<2x64x128xf32, #tpu.memory_space<vmem>> -> memref<1x64x128xf32, #tpu.memory_space<vmem>>
      %dma_wait3A_503 = tpu.memref_squeeze %dma_wait3A_502 : memref<1x64x128xf32, #tpu.memory_space<vmem>> -> memref<64x128xf32, #tpu.memory_space<vmem>>
      %dma_wait3A_504 = arith.constant 0 : i32
      %dma_wait3A_505 = tpu.memref_slice %arg18[%dma_wait3A_499, %dma_wait3A_504] : memref<2x64xi32, #tpu.memory_space<vmem>> -> memref<1x64xi32, #tpu.memory_space<vmem>>
      %dma_wait3A_506 = tpu.memref_squeeze %dma_wait3A_505 : memref<1x64xi32, #tpu.memory_space<vmem>> -> memref<64xi32, #tpu.memory_space<vmem>>
      %dma_wait3A_507 = arith.constant 0 : i32
      %dma_wait3A_508 = arith.constant 0 : i32
      %dma_wait3A_509 = tpu.memref_slice %arg19[%dma_wait3A_507, %dma_wait3A_508] : memref<10240x128xf32, #tpu.memory_space<vmem_shared>> -> memref<10240x128xf32, #tpu.memory_space<vmem_shared>>
      tpu.wait_indirect_dma semaphore(%arg22 : memref<!tpu.dma_semaphore, #tpu.memory_space<semaphore_mem>>) src(%dma_wait3A_503 : memref<64x128xf32, #tpu.memory_space<vmem>>) dst(%dma_wait3A_509 : memref<10240x128xf32, #tpu.memory_space<vmem_shared>>)
      %dma_wait3A_510 = arith.constant 1 : i32
      %dma_wait3A_511 = arith.constant 0 : i32
      %dma_wait3A_512 = tpu.memref_slice %arg18[%dma_wait3A_510, %dma_wait3A_511] : memref<2x64xi32, #tpu.memory_space<vmem>> -> memref<1x64xi32, #tpu.memory_space<vmem>>
      %dma_wait3A_513 = tpu.memref_squeeze %dma_wait3A_512 : memref<1x64xi32, #tpu.memory_space<vmem>> -> memref<64xi32, #tpu.memory_space<vmem>>
      %dma_wait3A_514 = arith.constant 0 : i32
      %dma_wait3A_515 = arith.constant 0 : i32
      %dma_wait3A_516 = tpu.memref_slice %arg19[%dma_wait3A_514, %dma_wait3A_515] : memref<10240x128xf32, #tpu.memory_space<vmem_shared>> -> memref<10240x128xf32, #tpu.memory_space<vmem_shared>>
      tpu.wait_indirect_dma semaphore(%arg22 : memref<!tpu.dma_semaphore, #tpu.memory_space<semaphore_mem>>) src(%arg14 : memref<64x128xf32, #tpu.memory_space<vmem>>) dst(%dma_wait3A_516 : memref<10240x128xf32, #tpu.memory_space<vmem_shared>>)
      %scan3A_517 = arith.constant 0 : i32
      %scan3A_518 = arith.constant 0 : i32
      %scan3A_519 = arith.constant 4 : i32
      %scan3A_520 = arith.addi %scan3A_518, %scan3A_519 : i32
      %scan3A_521 = arith.constant 1 : i32
      scf.for %scan3A_637 = %scan3A_518 to %scan3A_520 step %scan3A_521  : i32 {
        %mul3A_638 = arith.constant 16 : i32
        %mul3A_639 = arith.muli %scan3A_637, %mul3A_638 : i32
        %add3A_640 = arith.constant 448 : i32
        %add3A_641 = arith.addi %add3A_640, %mul3A_639 : i32
        %get3A = arith.index_cast %and3A_40 : i32 to index
        %get3A_642 = arith.index_cast %add3A_641 : i32 to index
        %get3A_643 = tpu.vector_load %arg10[%get3A, %get3A_642] {strides = array<i32>} : memref<2x512xi32, #tpu.memory_space<vmem>>, vector<16xi32>,
        %mul3A_644 = arith.constant 16 : i32
        %mul3A_645 = arith.muli %scan3A_637, %mul3A_644 : i32
        %swap3A_646 = arith.constant 1 : i32
        %swap3A_647 = arith.index_cast %swap3A_646 : i32 to index
        %swap3A_648 = arith.index_cast %mul3A_645 : i32 to index
        %swap3A_649 = tpu.vector_load %arg18[%swap3A_647, %swap3A_648] {strides = array<i32>} : memref<2x64xi32, #tpu.memory_space<vmem>>, vector<16xi32>,
        tpu.vector_store %arg18[%swap3A_647, %swap3A_648], %get3A_643 {strides = array<i32>} : memref<2x64xi32, #tpu.memory_space<vmem>>, vector<16xi32>,
      }
      %scan3A_522 = arith.constant 4 : i32
      %dma_start3A_523 = arith.constant 1 : i32
      %dma_start3A_524 = arith.constant 0 : i32
      %dma_start3A_525 = arith.constant 0 : i32
      %dma_start3A_526 = tpu.memref_slice %arg13[%dma_start3A_523, %dma_start3A_524, %dma_start3A_525] : memref<2x64x128xf32, #tpu.memory_space<vmem>> -> memref<1x64x128xf32, #tpu.memory_space<vmem>>
      %dma_start3A_527 = tpu.memref_squeeze %dma_start3A_526 : memref<1x64x128xf32, #tpu.memory_space<vmem>> -> memref<64x128xf32, #tpu.memory_space<vmem>>
      %dma_start3A_528 = arith.constant 448 : i32
      %dma_start3A_529 = tpu.memref_slice %arg9[%and3A_40, %dma_start3A_528] : memref<2x512xi32, #tpu.memory_space<vmem>> -> memref<1x64xi32, #tpu.memory_space<vmem>>
      %dma_start3A_530 = tpu.memref_squeeze %dma_start3A_529 : memref<1x64xi32, #tpu.memory_space<vmem>> -> memref<64xi32, #tpu.memory_space<vmem>>
      %dma_start3A_531 = arith.constant 0 : i32
      %dma_start3A_532 = arith.constant 0 : i32
      %dma_start3A_533 = tpu.memref_slice %arg2[%dma_start3A_531, %dma_start3A_532] : memref<18000x128xf32, #tpu.memory_space<hbm>> -> memref<18000x128xf32, #tpu.memory_space<hbm>>
      tpu.enqueue_indirect_dma source(%dma_start3A_533 : memref<18000x128xf32, #tpu.memory_space<hbm>>) target(%dma_start3A_527 : memref<64x128xf32, #tpu.memory_space<vmem>>) offsets(%dma_start3A_530 : memref<64xi32, #tpu.memory_space<vmem>>) semaphore(%arg21 : memref<!tpu.dma_semaphore, #tpu.memory_space<semaphore_mem>>)
      %add3A_534 = arith.constant 384 : i32
      %add3A_535 = arith.addi %add3A, %add3A_534 : i32
      "tpu.region"() ({
        %run_scoped3A_637 = tpu.sem_alloc : memref<!tpu.dma_semaphore, #tpu.memory_space<semaphore_mem>>
        %dma_start3A_638 = arith.constant 0 : i32
        %dma_start3A_639 = tpu.memref_slice %arg3[%add3A_535, %dma_start3A_638] : memref<327680x128xf32, #tpu.memory_space<hbm>> -> memref<64x128xf32, #tpu.memory_space<hbm>>
        %dma_start3A_640 = arith.constant 0 : i32
        %dma_start3A_641 = tpu.memref_slice %arg3[%add3A_535, %dma_start3A_640] : memref<327680x128xf32, #tpu.memory_space<hbm>> -> memref<64x128xf32, #tpu.memory_space<hbm>>
        tpu.enqueue_dma source(%dma_start3A_641 : memref<64x128xf32, #tpu.memory_space<hbm>>) target(%arg14 : memref<64x128xf32, #tpu.memory_space<vmem>>) target_semaphore(%run_scoped3A_637 : memref<!tpu.dma_semaphore, #tpu.memory_space<semaphore_mem>>)
        %dma_wait3A_642 = arith.constant 0 : i32
        %dma_wait3A_643 = tpu.memref_slice %arg3[%add3A_535, %dma_wait3A_642] : memref<327680x128xf32, #tpu.memory_space<hbm>> -> memref<64x128xf32, #tpu.memory_space<hbm>>
        %dma_wait3A_644 = arith.constant 0 : i32
        %dma_wait3A_645 = tpu.memref_slice %arg3[%add3A_535, %dma_wait3A_644] : memref<327680x128xf32, #tpu.memory_space<hbm>> -> memref<64x128xf32, #tpu.memory_space<hbm>>
        tpu.wait_dma2 semaphore(%run_scoped3A_637 : memref<!tpu.dma_semaphore, #tpu.memory_space<semaphore_mem>>) src(%dma_wait3A_645 : memref<64x128xf32, #tpu.memory_space<hbm>>) dst(%arg14 : memref<64x128xf32, #tpu.memory_space<vmem>>)
        tpu.yield
      }) : () -> ()
      %dma_start3A_536 = arith.constant 0 : i32
      %dma_start3A_537 = arith.constant 0 : i32
      %dma_start3A_538 = arith.constant 0 : i32
      %dma_start3A_539 = arith.constant 0 : i32
      %dma_start3A_540 = tpu.memref_slice %arg13[%dma_start3A_536, %dma_start3A_538, %dma_start3A_539] : memref<2x64x128xf32, #tpu.memory_space<vmem>> -> memref<1x64x128xf32, #tpu.memory_space<vmem>>
      %dma_start3A_541 = tpu.memref_squeeze %dma_start3A_540 : memref<1x64x128xf32, #tpu.memory_space<vmem>> -> memref<64x128xf32, #tpu.memory_space<vmem>>
      %dma_start3A_542 = arith.constant 0 : i32
      %dma_start3A_543 = tpu.memref_slice %arg18[%dma_start3A_537, %dma_start3A_542] : memref<2x64xi32, #tpu.memory_space<vmem>> -> memref<1x64xi32, #tpu.memory_space<vmem>>
      %dma_start3A_544 = tpu.memref_squeeze %dma_start3A_543 : memref<1x64xi32, #tpu.memory_space<vmem>> -> memref<64xi32, #tpu.memory_space<vmem>>
      %dma_start3A_545 = arith.constant 0 : i32
      %dma_start3A_546 = arith.constant 0 : i32
      %dma_start3A_547 = tpu.memref_slice %arg19[%dma_start3A_545, %dma_start3A_546] : memref<10240x128xf32, #tpu.memory_space<vmem_shared>> -> memref<10240x128xf32, #tpu.memory_space<vmem_shared>>
      tpu.enqueue_indirect_dma source(%dma_start3A_541 : memref<64x128xf32, #tpu.memory_space<vmem>>) target(%dma_start3A_547 : memref<10240x128xf32, #tpu.memory_space<vmem_shared>>) offsets(%dma_start3A_544 : memref<64xi32, #tpu.memory_space<vmem>>) semaphore(%arg22 : memref<!tpu.dma_semaphore, #tpu.memory_space<semaphore_mem>>) {add = true}
      %dma_start3A_548 = arith.constant 0 : i32
      %dma_start3A_549 = arith.constant 0 : i32
      %dma_start3A_550 = tpu.memref_slice %arg18[%dma_start3A_548, %dma_start3A_549] : memref<2x64xi32, #tpu.memory_space<vmem>> -> memref<1x64xi32, #tpu.memory_space<vmem>>
      %dma_start3A_551 = tpu.memref_squeeze %dma_start3A_550 : memref<1x64xi32, #tpu.memory_space<vmem>> -> memref<64xi32, #tpu.memory_space<vmem>>
      %dma_start3A_552 = arith.constant 0 : i32
      %dma_start3A_553 = arith.constant 0 : i32
      %dma_start3A_554 = tpu.memref_slice %arg19[%dma_start3A_552, %dma_start3A_553] : memref<10240x128xf32, #tpu.memory_space<vmem_shared>> -> memref<10240x128xf32, #tpu.memory_space<vmem_shared>>
      tpu.enqueue_indirect_dma source(%arg14 : memref<64x128xf32, #tpu.memory_space<vmem>>) target(%dma_start3A_554 : memref<10240x128xf32, #tpu.memory_space<vmem_shared>>) offsets(%dma_start3A_551 : memref<64xi32, #tpu.memory_space<vmem>>) semaphore(%arg22 : memref<!tpu.dma_semaphore, #tpu.memory_space<semaphore_mem>>) {add = true}
      %scan3A_555 = arith.constant 0 : i32
      %scan3A_556 = arith.constant 0 : i32
      %scan3A_557 = arith.constant 4 : i32
      %scan3A_558 = arith.addi %scan3A_556, %scan3A_557 : i32
      %scan3A_559 = arith.constant 1 : i32
      scf.for %scan3A_637 = %scan3A_556 to %scan3A_558 step %scan3A_559  : i32 {
        %mul3A_638 = arith.constant 16 : i32
        %mul3A_639 = arith.muli %scan3A_637, %mul3A_638 : i32
        %add3A_640 = arith.constant 384 : i32
        %add3A_641 = arith.addi %add3A_640, %mul3A_639 : i32
        %get3A = arith.index_cast %and3A_40 : i32 to index
        %get3A_642 = arith.index_cast %add3A_641 : i32 to index
        %get3A_643 = tpu.vector_load %arg10[%get3A, %get3A_642] {strides = array<i32>} : memref<2x512xi32, #tpu.memory_space<vmem>>, vector<16xi32>,
        %mul3A_644 = arith.constant 16 : i32
        %mul3A_645 = arith.muli %scan3A_637, %mul3A_644 : i32
        %add3A_646 = arith.constant 384 : i32
        %add3A_647 = arith.addi %add3A_646, %mul3A_645 : i32
        %get3A_648 = arith.index_cast %and3A_40 : i32 to index
        %get3A_649 = arith.index_cast %add3A_647 : i32 to index
        %get3A_650 = tpu.vector_load %arg9[%get3A_648, %get3A_649] {strides = array<i32>} : memref<2x512xi32, #tpu.memory_space<vmem>>, vector<16xi32>,
        %mul3A_651 = arith.constant 16 : i32
        %mul3A_652 = arith.muli %scan3A_637, %mul3A_651 : i32
        %add3A_653 = arith.constant 384 : i32
        %add3A_654 = arith.addi %add3A_653, %mul3A_652 : i32
        %get3A_655 = arith.index_cast %and3A_40 : i32 to index
        %get3A_656 = arith.index_cast %add3A_654 : i32 to index
        %get3A_657 = tpu.vector_load %arg11[%get3A_655, %get3A_656] {strides = array<i32>} : memref<2x512xf32, #tpu.memory_space<vmem>>, vector<16xf32>,
        %gather3A = tpu.vector_load_idx %arg12[%get3A_650] : memref<10000xf32, #tpu.memory_space<vmem>>[vector<16xi32>], vector<16xf32>,
        %add3A_658 = arith.addf %gather3A, %get3A_657 : vector<16xf32>
        %masked_sort3A = arith.constant dense<true> : vector<16xi1>
        %masked_sort3A_659 = arith.constant -2147483648 : i32
        %masked_sort3A_660 = vector.broadcast %masked_sort3A_659 : i32 to vector<16xi32>
        %masked_sort3A_661 = arith.xori %get3A_643, %masked_sort3A_660 : vector<16xi32>
        %masked_sort3A_662, %masked_sort3A_663, %masked_sort3A_664 = tpu.sort %masked_sort3A_661, %add3A_658 masked %masked_sort3A : (vector<16xi32>, vector<16xf32>, vector<16xi1>) -> (vector<16xi1>, vector<16xi32>, vector<16xf32>)
        %masked_sort3A_665 = arith.xori %masked_sort3A_663, %masked_sort3A_660 : vector<16xi32>
        %broadcast_in_dim3A_666 = arith.constant true
        %broadcast_in_dim3A_667 = vector.broadcast %broadcast_in_dim3A_666 : i1 to vector<16xi1>
        %masked_cumsum3A = tpu.scan <sum>, %masked_sort3A_664 masked %broadcast_in_dim3A_667 : vector<16xf32>, vector<16xi1> -> vector<16xf32>
        %swap3A_668 = arith.constant 0 : index
        %swap3A_669 = tpu.vector_load %arg16[%swap3A_668] {strides = array<i32>} : memref<32xi32, #tpu.memory_space<vmem>>, vector<16xi32>,
        tpu.vector_store %arg16[%swap3A_668], %masked_sort3A_665 {strides = array<i32>} : memref<32xi32, #tpu.memory_space<vmem>>, vector<16xi32>,
        %get3A_670 = arith.constant 1 : index
        %get3A_671 = tpu.vector_load %arg16[%get3A_670] {strides = array<i32>} : memref<32xi32, #tpu.memory_space<vmem>>, vector<16xi32>,
        %ne3A = arith.cmpi ne, %masked_sort3A_665, %get3A_671 : vector<16xi32>
        %max3A = arith.constant 0 : i32
        %max3A_672 = vector.broadcast %max3A : i32 to vector<16xi32>
        %max3A_673 = arith.maxsi %get3A_671, %max3A_672 : vector<16xi32>
        %shift_right_arithmetic3A = arith.constant 7 : i32
        %shift_right_arithmetic3A_674 = vector.broadcast %shift_right_arithmetic3A : i32 to vector<16xi32>
        %shift_right_arithmetic3A_675 = arith.shrsi %masked_sort3A_665, %shift_right_arithmetic3A_674 : vector<16xi32>
        %and3A_676 = arith.constant 127 : i32
        %and3A_677 = vector.broadcast %and3A_676 : i32 to vector<16xi32>
        %and3A_678 = arith.andi %masked_sort3A_665, %and3A_677 : vector<16xi32>
        tpu.vector_store_idx %arg15[%shift_right_arithmetic3A_675, %and3A_678], %masked_cumsum3A masked %ne3A {add = true} : memref<80x128xf32, #tpu.memory_space<vmem>>[vector<16xi32>, vector<16xi32>], vector<16xf32>, vector<16xi1>
        %shift_right_arithmetic3A_679 = arith.constant 7 : i32
        %shift_right_arithmetic3A_680 = vector.broadcast %shift_right_arithmetic3A_679 : i32 to vector<16xi32>
        %shift_right_arithmetic3A_681 = arith.shrsi %max3A_673, %shift_right_arithmetic3A_680 : vector<16xi32>
        %and3A_682 = arith.constant 127 : i32
        %and3A_683 = vector.broadcast %and3A_682 : i32 to vector<16xi32>
        %and3A_684 = arith.andi %max3A_673, %and3A_683 : vector<16xi32>
        %neg3A = arith.constant 0.000000e+00 : f32
        %neg3A_685 = vector.broadcast %neg3A : f32 to vector<16xf32>
        %neg3A_686 = arith.subf %neg3A_685, %masked_cumsum3A : vector<16xf32>
        %ge3A = arith.constant 0 : i32
        %ge3A_687 = vector.broadcast %ge3A : i32 to vector<16xi32>
        %ge3A_688 = arith.cmpi sge, %get3A_671, %ge3A_687 : vector<16xi32>
        %and3A_689 = arith.andi %ne3A, %ge3A_688 : vector<16xi1>
        tpu.vector_store_idx %arg15[%shift_right_arithmetic3A_681, %and3A_684], %neg3A_686 masked %and3A_689 {add = true} : memref<80x128xf32, #tpu.memory_space<vmem>>[vector<16xi32>, vector<16xi32>], vector<16xf32>, vector<16xi1>
      }
      %scan3A_560 = arith.constant 4 : i32
      %dma_wait3A_561 = arith.constant 1 : i32
      %dma_wait3A_562 = arith.constant 0 : i32
      %dma_wait3A_563 = arith.constant 0 : i32
      %dma_wait3A_564 = tpu.memref_slice %arg13[%dma_wait3A_561, %dma_wait3A_562, %dma_wait3A_563] : memref<2x64x128xf32, #tpu.memory_space<vmem>> -> memref<1x64x128xf32, #tpu.memory_space<vmem>>
      %dma_wait3A_565 = tpu.memref_squeeze %dma_wait3A_564 : memref<1x64x128xf32, #tpu.memory_space<vmem>> -> memref<64x128xf32, #tpu.memory_space<vmem>>
      %dma_wait3A_566 = arith.constant 448 : i32
      %dma_wait3A_567 = tpu.memref_slice %arg9[%and3A_40, %dma_wait3A_566] : memref<2x512xi32, #tpu.memory_space<vmem>> -> memref<1x64xi32, #tpu.memory_space<vmem>>
      %dma_wait3A_568 = tpu.memref_squeeze %dma_wait3A_567 : memref<1x64xi32, #tpu.memory_space<vmem>> -> memref<64xi32, #tpu.memory_space<vmem>>
      %dma_wait3A_569 = arith.constant 0 : i32
      %dma_wait3A_570 = arith.constant 0 : i32
      %dma_wait3A_571 = tpu.memref_slice %arg2[%dma_wait3A_569, %dma_wait3A_570] : memref<18000x128xf32, #tpu.memory_space<hbm>> -> memref<18000x128xf32, #tpu.memory_space<hbm>>
      tpu.wait_indirect_dma semaphore(%arg21 : memref<!tpu.dma_semaphore, #tpu.memory_space<semaphore_mem>>) src(%dma_wait3A_571 : memref<18000x128xf32, #tpu.memory_space<hbm>>) dst(%dma_wait3A_565 : memref<64x128xf32, #tpu.memory_space<vmem>>)
      %dma_wait3A_572 = arith.constant 0 : i32
      %dma_wait3A_573 = arith.constant 0 : i32
      %dma_wait3A_574 = arith.constant 0 : i32
      %dma_wait3A_575 = arith.constant 0 : i32
      %dma_wait3A_576 = tpu.memref_slice %arg13[%dma_wait3A_572, %dma_wait3A_574, %dma_wait3A_575] : memref<2x64x128xf32, #tpu.memory_space<vmem>> -> memref<1x64x128xf32, #tpu.memory_space<vmem>>
      %dma_wait3A_577 = tpu.memref_squeeze %dma_wait3A_576 : memref<1x64x128xf32, #tpu.memory_space<vmem>> -> memref<64x128xf32, #tpu.memory_space<vmem>>
      %dma_wait3A_578 = arith.constant 0 : i32
      %dma_wait3A_579 = tpu.memref_slice %arg18[%dma_wait3A_573, %dma_wait3A_578] : memref<2x64xi32, #tpu.memory_space<vmem>> -> memref<1x64xi32, #tpu.memory_space<vmem>>
      %dma_wait3A_580 = tpu.memref_squeeze %dma_wait3A_579 : memref<1x64xi32, #tpu.memory_space<vmem>> -> memref<64xi32, #tpu.memory_space<vmem>>
      %dma_wait3A_581 = arith.constant 0 : i32
      %dma_wait3A_582 = arith.constant 0 : i32
      %dma_wait3A_583 = tpu.memref_slice %arg19[%dma_wait3A_581, %dma_wait3A_582] : memref<10240x128xf32, #tpu.memory_space<vmem_shared>> -> memref<10240x128xf32, #tpu.memory_space<vmem_shared>>
      tpu.wait_indirect_dma semaphore(%arg22 : memref<!tpu.dma_semaphore, #tpu.memory_space<semaphore_mem>>) src(%dma_wait3A_577 : memref<64x128xf32, #tpu.memory_space<vmem>>) dst(%dma_wait3A_583 : memref<10240x128xf32, #tpu.memory_space<vmem_shared>>)
      %dma_wait3A_584 = arith.constant 0 : i32
      %dma_wait3A_585 = arith.constant 0 : i32
      %dma_wait3A_586 = tpu.memref_slice %arg18[%dma_wait3A_584, %dma_wait3A_585] : memref<2x64xi32, #tpu.memory_space<vmem>> -> memref<1x64xi32, #tpu.memory_space<vmem>>
      %dma_wait3A_587 = tpu.memref_squeeze %dma_wait3A_586 : memref<1x64xi32, #tpu.memory_space<vmem>> -> memref<64xi32, #tpu.memory_space<vmem>>
      %dma_wait3A_588 = arith.constant 0 : i32
      %dma_wait3A_589 = arith.constant 0 : i32
      %dma_wait3A_590 = tpu.memref_slice %arg19[%dma_wait3A_588, %dma_wait3A_589] : memref<10240x128xf32, #tpu.memory_space<vmem_shared>> -> memref<10240x128xf32, #tpu.memory_space<vmem_shared>>
      tpu.wait_indirect_dma semaphore(%arg22 : memref<!tpu.dma_semaphore, #tpu.memory_space<semaphore_mem>>) src(%arg14 : memref<64x128xf32, #tpu.memory_space<vmem>>) dst(%dma_wait3A_590 : memref<10240x128xf32, #tpu.memory_space<vmem_shared>>)
      %add3A_591 = arith.constant 448 : i32
      %add3A_592 = arith.addi %add3A, %add3A_591 : i32
      "tpu.region"() ({
        %run_scoped3A_637 = tpu.sem_alloc : memref<!tpu.dma_semaphore, #tpu.memory_space<semaphore_mem>>
        %dma_start3A_638 = arith.constant 0 : i32
        %dma_start3A_639 = tpu.memref_slice %arg3[%add3A_592, %dma_start3A_638] : memref<327680x128xf32, #tpu.memory_space<hbm>> -> memref<64x128xf32, #tpu.memory_space<hbm>>
        %dma_start3A_640 = arith.constant 0 : i32
        %dma_start3A_641 = tpu.memref_slice %arg3[%add3A_592, %dma_start3A_640] : memref<327680x128xf32, #tpu.memory_space<hbm>> -> memref<64x128xf32, #tpu.memory_space<hbm>>
        tpu.enqueue_dma source(%dma_start3A_641 : memref<64x128xf32, #tpu.memory_space<hbm>>) target(%arg14 : memref<64x128xf32, #tpu.memory_space<vmem>>) target_semaphore(%run_scoped3A_637 : memref<!tpu.dma_semaphore, #tpu.memory_space<semaphore_mem>>)
        %dma_wait3A_642 = arith.constant 0 : i32
        %dma_wait3A_643 = tpu.memref_slice %arg3[%add3A_592, %dma_wait3A_642] : memref<327680x128xf32, #tpu.memory_space<hbm>> -> memref<64x128xf32, #tpu.memory_space<hbm>>
        %dma_wait3A_644 = arith.constant 0 : i32
        %dma_wait3A_645 = tpu.memref_slice %arg3[%add3A_592, %dma_wait3A_644] : memref<327680x128xf32, #tpu.memory_space<hbm>> -> memref<64x128xf32, #tpu.memory_space<hbm>>
        tpu.wait_dma2 semaphore(%run_scoped3A_637 : memref<!tpu.dma_semaphore, #tpu.memory_space<semaphore_mem>>) src(%dma_wait3A_645 : memref<64x128xf32, #tpu.memory_space<hbm>>) dst(%arg14 : memref<64x128xf32, #tpu.memory_space<vmem>>)
        tpu.yield
      }) : () -> ()
      %dma_start3A_593 = arith.constant 1 : i32
      %dma_start3A_594 = arith.constant 1 : i32
      %dma_start3A_595 = arith.constant 0 : i32
      %dma_start3A_596 = arith.constant 0 : i32
      %dma_start3A_597 = tpu.memref_slice %arg13[%dma_start3A_593, %dma_start3A_595, %dma_start3A_596] : memref<2x64x128xf32, #tpu.memory_space<vmem>> -> memref<1x64x128xf32, #tpu.memory_space<vmem>>
      %dma_start3A_598 = tpu.memref_squeeze %dma_start3A_597 : memref<1x64x128xf32, #tpu.memory_space<vmem>> -> memref<64x128xf32, #tpu.memory_space<vmem>>
      %dma_start3A_599 = arith.constant 0 : i32
      %dma_start3A_600 = tpu.memref_slice %arg18[%dma_start3A_594, %dma_start3A_599] : memref<2x64xi32, #tpu.memory_space<vmem>> -> memref<1x64xi32, #tpu.memory_space<vmem>>
      %dma_start3A_601 = tpu.memref_squeeze %dma_start3A_600 : memref<1x64xi32, #tpu.memory_space<vmem>> -> memref<64xi32, #tpu.memory_space<vmem>>
      %dma_start3A_602 = arith.constant 0 : i32
      %dma_start3A_603 = arith.constant 0 : i32
      %dma_start3A_604 = tpu.memref_slice %arg19[%dma_start3A_602, %dma_start3A_603] : memref<10240x128xf32, #tpu.memory_space<vmem_shared>> -> memref<10240x128xf32, #tpu.memory_space<vmem_shared>>
      tpu.enqueue_indirect_dma source(%dma_start3A_598 : memref<64x128xf32, #tpu.memory_space<vmem>>) target(%dma_start3A_604 : memref<10240x128xf32, #tpu.memory_space<vmem_shared>>) offsets(%dma_start3A_601 : memref<64xi32, #tpu.memory_space<vmem>>) semaphore(%arg22 : memref<!tpu.dma_semaphore, #tpu.memory_space<semaphore_mem>>) {add = true}
      %dma_start3A_605 = arith.constant 1 : i32
      %dma_start3A_606 = arith.constant 0 : i32
      %dma_start3A_607 = tpu.memref_slice %arg18[%dma_start3A_605, %dma_start3A_606] : memref<2x64xi32, #tpu.memory_space<vmem>> -> memref<1x64xi32, #tpu.memory_space<vmem>>
      %dma_start3A_608 = tpu.memref_squeeze %dma_start3A_607 : memref<1x64xi32, #tpu.memory_space<vmem>> -> memref<64xi32, #tpu.memory_space<vmem>>
      %dma_start3A_609 = arith.constant 0 : i32
      %dma_start3A_610 = arith.constant 0 : i32
      %dma_start3A_611 = tpu.memref_slice %arg19[%dma_start3A_609, %dma_start3A_610] : memref<10240x128xf32, #tpu.memory_space<vmem_shared>> -> memref<10240x128xf32, #tpu.memory_space<vmem_shared>>
      tpu.enqueue_indirect_dma source(%arg14 : memref<64x128xf32, #tpu.memory_space<vmem>>) target(%dma_start3A_611 : memref<10240x128xf32, #tpu.memory_space<vmem_shared>>) offsets(%dma_start3A_608 : memref<64xi32, #tpu.memory_space<vmem>>) semaphore(%arg22 : memref<!tpu.dma_semaphore, #tpu.memory_space<semaphore_mem>>) {add = true}
      %scan3A_612 = arith.constant 0 : i32
      %scan3A_613 = arith.constant 0 : i32
      %scan3A_614 = arith.constant 4 : i32
      %scan3A_615 = arith.addi %scan3A_613, %scan3A_614 : i32
      %scan3A_616 = arith.constant 1 : i32
      scf.for %scan3A_637 = %scan3A_613 to %scan3A_615 step %scan3A_616  : i32 {
        %mul3A_638 = arith.constant 16 : i32
        %mul3A_639 = arith.muli %scan3A_637, %mul3A_638 : i32
        %add3A_640 = arith.constant 448 : i32
        %add3A_641 = arith.addi %add3A_640, %mul3A_639 : i32
        %get3A = arith.index_cast %and3A_40 : i32 to index
        %get3A_642 = arith.index_cast %add3A_641 : i32 to index
        %get3A_643 = tpu.vector_load %arg10[%get3A, %get3A_642] {strides = array<i32>} : memref<2x512xi32, #tpu.memory_space<vmem>>, vector<16xi32>,
        %mul3A_644 = arith.constant 16 : i32
        %mul3A_645 = arith.muli %scan3A_637, %mul3A_644 : i32
        %add3A_646 = arith.constant 448 : i32
        %add3A_647 = arith.addi %add3A_646, %mul3A_645 : i32
        %get3A_648 = arith.index_cast %and3A_40 : i32 to index
        %get3A_649 = arith.index_cast %add3A_647 : i32 to index
        %get3A_650 = tpu.vector_load %arg9[%get3A_648, %get3A_649] {strides = array<i32>} : memref<2x512xi32, #tpu.memory_space<vmem>>, vector<16xi32>,
        %mul3A_651 = arith.constant 16 : i32
        %mul3A_652 = arith.muli %scan3A_637, %mul3A_651 : i32
        %add3A_653 = arith.constant 448 : i32
        %add3A_654 = arith.addi %add3A_653, %mul3A_652 : i32
        %get3A_655 = arith.index_cast %and3A_40 : i32 to index
        %get3A_656 = arith.index_cast %add3A_654 : i32 to index
        %get3A_657 = tpu.vector_load %arg11[%get3A_655, %get3A_656] {strides = array<i32>} : memref<2x512xf32, #tpu.memory_space<vmem>>, vector<16xf32>,
        %gather3A = tpu.vector_load_idx %arg12[%get3A_650] : memref<10000xf32, #tpu.memory_space<vmem>>[vector<16xi32>], vector<16xf32>,
        %add3A_658 = arith.addf %gather3A, %get3A_657 : vector<16xf32>
        %masked_sort3A = arith.constant dense<true> : vector<16xi1>
        %masked_sort3A_659 = arith.constant -2147483648 : i32
        %masked_sort3A_660 = vector.broadcast %masked_sort3A_659 : i32 to vector<16xi32>
        %masked_sort3A_661 = arith.xori %get3A_643, %masked_sort3A_660 : vector<16xi32>
        %masked_sort3A_662, %masked_sort3A_663, %masked_sort3A_664 = tpu.sort %masked_sort3A_661, %add3A_658 masked %masked_sort3A : (vector<16xi32>, vector<16xf32>, vector<16xi1>) -> (vector<16xi1>, vector<16xi32>, vector<16xf32>)
        %masked_sort3A_665 = arith.xori %masked_sort3A_663, %masked_sort3A_660 : vector<16xi32>
        %broadcast_in_dim3A_666 = arith.constant true
        %broadcast_in_dim3A_667 = vector.broadcast %broadcast_in_dim3A_666 : i1 to vector<16xi1>
        %masked_cumsum3A = tpu.scan <sum>, %masked_sort3A_664 masked %broadcast_in_dim3A_667 : vector<16xf32>, vector<16xi1> -> vector<16xf32>
        %swap3A_668 = arith.constant 0 : index
        %swap3A_669 = tpu.vector_load %arg16[%swap3A_668] {strides = array<i32>} : memref<32xi32, #tpu.memory_space<vmem>>, vector<16xi32>,
        tpu.vector_store %arg16[%swap3A_668], %masked_sort3A_665 {strides = array<i32>} : memref<32xi32, #tpu.memory_space<vmem>>, vector<16xi32>,
        %get3A_670 = arith.constant 1 : index
        %get3A_671 = tpu.vector_load %arg16[%get3A_670] {strides = array<i32>} : memref<32xi32, #tpu.memory_space<vmem>>, vector<16xi32>,
        %ne3A = arith.cmpi ne, %masked_sort3A_665, %get3A_671 : vector<16xi32>
        %max3A = arith.constant 0 : i32
        %max3A_672 = vector.broadcast %max3A : i32 to vector<16xi32>
        %max3A_673 = arith.maxsi %get3A_671, %max3A_672 : vector<16xi32>
        %shift_right_arithmetic3A = arith.constant 7 : i32
        %shift_right_arithmetic3A_674 = vector.broadcast %shift_right_arithmetic3A : i32 to vector<16xi32>
        %shift_right_arithmetic3A_675 = arith.shrsi %masked_sort3A_665, %shift_right_arithmetic3A_674 : vector<16xi32>
        %and3A_676 = arith.constant 127 : i32
        %and3A_677 = vector.broadcast %and3A_676 : i32 to vector<16xi32>
        %and3A_678 = arith.andi %masked_sort3A_665, %and3A_677 : vector<16xi32>
        tpu.vector_store_idx %arg15[%shift_right_arithmetic3A_675, %and3A_678], %masked_cumsum3A masked %ne3A {add = true} : memref<80x128xf32, #tpu.memory_space<vmem>>[vector<16xi32>, vector<16xi32>], vector<16xf32>, vector<16xi1>
        %shift_right_arithmetic3A_679 = arith.constant 7 : i32
        %shift_right_arithmetic3A_680 = vector.broadcast %shift_right_arithmetic3A_679 : i32 to vector<16xi32>
        %shift_right_arithmetic3A_681 = arith.shrsi %max3A_673, %shift_right_arithmetic3A_680 : vector<16xi32>
        %and3A_682 = arith.constant 127 : i32
        %and3A_683 = vector.broadcast %and3A_682 : i32 to vector<16xi32>
        %and3A_684 = arith.andi %max3A_673, %and3A_683 : vector<16xi32>
        %neg3A = arith.constant 0.000000e+00 : f32
        %neg3A_685 = vector.broadcast %neg3A : f32 to vector<16xf32>
        %neg3A_686 = arith.subf %neg3A_685, %masked_cumsum3A : vector<16xf32>
        %ge3A = arith.constant 0 : i32
        %ge3A_687 = vector.broadcast %ge3A : i32 to vector<16xi32>
        %ge3A_688 = arith.cmpi sge, %get3A_671, %ge3A_687 : vector<16xi32>
        %and3A_689 = arith.andi %ne3A, %ge3A_688 : vector<16xi1>
        tpu.vector_store_idx %arg15[%shift_right_arithmetic3A_681, %and3A_684], %neg3A_686 masked %and3A_689 {add = true} : memref<80x128xf32, #tpu.memory_space<vmem>>[vector<16xi32>, vector<16xi32>], vector<16xf32>, vector<16xi1>
      }
      %scan3A_617 = arith.constant 4 : i32
      %dma_wait3A_618 = arith.constant 1 : i32
      %dma_wait3A_619 = arith.constant 1 : i32
      %dma_wait3A_620 = arith.constant 0 : i32
      %dma_wait3A_621 = arith.constant 0 : i32
      %dma_wait3A_622 = tpu.memref_slice %arg13[%dma_wait3A_618, %dma_wait3A_620, %dma_wait3A_621] : memref<2x64x128xf32, #tpu.memory_space<vmem>> -> memref<1x64x128xf32, #tpu.memory_space<vmem>>
      %dma_wait3A_623 = tpu.memref_squeeze %dma_wait3A_622 : memref<1x64x128xf32, #tpu.memory_space<vmem>> -> memref<64x128xf32, #tpu.memory_space<vmem>>
      %dma_wait3A_624 = arith.constant 0 : i32
      %dma_wait3A_625 = tpu.memref_slice %arg18[%dma_wait3A_619, %dma_wait3A_624] : memref<2x64xi32, #tpu.memory_space<vmem>> -> memref<1x64xi32, #tpu.memory_space<vmem>>
      %dma_wait3A_626 = tpu.memref_squeeze %dma_wait3A_625 : memref<1x64xi32, #tpu.memory_space<vmem>> -> memref<64xi32, #tpu.memory_space<vmem>>
      %dma_wait3A_627 = arith.constant 0 : i32
      %dma_wait3A_628 = arith.constant 0 : i32
      %dma_wait3A_629 = tpu.memref_slice %arg19[%dma_wait3A_627, %dma_wait3A_628] : memref<10240x128xf32, #tpu.memory_space<vmem_shared>> -> memref<10240x128xf32, #tpu.memory_space<vmem_shared>>
      tpu.wait_indirect_dma semaphore(%arg22 : memref<!tpu.dma_semaphore, #tpu.memory_space<semaphore_mem>>) src(%dma_wait3A_623 : memref<64x128xf32, #tpu.memory_space<vmem>>) dst(%dma_wait3A_629 : memref<10240x128xf32, #tpu.memory_space<vmem_shared>>)
      %dma_wait3A_630 = arith.constant 1 : i32
      %dma_wait3A_631 = arith.constant 0 : i32
      %dma_wait3A_632 = tpu.memref_slice %arg18[%dma_wait3A_630, %dma_wait3A_631] : memref<2x64xi32, #tpu.memory_space<vmem>> -> memref<1x64xi32, #tpu.memory_space<vmem>>
      %dma_wait3A_633 = tpu.memref_squeeze %dma_wait3A_632 : memref<1x64xi32, #tpu.memory_space<vmem>> -> memref<64xi32, #tpu.memory_space<vmem>>
      %dma_wait3A_634 = arith.constant 0 : i32
      %dma_wait3A_635 = arith.constant 0 : i32
      %dma_wait3A_636 = tpu.memref_slice %arg19[%dma_wait3A_634, %dma_wait3A_635] : memref<10240x128xf32, #tpu.memory_space<vmem_shared>> -> memref<10240x128xf32, #tpu.memory_space<vmem_shared>>
      tpu.wait_indirect_dma semaphore(%arg22 : memref<!tpu.dma_semaphore, #tpu.memory_space<semaphore_mem>>) src(%arg14 : memref<64x128xf32, #tpu.memory_space<vmem>>) dst(%dma_wait3A_636 : memref<10240x128xf32, #tpu.memory_space<vmem_shared>>)
    }
    %scan3A_29 = arith.constant 40 : i32
    "tpu.region"() ({
      %run_scoped3A_37 = tpu.sem_alloc : memref<!tpu.dma_semaphore, #tpu.memory_space<semaphore_mem>>
      %dma_start3A = arith.constant 0 : i32
      %dma_start3A_38 = arith.constant 0 : i32
      %dma_start3A_39 = tpu.memref_slice %arg19[%dma_start3A, %dma_start3A_38] : memref<10240x128xf32, #tpu.memory_space<vmem_shared>> -> memref<10240x128xf32, #tpu.memory_space<vmem_shared>>
      tpu.enqueue_indirect_dma source(%arg15 : memref<80x128xf32, #tpu.memory_space<vmem>>) target(%dma_start3A_39 : memref<10240x128xf32, #tpu.memory_space<vmem_shared>>) offsets(%arg17 : memref<80xi32, #tpu.memory_space<vmem>>) semaphore(%run_scoped3A_37 : memref<!tpu.dma_semaphore, #tpu.memory_space<semaphore_mem>>) {add = true}
      %dma_wait3A = arith.constant 0 : i32
      %dma_wait3A_40 = arith.constant 0 : i32
      %dma_wait3A_41 = tpu.memref_slice %arg19[%dma_wait3A, %dma_wait3A_40] : memref<10240x128xf32, #tpu.memory_space<vmem_shared>> -> memref<10240x128xf32, #tpu.memory_space<vmem_shared>>
      tpu.wait_indirect_dma semaphore(%run_scoped3A_37 : memref<!tpu.dma_semaphore, #tpu.memory_space<semaphore_mem>>) src(%arg15 : memref<80x128xf32, #tpu.memory_space<vmem>>) dst(%dma_wait3A_41 : memref<10240x128xf32, #tpu.memory_space<vmem_shared>>)
      tpu.yield
    }) : () -> ()
    %barrier3A_30 = arith.constant 0 : index
    tpu.barrier barrier_id(%barrier3A_30)
    %scan3A_31 = arith.constant 0 : i32
    %scan3A_32 = arith.constant 0 : i32
    %scan3A_33 = arith.constant 10 : i32
    %scan3A_34 = arith.addi %scan3A_32, %scan3A_33 : i32
    %scan3A_35 = arith.constant 1 : i32
    scf.for %scan3A_37 = %scan3A_32 to %scan3A_34 step %scan3A_35  : i32 {
      %mul3A_38 = arith.constant 64 : i32
      %mul3A_39 = arith.muli %scan3A_37, %mul3A_38 : i32
      %add3A = arith.addi %mul3A_0, %mul3A_39 : i32
      %mul3A_40 = arith.constant 64 : i32
      %mul3A_41 = arith.muli %scan3A_37, %mul3A_40 : i32
      %add3A_42 = arith.addi %mul3A_0, %mul3A_41 : i32
      "tpu.region"() ({
        %run_scoped3A_43 = tpu.sem_alloc : memref<!tpu.dma_semaphore, #tpu.memory_space<semaphore_mem>>
        %dma_start3A = arith.constant 0 : i32
        %dma_start3A_44 = tpu.memref_slice %arg8[%add3A_42, %dma_start3A] : memref<10240x128xf32, #tpu.memory_space<hbm>> -> memref<64x128xf32, #tpu.memory_space<hbm>>
        %dma_start3A_45 = arith.constant 0 : i32
        %dma_start3A_46 = tpu.memref_slice %arg19[%add3A, %dma_start3A_45] : memref<10240x128xf32, #tpu.memory_space<vmem_shared>> -> memref<64x128xf32, #tpu.memory_space<vmem_shared>>
        tpu.enqueue_dma source(%dma_start3A_46 : memref<64x128xf32, #tpu.memory_space<vmem_shared>>) target(%dma_start3A_44 : memref<64x128xf32, #tpu.memory_space<hbm>>) target_semaphore(%run_scoped3A_43 : memref<!tpu.dma_semaphore, #tpu.memory_space<semaphore_mem>>)
        %dma_wait3A = arith.constant 0 : i32
        %dma_wait3A_47 = tpu.memref_slice %arg8[%add3A_42, %dma_wait3A] : memref<10240x128xf32, #tpu.memory_space<hbm>> -> memref<64x128xf32, #tpu.memory_space<hbm>>
        %dma_wait3A_48 = arith.constant 0 : i32
        %dma_wait3A_49 = tpu.memref_slice %arg19[%add3A, %dma_wait3A_48] : memref<10240x128xf32, #tpu.memory_space<vmem_shared>> -> memref<64x128xf32, #tpu.memory_space<vmem_shared>>
        tpu.wait_dma2 semaphore(%run_scoped3A_43 : memref<!tpu.dma_semaphore, #tpu.memory_space<semaphore_mem>>) src(%dma_wait3A_49 : memref<64x128xf32, #tpu.memory_space<vmem_shared>>) dst(%dma_wait3A_47 : memref<64x128xf32, #tpu.memory_space<hbm>>)
        tpu.yield
      }) : () -> ()
    }
    %scan3A_36 = arith.constant 10 : i32
    return
  }
}

module attributes {stable_mosaic.version = 14 : i64} {
  func.func @_prep_body(%arg0: i32, %arg1: memref<2000x128xf32, #tpu.memory_space<vmem>>, %arg2: memref<1x512xf32, #tpu.memory_space<vmem>>, %arg3: memref<128x512xf32, #tpu.memory_space<vmem>>, %arg4: memref<1x256xf32, #tpu.memory_space<vmem>>, %arg5: memref<2000x128xf32, #tpu.memory_space<vmem>>, %arg6: memref<2000x1xf32, #tpu.memory_space<vmem>>) attributes {dimension_semantics = [#tpu.dimension_semantics<arbitrary>], iteration_bounds = array<i64: 5>, scalar_prefetch = 0 : i64, scratch_operands = 0 : i64, tpu.core_type = #tpu.core_type<tc>, window_params = [{transform_indices = @transform_0, window_bounds = array<i64: 2000, 128>}, {pipeline_mode = #tpu.pipeline_mode<synchronous>, transform_indices = @transform_1, window_bounds = array<i64: 1, 512>}, {pipeline_mode = #tpu.pipeline_mode<synchronous>, transform_indices = @transform_2, window_bounds = array<i64: 128, 512>}, {pipeline_mode = #tpu.pipeline_mode<synchronous>, transform_indices = @transform_3, window_bounds = array<i64: 1, 256>}, {transform_indices = @transform_4, window_bounds = array<i64: 2000, 128>}, {transform_indices = @transform_5, window_bounds = array<i64: 2000, 1>}]} {
    %get3A = arith.constant 0 : index
    %get3A_0 = arith.constant 0 : index
    %get3A_1 = vector.load %arg2[%get3A, %get3A_0] : memref<1x512xf32, #tpu.memory_space<vmem>>, vector<1x512xf32>
    %get3A_2 = arith.constant 0 : index
    %get3A_3 = arith.constant 0 : index
    %get3A_4 = vector.load %arg3[%get3A_2, %get3A_3] : memref<128x512xf32, #tpu.memory_space<vmem>>, vector<128x512xf32>
    %dot_general3A = arith.constant dense<0.000000e+00> : vector<1x128xf32>
    %dot_general3A_5 = tpu.matmul %get3A_1, %get3A_4, %dot_general3A {dimension_numbers = #tpu.dot_dimension_numbers<[1], [1], [0], [0], [0, 0, 1, 0], [], []>, transpose_lhs_hint = false} : vector<1x512xf32>, vector<128x512xf32>, vector<1x128xf32> -> vector<1x128xf32>
    %get3A_6 = arith.constant 0 : index
    %get3A_7 = arith.constant 0 : index
    %get3A_8 = vector.load %arg4[%get3A_6, %get3A_7] : memref<1x256xf32, #tpu.memory_space<vmem>>, vector<1x256xf32>
    %slice3A = vector.extract_strided_slice %get3A_8 {offsets = [0, 0], sizes = [1, 128], strides = [1, 1]} : vector<1x256xf32> to vector<1x128xf32>
    %broadcast_in_dim3A = vector.shape_cast %slice3A : vector<1x128xf32> to vector<1x128xf32>
    %broadcast_in_dim3A_9 = vector.broadcast %broadcast_in_dim3A : vector<1x128xf32> to vector<8x128xf32>
    %slice3A_10 = vector.extract_strided_slice %get3A_8 {offsets = [0, 128], sizes = [1, 128], strides = [1, 1]} : vector<1x256xf32> to vector<1x128xf32>
    %broadcast_in_dim3A_11 = vector.shape_cast %slice3A_10 : vector<1x128xf32> to vector<1x128xf32>
    %broadcast_in_dim3A_12 = vector.broadcast %broadcast_in_dim3A_11 : vector<1x128xf32> to vector<8x128xf32>
    %dot_general3A_13 = arith.constant dense<0.000000e+00> : vector<1x8xf32>
    %dot_general3A_14 = tpu.matmul %dot_general3A_5, %broadcast_in_dim3A_9, %dot_general3A_13 {dimension_numbers = #tpu.dot_dimension_numbers<[1], [1], [0], [0], [0, 0, 1, 0], [], []>, transpose_lhs_hint = false} : vector<1x128xf32>, vector<8x128xf32>, vector<1x8xf32> -> vector<1x8xf32>
    %slice3A_15 = vector.extract_strided_slice %dot_general3A_14 {offsets = [0, 0], sizes = [1, 1], strides = [1, 1]} : vector<1x8xf32> to vector<1x1xf32>
    %get3A_16 = arith.constant 0 : index
    %get3A_17 = arith.constant 0 : index
    %get3A_18 = vector.load %arg1[%get3A_16, %get3A_17] : memref<2000x128xf32, #tpu.memory_space<vmem>>, vector<2000x128xf32>
    %dot_general3A_19 = arith.constant dense<0.000000e+00> : vector<2000x8xf32>
    %dot_general3A_20 = tpu.matmul %get3A_18, %broadcast_in_dim3A_12, %dot_general3A_19 {dimension_numbers = #tpu.dot_dimension_numbers<[1], [1], [0], [0], [0, 0, 1, 0], [], []>, transpose_lhs_hint = false} : vector<2000x128xf32>, vector<8x128xf32>, vector<2000x8xf32> -> vector<2000x8xf32>
    %slice3A_21 = vector.extract_strided_slice %dot_general3A_20 {offsets = [0, 0], sizes = [2000, 1], strides = [1, 1]} : vector<2000x8xf32> to vector<2000x1xf32>
    %add3A = vector.broadcast %slice3A_15 : vector<1x1xf32> to vector<2000x1xf32>
    %add3A_22 = arith.addf %slice3A_21, %add3A : vector<2000x1xf32>
    %exp3A = math.exp %add3A_22 : vector<2000x1xf32>
    %mul3A = vector.broadcast %exp3A : vector<2000x1xf32> to vector<2000x128xf32>
    %mul3A_23 = arith.mulf %get3A_18, %mul3A : vector<2000x128xf32>
    %swap3A = arith.constant 0 : index
    %swap3A_24 = arith.constant 0 : index
    %swap3A_25 = vector.load %arg5[%swap3A, %swap3A_24] : memref<2000x128xf32, #tpu.memory_space<vmem>>, vector<2000x128xf32>
    tpu.vector_store %arg5[%swap3A, %swap3A_24], %mul3A_23 {strides = array<i32>} : memref<2000x128xf32, #tpu.memory_space<vmem>>, vector<2000x128xf32>,
    %swap3A_26 = arith.constant 0 : index
    %swap3A_27 = arith.constant 0 : index
    %swap3A_28 = vector.load %arg6[%swap3A_26, %swap3A_27] : memref<2000x1xf32, #tpu.memory_space<vmem>>, vector<2000x1xf32>
    tpu.vector_store %arg6[%swap3A_26, %swap3A_27], %exp3A {strides = array<i32>} : memref<2000x1xf32, #tpu.memory_space<vmem>>, vector<2000x1xf32>,
    return
  }
  func.func @transform_0(%arg0: i32) -> (i32, i32) {
    %c0_i32 = arith.constant 0 : i32
    %c0_i32_0 = arith.constant 0 : i32
    return %arg0, %c0_i32 : i32, i32
  }
  func.func @transform_1(%arg0: i32) -> (i32, i32) {
    %c0_i32 = arith.constant 0 : i32
    %c0_i32_0 = arith.constant 0 : i32
    %c0_i32_1 = arith.constant 0 : i32
    return %c0_i32, %c0_i32_0 : i32, i32
  }
  func.func @transform_2(%arg0: i32) -> (i32, i32) {
    %c0_i32 = arith.constant 0 : i32
    %c0_i32_0 = arith.constant 0 : i32
    %c0_i32_1 = arith.constant 0 : i32
    return %c0_i32, %c0_i32_0 : i32, i32
  }
  func.func @transform_3(%arg0: i32) -> (i32, i32) {
    %c0_i32 = arith.constant 0 : i32
    %c0_i32_0 = arith.constant 0 : i32
    %c0_i32_1 = arith.constant 0 : i32
    return %c0_i32, %c0_i32_0 : i32, i32
  }
  func.func @transform_4(%arg0: i32) -> (i32, i32) {
    %c0_i32 = arith.constant 0 : i32
    %c0_i32_0 = arith.constant 0 : i32
    return %arg0, %c0_i32 : i32, i32
  }
  func.func @transform_5(%arg0: i32) -> (i32, i32) {
    %c0_i32 = arith.constant 0 : i32
    %c0_i32_0 = arith.constant 0 : i32
    return %arg0, %c0_i32 : i32, i32
  }
}

module attributes {stable_mosaic.version = 14 : i64} {
  func.func @_prep_body(%arg0: i32, %arg1: memref<4000x128xf32, #tpu.memory_space<vmem>>, %arg2: memref<1x512xf32, #tpu.memory_space<vmem>>, %arg3: memref<128x512xf32, #tpu.memory_space<vmem>>, %arg4: memref<1x256xf32, #tpu.memory_space<vmem>>, %arg5: memref<4000x128xf32, #tpu.memory_space<vmem>>, %arg6: memref<4000x1xf32, #tpu.memory_space<vmem>>) attributes {dimension_semantics = [#tpu.dimension_semantics<arbitrary>], iteration_bounds = array<i64: 80>, scalar_prefetch = 0 : i64, scratch_operands = 0 : i64, tpu.core_type = #tpu.core_type<tc>, window_params = [{transform_indices = @transform_0, window_bounds = array<i64: 4000, 128>}, {pipeline_mode = #tpu.pipeline_mode<synchronous>, transform_indices = @transform_1, window_bounds = array<i64: 1, 512>}, {pipeline_mode = #tpu.pipeline_mode<synchronous>, transform_indices = @transform_2, window_bounds = array<i64: 128, 512>}, {pipeline_mode = #tpu.pipeline_mode<synchronous>, transform_indices = @transform_3, window_bounds = array<i64: 1, 256>}, {transform_indices = @transform_4, window_bounds = array<i64: 4000, 128>}, {transform_indices = @transform_5, window_bounds = array<i64: 4000, 1>}]} {
    %get3A = arith.constant 0 : index
    %get3A_0 = arith.constant 0 : index
    %get3A_1 = vector.load %arg2[%get3A, %get3A_0] : memref<1x512xf32, #tpu.memory_space<vmem>>, vector<1x512xf32>
    %get3A_2 = arith.constant 0 : index
    %get3A_3 = arith.constant 0 : index
    %get3A_4 = vector.load %arg3[%get3A_2, %get3A_3] : memref<128x512xf32, #tpu.memory_space<vmem>>, vector<128x512xf32>
    %dot_general3A = arith.constant dense<0.000000e+00> : vector<1x128xf32>
    %dot_general3A_5 = tpu.matmul %get3A_1, %get3A_4, %dot_general3A {dimension_numbers = #tpu.dot_dimension_numbers<[1], [1], [0], [0], [0, 0, 1, 0], [], []>, transpose_lhs_hint = false} : vector<1x512xf32>, vector<128x512xf32>, vector<1x128xf32> -> vector<1x128xf32>
    %get3A_6 = arith.constant 0 : index
    %get3A_7 = arith.constant 0 : index
    %get3A_8 = vector.load %arg4[%get3A_6, %get3A_7] : memref<1x256xf32, #tpu.memory_space<vmem>>, vector<1x256xf32>
    %slice3A = vector.extract_strided_slice %get3A_8 {offsets = [0, 0], sizes = [1, 128], strides = [1, 1]} : vector<1x256xf32> to vector<1x128xf32>
    %broadcast_in_dim3A = vector.shape_cast %slice3A : vector<1x128xf32> to vector<1x128xf32>
    %broadcast_in_dim3A_9 = vector.broadcast %broadcast_in_dim3A : vector<1x128xf32> to vector<8x128xf32>
    %slice3A_10 = vector.extract_strided_slice %get3A_8 {offsets = [0, 128], sizes = [1, 128], strides = [1, 1]} : vector<1x256xf32> to vector<1x128xf32>
    %broadcast_in_dim3A_11 = vector.shape_cast %slice3A_10 : vector<1x128xf32> to vector<1x128xf32>
    %broadcast_in_dim3A_12 = vector.broadcast %broadcast_in_dim3A_11 : vector<1x128xf32> to vector<8x128xf32>
    %dot_general3A_13 = arith.constant dense<0.000000e+00> : vector<1x8xf32>
    %dot_general3A_14 = tpu.matmul %dot_general3A_5, %broadcast_in_dim3A_9, %dot_general3A_13 {dimension_numbers = #tpu.dot_dimension_numbers<[1], [1], [0], [0], [0, 0, 1, 0], [], []>, transpose_lhs_hint = false} : vector<1x128xf32>, vector<8x128xf32>, vector<1x8xf32> -> vector<1x8xf32>
    %slice3A_15 = vector.extract_strided_slice %dot_general3A_14 {offsets = [0, 0], sizes = [1, 1], strides = [1, 1]} : vector<1x8xf32> to vector<1x1xf32>
    %get3A_16 = arith.constant 0 : index
    %get3A_17 = arith.constant 0 : index
    %get3A_18 = vector.load %arg1[%get3A_16, %get3A_17] : memref<4000x128xf32, #tpu.memory_space<vmem>>, vector<4000x128xf32>
    %dot_general3A_19 = arith.constant dense<0.000000e+00> : vector<4000x8xf32>
    %dot_general3A_20 = tpu.matmul %get3A_18, %broadcast_in_dim3A_12, %dot_general3A_19 {dimension_numbers = #tpu.dot_dimension_numbers<[1], [1], [0], [0], [0, 0, 1, 0], [], []>, transpose_lhs_hint = false} : vector<4000x128xf32>, vector<8x128xf32>, vector<4000x8xf32> -> vector<4000x8xf32>
    %slice3A_21 = vector.extract_strided_slice %dot_general3A_20 {offsets = [0, 0], sizes = [4000, 1], strides = [1, 1]} : vector<4000x8xf32> to vector<4000x1xf32>
    %add3A = vector.broadcast %slice3A_15 : vector<1x1xf32> to vector<4000x1xf32>
    %add3A_22 = arith.addf %slice3A_21, %add3A : vector<4000x1xf32>
    %exp3A = math.exp %add3A_22 : vector<4000x1xf32>
    %mul3A = vector.broadcast %exp3A : vector<4000x1xf32> to vector<4000x128xf32>
    %mul3A_23 = arith.mulf %get3A_18, %mul3A : vector<4000x128xf32>
    %swap3A = arith.constant 0 : index
    %swap3A_24 = arith.constant 0 : index
    %swap3A_25 = vector.load %arg5[%swap3A, %swap3A_24] : memref<4000x128xf32, #tpu.memory_space<vmem>>, vector<4000x128xf32>
    tpu.vector_store %arg5[%swap3A, %swap3A_24], %mul3A_23 {strides = array<i32>} : memref<4000x128xf32, #tpu.memory_space<vmem>>, vector<4000x128xf32>,
    %swap3A_26 = arith.constant 0 : index
    %swap3A_27 = arith.constant 0 : index
    %swap3A_28 = vector.load %arg6[%swap3A_26, %swap3A_27] : memref<4000x1xf32, #tpu.memory_space<vmem>>, vector<4000x1xf32>
    tpu.vector_store %arg6[%swap3A_26, %swap3A_27], %exp3A {strides = array<i32>} : memref<4000x1xf32, #tpu.memory_space<vmem>>, vector<4000x1xf32>,
    return
  }
  func.func @transform_0(%arg0: i32) -> (i32, i32) {
    %c0_i32 = arith.constant 0 : i32
    %c0_i32_0 = arith.constant 0 : i32
    return %arg0, %c0_i32 : i32, i32
  }
  func.func @transform_1(%arg0: i32) -> (i32, i32) {
    %c0_i32 = arith.constant 0 : i32
    %c0_i32_0 = arith.constant 0 : i32
    %c0_i32_1 = arith.constant 0 : i32
    return %c0_i32, %c0_i32_0 : i32, i32
  }
  func.func @transform_2(%arg0: i32) -> (i32, i32) {
    %c0_i32 = arith.constant 0 : i32
    %c0_i32_0 = arith.constant 0 : i32
    %c0_i32_1 = arith.constant 0 : i32
    return %c0_i32, %c0_i32_0 : i32, i32
  }
  func.func @transform_3(%arg0: i32) -> (i32, i32) {
    %c0_i32 = arith.constant 0 : i32
    %c0_i32_0 = arith.constant 0 : i32
    %c0_i32_1 = arith.constant 0 : i32
    return %c0_i32, %c0_i32_0 : i32, i32
  }
  func.func @transform_4(%arg0: i32) -> (i32, i32) {
    %c0_i32 = arith.constant 0 : i32
    %c0_i32_0 = arith.constant 0 : i32
    return %arg0, %c0_i32 : i32, i32
  }
  func.func @transform_5(%arg0: i32) -> (i32, i32) {
    %c0_i32 = arith.constant 0 : i32
    %c0_i32_0 = arith.constant 0 : i32
    return %arg0, %c0_i32 : i32, i32
  }
}

module attributes {stable_mosaic.version = 14 : i64} {
  func.func @_final_body(%arg0: i32, %arg1: memref<2000x128xf32, #tpu.memory_space<vmem>>, %arg2: memref<2000x1xf32, #tpu.memory_space<vmem>>, %arg3: memref<2000x128xf32, #tpu.memory_space<vmem>>, %arg4: memref<128x256xf32, #tpu.memory_space<vmem>>, %arg5: memref<2000x128xf32, #tpu.memory_space<vmem>>, %arg6: memref<2000x1xf32, #tpu.memory_space<vmem>>) attributes {dimension_semantics = [#tpu.dimension_semantics<arbitrary>], iteration_bounds = array<i64: 5>, scalar_prefetch = 0 : i64, scratch_operands = 0 : i64, tpu.core_type = #tpu.core_type<tc>, window_params = [{transform_indices = @transform_0, window_bounds = array<i64: 2000, 128>}, {transform_indices = @transform_1, window_bounds = array<i64: 2000, 1>}, {transform_indices = @transform_2, window_bounds = array<i64: 2000, 128>}, {pipeline_mode = #tpu.pipeline_mode<synchronous>, transform_indices = @transform_3, window_bounds = array<i64: 128, 256>}, {transform_indices = @transform_4, window_bounds = array<i64: 2000, 128>}, {transform_indices = @transform_5, window_bounds = array<i64: 2000, 1>}]} {
    %get3A = arith.constant 0 : index
    %get3A_0 = arith.constant 0 : index
    %get3A_1 = vector.load %arg1[%get3A, %get3A_0] : memref<2000x128xf32, #tpu.memory_space<vmem>>, vector<2000x128xf32>
    %get3A_2 = arith.constant 0 : index
    %get3A_3 = arith.constant 0 : index
    %get3A_4 = vector.load %arg2[%get3A_2, %get3A_3] : memref<2000x1xf32, #tpu.memory_space<vmem>>, vector<2000x1xf32>
    %max3A = arith.constant 1.000000e-30 : f32
    %max3A_5 = vector.broadcast %max3A : f32 to vector<2000x1xf32>
    %max3A_6 = arith.maximumf %get3A_4, %max3A_5 : vector<2000x1xf32>
    %div3A = vector.broadcast %max3A_6 : vector<2000x1xf32> to vector<2000x128xf32>
    %div3A_7 = arith.divf %get3A_1, %div3A : vector<2000x128xf32>
    %get3A_8 = arith.constant 0 : index
    %get3A_9 = arith.constant 0 : index
    %get3A_10 = vector.load %arg4[%get3A_8, %get3A_9] : memref<128x256xf32, #tpu.memory_space<vmem>>, vector<128x256xf32>
    %slice3A = vector.extract_strided_slice %get3A_10 {offsets = [0, 0], sizes = [128, 128], strides = [1, 1]} : vector<128x256xf32> to vector<128x128xf32>
    %dot_general3A = arith.constant dense<0.000000e+00> : vector<2000x128xf32>
    %dot_general3A_11 = tpu.matmul %div3A_7, %slice3A, %dot_general3A {dimension_numbers = #tpu.dot_dimension_numbers<[1], [1], [0], [0], [0, 0, 1, 0], [], []>, transpose_lhs_hint = false} : vector<2000x128xf32>, vector<128x128xf32>, vector<2000x128xf32> -> vector<2000x128xf32>
    %get3A_12 = arith.constant 0 : index
    %get3A_13 = arith.constant 0 : index
    %get3A_14 = vector.load %arg3[%get3A_12, %get3A_13] : memref<2000x128xf32, #tpu.memory_space<vmem>>, vector<2000x128xf32>
    %slice3A_15 = vector.extract_strided_slice %get3A_10 {offsets = [0, 128], sizes = [128, 128], strides = [1, 1]} : vector<128x256xf32> to vector<128x128xf32>
    %dot_general3A_16 = arith.constant dense<0.000000e+00> : vector<2000x128xf32>
    %dot_general3A_17 = tpu.matmul %get3A_14, %slice3A_15, %dot_general3A_16 {dimension_numbers = #tpu.dot_dimension_numbers<[1], [1], [0], [0], [0, 0, 1, 0], [], []>, transpose_lhs_hint = false} : vector<2000x128xf32>, vector<128x128xf32>, vector<2000x128xf32> -> vector<2000x128xf32>
    %add3A = arith.addf %dot_general3A_11, %dot_general3A_17 : vector<2000x128xf32>
    %max3A_18 = arith.constant 0.000000e+00 : f32
    %max3A_19 = vector.broadcast %max3A_18 : f32 to vector<2000x128xf32>
    %max3A_20 = arith.maximumf %add3A, %max3A_19 : vector<2000x128xf32>
    %gt3A = arith.constant 0.000000e+00 : f32
    %gt3A_21 = vector.broadcast %gt3A : f32 to vector<2000x1xf32>
    %gt3A_22 = arith.cmpf ogt, %get3A_4, %gt3A_21 : vector<2000x1xf32>
    %jit3A = arith.constant 0.000000e+00 : f32
    %broadcast_in_dim3A = vector.shape_cast %gt3A_22 : vector<2000x1xi1> to vector<2000x1xi1>
    %broadcast_in_dim3A_23 = vector.broadcast %broadcast_in_dim3A : vector<2000x1xi1> to vector<2000x128xi1>
    %broadcast_in_dim3A_24 = vector.broadcast %jit3A : f32 to vector<2000x128xf32>
    %select_n3A = arith.select %broadcast_in_dim3A_23, %max3A_20, %broadcast_in_dim3A_24 : vector<2000x128xi1>, vector<2000x128xf32>
    %swap3A = arith.constant 0 : index
    %swap3A_25 = arith.constant 0 : index
    %swap3A_26 = vector.load %arg5[%swap3A, %swap3A_25] : memref<2000x128xf32, #tpu.memory_space<vmem>>, vector<2000x128xf32>
    tpu.vector_store %arg5[%swap3A, %swap3A_25], %select_n3A {strides = array<i32>} : memref<2000x128xf32, #tpu.memory_space<vmem>>, vector<2000x128xf32>,
    %broadcast_in_dim3A_27 = arith.constant 1.000000e+00 : f32
    %broadcast_in_dim3A_28 = vector.broadcast %broadcast_in_dim3A_27 : f32 to vector<128x1xf32>
    %dot_general3A_29 = arith.constant dense<0.000000e+00> : vector<2000x1xf32>
    %dot_general3A_30 = tpu.matmul %select_n3A, %broadcast_in_dim3A_28, %dot_general3A_29 {dimension_numbers = #tpu.dot_dimension_numbers<[1], [0], [0], [1], [0, 0, 1, 1], [], []>, transpose_lhs_hint = false} : vector<2000x128xf32>, vector<128x1xf32>, vector<2000x1xf32> -> vector<2000x1xf32>
    %swap3A_31 = arith.constant 0 : index
    %swap3A_32 = arith.constant 0 : index
    %swap3A_33 = vector.load %arg6[%swap3A_31, %swap3A_32] : memref<2000x1xf32, #tpu.memory_space<vmem>>, vector<2000x1xf32>
    tpu.vector_store %arg6[%swap3A_31, %swap3A_32], %dot_general3A_30 {strides = array<i32>} : memref<2000x1xf32, #tpu.memory_space<vmem>>, vector<2000x1xf32>,
    return
  }
  func.func @transform_0(%arg0: i32) -> (i32, i32) {
    %c0_i32 = arith.constant 0 : i32
    %c0_i32_0 = arith.constant 0 : i32
    return %arg0, %c0_i32 : i32, i32
  }
  func.func @transform_1(%arg0: i32) -> (i32, i32) {
    %c0_i32 = arith.constant 0 : i32
    %c0_i32_0 = arith.constant 0 : i32
    return %arg0, %c0_i32 : i32, i32
  }
  func.func @transform_2(%arg0: i32) -> (i32, i32) {
    %c0_i32 = arith.constant 0 : i32
    %c0_i32_0 = arith.constant 0 : i32
    return %arg0, %c0_i32 : i32, i32
  }
  func.func @transform_3(%arg0: i32) -> (i32, i32) {
    %c0_i32 = arith.constant 0 : i32
    %c0_i32_0 = arith.constant 0 : i32
    %c0_i32_1 = arith.constant 0 : i32
    return %c0_i32, %c0_i32_0 : i32, i32
  }
  func.func @transform_4(%arg0: i32) -> (i32, i32) {
    %c0_i32 = arith.constant 0 : i32
    %c0_i32_0 = arith.constant 0 : i32
    return %arg0, %c0_i32 : i32, i32
  }
  func.func @transform_5(%arg0: i32) -> (i32, i32) {
    %c0_i32 = arith.constant 0 : i32
    %c0_i32_0 = arith.constant 0 : i32
    return %arg0, %c0_i32 : i32, i32
  }
}

</mosaic_0001>

<sc_bundles>
// kernel: kernel.6.cloned.1.call-start
scs
__scs_entry_jumppad:
0x0: {  	(pc) =	sbr.rel $0x88, $3  }
0x1: {  	(tag) =	ssettag $0x0;
	lr =	simm.s32 $0x1  }
0x2: {  	[smem:$0x3F99] =	sst lr;
	_ =	strace $0xD0000000  }
0x3: {  	_ = 	snop  }
0x4: {  	_ = 	snop  }
0x5: {  	_ = 	snop  }
0x6: {  	_ = 	snop  }
0x7: {  	_ = 	snop  }
__scs_overlays_trampoline_lowered:
0x8: {  	[smem:$0x3FA8] =	sst s0  }
0x9: {  	[smem:$0x3FA9] =	sst s1  }
0xa: {  	[smem:$0x3FAA] =	sst s2  }
0xb: {  	[smem:$0x3FAB] =	sst s3  }
0xc: {  	[smem:$0x3FAC] =	sst s4  }
0xd: {  	[smem:$0x3FAD] =	sst s5  }
0xe: {  	[smem:$0x3FAE] =	sst s6  }
0xf: {  	[smem:$0x3FAF] =	sst s7  }
0x10: {  	[smem:$0x3FB0] =	sst s8  }
0x11: {  	[smem:$0x3FB1] =	sst s9;
	s0 =	simm.s32 @!p0 $0x0  }
0x12: {  	s1 =	sld [smem:$0x3F97];
	s0 =	simm.s32 @p0 $0x1  }
0x13: {  	[smem:$0x3FB2] =	sst s0;
	s0 =	simm.s32 @!p1 $0x0  }
0x14: {  	s2 =	sld [smem:$0x3F96];
	s0 =	simm.s32 @p1 $0x1  }
0x15: {  	[smem:$0x3FB3] =	sst s0;
	s0 =	simm.s32 @!p2 $0x0  }
0x16: {  	s3 =	sld [smem:$0x3FDB];
	s0 =	simm.s32 @p2 $0x1  }
0x17: {  	s4 =	simm.s32 $0x1BF5;
	[smem:$0x3FB5] =	sst s0  }
0x18: {  	s0 =	sld [smem:$0x3F98];
	_ =	swait.ge [sflag:s4], $0x0  }
0x19: {  	s7 =	sld [smem:$0x3F99]  }
0x1a: {  	s8 =	sadd.s32 $0xFFFFE003, lr  }
0x1b: {  	s9 =	sadd.s32 $0xFFFFFEF7, lr;
	s5 =	simm.s32 $0xFFFFFFFF;
	p2 =	slt.u32 s8, $0xFFFFF086  }
0x1c: {  	p1 =	slt.u32 s9, $0xF7A;
	s5 =	simm.s32 @!p2 $0x0  }
0x1d: {  	s5 =	simm.s32 @p1 $0x1;
	p0 =	seq.s32 s7, s2  }
0x1e: {  	s7 =	smul.u32 @!p0 $0xF7A, s2;
	p2 =	seq.s32 @!p0 s5, $0x0  }
0x1f: {  	s9 =	smul.u32 $0xF7A, s1;
	s8 =	simm.s32 @!p0 $0x1BF5;
	p2 =	por !p2, p0  }
0x20: {  	[sflag:s8] =	ssyncset.s32 @!p0 $0xFFFFF086;
	s6 =	sadd.s32 @!p0 s3, s7;
	s7 =	simm.s32 @!p0 $0x108  }
0x21: {  	s3 =	sadd.s32 s3, s9;
	s6 =	sadd.s32 @!p0 $0x88, s6;
	s7 =	simm.s32 @p2 $0x1082  }
0x22: {  	[simem:s7], [sflag:s8] =	dma.local @!p0 [hbm:s6], $0xF7A  }
0x23: {  	s9 =	sor.u32 $0xD0000000, s2;
	s6 =	simm.s32 $0x108;
	_ =	swait.ge @!p0 [sflag:s8], $0x0  }
0x24: {  	s3 =	sadd.s32 $0x88, s3;
	s6 =	simm.s32 @!p1 $0x1082;
	[sflag:s4] =	ssyncset.s32 $0xFFFFF086  }
0x25: {  	[simem:s6], [sflag:s4] =	dma.local [hbm:s3], $0xF7A  }
0x26: {  	[smem:$0x3F99] =	sst s1;
	(tag) =	ssettag s2;
	_ =	strace s9  }
0x27: {  	s1 =	sld [smem:$0x3FA9]  }
0x28: {  	s2 =	sld [smem:$0x3FAA]  }
0x29: {  	s4 =	sld [smem:$0x3FAC]  }
0x2a: {  	p0 =	seq.s32 s5, $0x0;
	s5 =	sld [smem:$0x3FAD]  }
0x2b: {  	s6 =	sld [smem:$0x3FAE]  }
0x2c: {  	s7 =	sld [smem:$0x3FAF]  }
0x2d: {  	s3 =	simm.s32 $0x108;
	s8 =	sld [smem:$0x3FB0]  }
0x2e: {  	s3 =	simm.s32 @!p0 $0x1082;
	s9 =	sld [smem:$0x3FB1]  }
0x2f: {  	lr =	sadd.s32 s0, s3;
	s0 =	sld [smem:$0x3FA8]  }
0x30: {  	s3 =	sld [smem:$0x3FAB]  }
0x31: {  	[smem:$0x3FB4] =	sst s10  }
0x32: {  	s10 =	sld [smem:$0x3FB2];
	_ =	sdelay $0x3  }
0x33: {  	p0 =	seq.s32 s10, $0x1;
	s10 =	sld [smem:$0x3FB4];
	_ =	sdelay $0x3  }
0x34: {  	[smem:$0x3FB4] =	sst s10  }
0x35: {  	s10 =	sld [smem:$0x3FB3];
	_ =	sdelay $0x3  }
0x36: {  	p1 =	seq.s32 s10, $0x1;
	s10 =	sld [smem:$0x3FB4];
	_ =	sdelay $0x3  }
0x37: {  	[smem:$0x3FB4] =	sst s10  }
0x38: {  	s10 =	sld [smem:$0x3FB5]  }
0x39: {  	_ = 	snop;
	(pc) =	sbr.ind lr, $3  }
0x3a: {  	_ = 	snop  }
0x3b: {  	_ = 	snop  }
0x3c: {  	p2 =	seq.s32 s10, $0x1;
	s10 =	sld [smem:$0x3FB4]  }
0x3d: {  	_ =	shalt  }
0x3e: {  	_ =	shalt  }
0x3f: {  	_ =	shalt  }
0x40: {  	_ =	shalt  }
0x41: {  	_ =	shalt  }
0x42: {  	_ =	shalt  }
0x43: {  	_ =	shalt  }
0x44: {  	_ =	shalt  }
0x45: {  	_ =	shalt  }
0x46: {  	_ =	shalt  }
0x47: {  	_ =	shalt  }
0x48: {  	_ =	shalt  }
0x49: {  	_ =	shalt  }
0x4a: {  	_ =	shalt  }
0x4b: {  	_ =	shalt  }
0x4c: {  	_ =	shalt  }
0x4d: {  	_ =	shalt  }
0x4e: {  	_ =	shalt  }
0x4f: {  	_ =	shalt  }
0x50: {  	_ =	shalt  }
0x51: {  	_ =	shalt  }
0x52: {  	_ =	shalt  }
0x53: {  	_ =	shalt  }
0x54: {  	_ =	shalt  }
0x55: {  	_ =	shalt  }
0x56: {  	_ =	shalt  }
0x57: {  	_ =	shalt  }
0x58: {  	_ =	shalt  }
0x59: {  	_ =	shalt  }
0x5a: {  	_ =	shalt  }
0x5b: {  	_ =	shalt  }
0x5c: {  	_ =	shalt  }
0x5d: {  	_ =	shalt  }
0x5e: {  	_ =	shalt  }
0x5f: {  	_ =	shalt  }
0x60: {  	_ =	shalt  }
0x61: {  	_ =	shalt  }
0x62: {  	_ =	shalt  }
0x63: {  	_ =	shalt  }
0x64: {  	_ =	shalt  }
0x65: {  	_ =	shalt  }
0x66: {  	_ =	shalt  }
0x67: {  	_ =	shalt  }
0x68: {  	_ =	shalt  }
0x69: {  	_ =	shalt  }
0x6a: {  	_ =	shalt  }
0x6b: {  	_ =	shalt  }
0x6c: {  	_ =	shalt  }
0x6d: {  	_ =	shalt  }
0x6e: {  	_ =	shalt  }
0x6f: {  	_ =	shalt  }
0x70: {  	_ =	shalt  }
0x71: {  	_ =	shalt  }
0x72: {  	_ =	shalt  }
0x73: {  	_ =	shalt  }
0x74: {  	_ =	shalt  }
0x75: {  	_ =	shalt  }
0x76: {  	_ =	shalt  }
0x77: {  	_ =	shalt  }
0x78: {  	_ =	shalt  }
0x79: {  	_ =	shalt  }
0x7a: {  	_ =	shalt  }
0x7b: {  	_ =	shalt  }
0x7c: {  	_ =	shalt  }
0x7d: {  	_ =	shalt  }
0x7e: {  	_ =	shalt  }
0x7f: {  	_ =	shalt  }
0x80: {  	_ =	shalt  }
0x81: {  	_ =	shalt  }
0x82: {  	_ =	shalt  }
0x83: {  	_ =	shalt  }
0x84: {  	_ =	shalt  }
0x85: {  	_ =	shalt  }
0x86: {  	_ =	shalt  }
0x87: {  	_ =	shalt  }
.Lfunc_end0:
.L_simem_size_0:
called_computation_lowered:
.L_overlay_start_0:
0x88: {  	s0 =	sld [smem:$0x3FD9]  }
0x89: {  	s1 =	sld [smem:$0x3FFE];
	_ =	sdelay $0x3  }
0x8a: {  	s0 =	sadd.s32 s1, s0  }
0x8b: {  	[smem:$0x3FC0] =	sst s0  }
0x8c: {  	_ = 	snop  }
0x8d: {  	s0 =	sld [smem:$0x3FD0];
	_ =	sdelay $0x2  }
0x8e: {  	s13 =	simm.s32 $0xA;
	s2 =	simm.s32 $0x10  }
0x8f: {  	[smem:s2], [sflag:s13] =	dma.local [hbm:s0], $0x1  }
0x90: {  	_ =	swait.eq [sflag:s13], $0x1  }
0x91: {  	[sflag:s13] =	ssyncset.done $0x0  }
0x92: {  	[sflag:s13] =	ssyncadd.s32 $0xFFFFFFFF  }
0x93: {  	s14 =	sld [smem:$0x10];
	(tm) =	ssettm $0x1  }
0x94: {  	s15 =	sld [smem:$0x3FFB];
	_ =	sdelay $0x3  }
0x95: {  	_ =	strace s15  }
0x96: {  	s1 =	sld [smem:$0x3FFC];
	_ =	sdelay $0x3  }
0x97: {  	_ =	strace s1  }
0x98: {  	s1 =	sld [smem:$0x3FFD];
	_ =	sdelay $0x3  }
0x99: {  	_ =	strace s1  }
0x9a: {  	_ =	strace $0x8FFFFFFF  }
0x9b: {  	s16 =	sld [smem:$0x3FDB];
	_ =	sdelay $0x1  }
0x9c: {  	s17 =	simm.s32 $_scs_section_size  }
0x9d: {  	s3 =	simm.s32 $_size__tile_overlayer_lowered;
	s4 =	simm.s32 $_tile_overlayer_lowered  }
0x9e: {  	s20 =	simm.s32 $0x1BFF;
	s19 =	sshll.u32 s4, $0x1;
	s1 =	sadd.s32 s17, s16  }
0x9f: {  	s5 =	simm.s32 $0x0;
	s18 =	sshll.u32 s3, $0x1;
	s3 =	sadd.s32 s19, s1  }
0xa0: {  	[timem:s5], [sflag:s20] =	dma.local [hbm:s3], s18  }
0xa1: {  	_ =	swait.ge [sflag:s20], s18  }
0xa2: {  	s2 =	ssub.s32 $0x0, s18;
	[sflag:s20] =	ssyncset.done $0x0  }
0xa3: {  	[sflag:s20] =	ssyncadd.s32 s2;
	_ =	sdelay $0x1  }
0xa4: {  	s21 =	simm.s32 $0x1B8B  }
0xa5: {  	_ =	swait.ge [sflag:s21], $0x1  }
0xa6: {  	[sflag:s21] =	ssyncset.done $0x0  }
0xa7: {  	s23 =	simm.s32 $0x1B8E;
	s22 =	sld [smem:$0x3FFE];
	[sflag:s21] =	ssyncadd.s32 $0xFFFFFFFF  }
0xa8: {  	s24 =	simm.s32 $execute0_lowered;
	[smem:$0x3FD2] =	sst s23  }
0xa9: {  	s3 =	sshll.u32 s24, $0x1;
	_ =	strace $0x80000046;
	[dreg:$0x1] =	wrdreg $0xFFFFFFFF  }
0xaa: {  	s25 =	simm.s32 $_size_execute0_lowered;
	s1 =	sadd.s32 s1, s3;
	[dreg:$0x0] =	wrdreg $0x0  }
0xab: {  	s3 =	sshll.u32 s25, $0x1;
	[dreg:$0x2] =	wrdreg s1  }
0xac: {  	[dreg:$0x3] =	wrdreg s3  }
0xad: {  	[dreg:$0x4] =	wrdreg $0xC0  }
0xae: {  	_ =	task [dreg:s5], $0x5FFFF  }
0xaf: {  	[dreg:$0x1] =	wrdreg $0xFFFFFFFF  }
0xb0: {  	[dreg:$0x0] =	wrdreg $0x60  }
0xb1: {  	[dreg:$0x2] =	wrdreg s22  }
0xb2: {  	[dreg:$0x3] =	wrdreg s14  }
0xb3: {  	[dreg:$0x4] =	wrdreg $0xBD800  }
0xb4: {  	[dreg:$0x5] =	wrdreg $0x9  }
0xb5: {  	_ =	task.clear_ibuf [dreg:s5], $0x6FFFF;
	_ =	strace $0x90000046  }
0xb6: {  	s26 =	simm.s32 $0x9;
	_ =	strace $0x80000048  }
0xb7: {  	_ =	swait.ge [sflag:s26], $0x1  }
0xb8: {  	[sflag:s26] =	ssyncadd.s32 $0xFFFFFFFF  }
0xb9: {  	_ =	strace $0x90000048  }
0xba: {  	_ =	sfence  }
0xbb: {  	s28 =	sld [smem:$0x0];
	_ =	sdelay $0x1  }
0xbc: {  	s29 =	srdreg.scid  }
0xbd: {  	s30 =	sshll.u32 s29, $0xD;
	s31 =	sshrl.u32 s29, $0x2  }
0xbe: {  	s2 =	sand.u32 $0x4000, s30;
	s1 =	sand.u32 $0x1, s29;
	s0 =	sadd.s32 s31, s28  }
0xbf: {  	s1 =	sor.u32 s2, s1;
	s0 =	sshll.u32 s0, $0x11  }
0xc0: {  	s0 =	sor.u32 s0, s1  }
0xc1: {  	s0 =	sadd.s32 $0x8F2B, s0  }
0xc2: {  	[sflag:s0] =	ssyncadd.remote.s32 $0x1  }
0xc3: {  	_ =	sfence.sel $0xFFFF  }
0xc4: {  	[dreg:$0x0] =	wrdreg $0xFFFFFFFF;
	(pc) =	sbr.abs _section_cstart, $3  }
0xc5: {  	[dreg:$0x1] =	wrdreg $0xFFFFFFFF  }
0xc6: {  	_ =	task.clear_ibuf [dreg:s5], $0x2FFFF;
	_ =	strace $0x9FFFFFFF  }
0xc7: {  	(tm) =	ssettm $0x7FFFFFFF  }
tec
execute0_lowered:
.L_overlay_start_1:
0x0: {  	(tag) =	ssettag $0x1  }
0x1: {  	s2 =	rddreg [dreg:$0x0]  }
0x2: {  	s10 =	rddreg [dreg:$0x1]  }
0x3: {  	s1 =	rddreg [dreg:$0x2]  }
0x4: {  	s0 =	rddreg [dreg:$0x3];
	s6 =	simm.s32 $0x0;
	s4 =	simm.s32 $0xC00  }
0x5: {  	s5 =	simm.s32 $0x4;
	[smem:$0x7FF] =	sst s6;
	s9 =	sadd.s32 $0x58DC00, s2  }
0x6: {  	s3 =	sadd.s32 $0x8D600, s2;
	s12 =	sadd.s32 $0xA00, s2;
	_ =	strace $0x80000047  }
0x7: {  	[tilespmem:s4], [sflag:$0x4] =	stream.linear.gather [hbm4b:s3+s6], $0x2780, $0x38;
	[tilespmem:$0x1FD80] =	vst v63  }
0x8: {  	s11 =	sadd.s32 $0xAA00, s2;
	s4 =	sadd.s32 $0x47000, s2;
	_ =	swait.ge [sflag:s5], $0x2780  }
0x9: {  	s3 =	sadd.s32 $0x14A00, s2;
	s2 =	stileid.u32;
	[sflag:s5] =	ssyncset.done $0x0  }
0xa: {  	v0 =	vimm.f32 $0.0e+00;
	s6 =	sand.u32 $0x3FF0, s6;
	[sflag:s5] =	ssyncadd.s32 $0xFFFFD880;
	s5 =	simm.s32 $0x10  }
.LBB2_1:
0xb: {  	p0 =	sne.s32 s5, $0x27F0;
	[tilespmem:s6+$0x9380] =	vst v0;
	s6 =	smov.u32 s5;
	s5 =	sadd.s32 $0x10, s5  }
.Ltmp0:
0xc: {  	(pc) =	sbr.rel @p0 .LBB2_1-.Ltmp0, $2  }
0xd: {  	_ =	sdelay $0x2  }
0xe: {  	s6 =	sand.u32 $0x3FF0, s6  }
0xf: {  	v1 =	vlaneseq.u32  }
0x10: {  	[tilespmem:s6+$0x9380] =	vst v0;
	v58 =	vor.u32 $0x2710, v1  }
0x11: {  	v59 =	vor.u32 $0x2720, v1;
	[tilespmem:$0xBC00] =	vst v58  }
0x12: {  	s13 =	smul.u32 $0x50000, s2;
	v60 =	vor.u32 $0x2730, v1;
	[tilespmem:$0xBC10] =	vst v59  }
0x13: {  	v61 =	vor.u32 $0x2740, v1;
	[tilespmem:$0xBC20] =	vst v60  }
0x14: {  	v62 =	vor.u32 $0x2750, v1;
	[tilespmem:$0xBC30] =	vst v61;
	s5 =	sshrl.u32 s13, $0x2  }
0x15: {  	s6 =	simm.s32 $0x9380;
	s7 =	simm.s32 $0x4;
	[tilespmem:$0xBC40] =	vst v62;
	s5 =	sadd.s32 s5, s1  }
0x16: {  	[spmem:s5] =	stream.linear.scatter [tilespmem:s6], [sflag:$0x4], $0x2000, $0x38;
	[tilespmem:$0x1FD80] =	vst v63  }
0x17: {  	_ =	swait.ge [sflag:s7], $0x2000  }
0x18: {  	[sflag:s7] =	ssyncset.done $0x0  }
0x19: {  	s8 =	sadd.s32 $0x2000, s5;
	[sflag:s7] =	ssyncadd.s32 $0xFFFFE000  }
0x1a: {  	[spmem:s8] =	stream.linear.scatter [tilespmem:s6], [sflag:$0x4], $0x2000, $0x38;
	[tilespmem:$0x1FD80] =	vst v63  }
0x1b: {  	_ =	swait.ge [sflag:s7], $0x2000  }
0x1c: {  	[sflag:s7] =	ssyncset.done $0x0  }
0x1d: {  	s15 =	sadd.s32 $0x4000, s5;
	[sflag:s7] =	ssyncadd.s32 $0xFFFFE000  }
0x1e: {  	[spmem:s15] =	stream.linear.scatter [tilespmem:s6], [sflag:$0x4], $0x2000, $0x38;
	[tilespmem:$0x1FD80] =	vst v63  }
0x1f: {  	_ =	swait.ge [sflag:s7], $0x2000  }
0x20: {  	[sflag:s7] =	ssyncset.done $0x0  }
0x21: {  	s16 =	sadd.s32 $0x6000, s5;
	[sflag:s7] =	ssyncadd.s32 $0xFFFFE000  }
0x22: {  	[spmem:s16] =	stream.linear.scatter [tilespmem:s6], [sflag:$0x4], $0x2000, $0x38;
	[tilespmem:$0x1FD80] =	vst v63  }
0x23: {  	_ =	swait.ge [sflag:s7], $0x2000  }
0x24: {  	[sflag:s7] =	ssyncset.done $0x0  }
0x25: {  	s17 =	sadd.s32 $0x8000, s5;
	[sflag:s7] =	ssyncadd.s32 $0xFFFFE000  }
0x26: {  	[spmem:s17] =	stream.linear.scatter [tilespmem:s6], [sflag:$0x4], $0x2000, $0x38;
	[tilespmem:$0x1FD80] =	vst v63  }
0x27: {  	_ =	swait.ge [sflag:s7], $0x2000  }
0x28: {  	[sflag:s7] =	ssyncset.done $0x0  }
0x29: {  	s18 =	sadd.s32 $0xA000, s5;
	[sflag:s7] =	ssyncadd.s32 $0xFFFFE000  }
0x2a: {  	[spmem:s18] =	stream.linear.scatter [tilespmem:s6], [sflag:$0x4], $0x2000, $0x38;
	[tilespmem:$0x1FD80] =	vst v63  }
0x2b: {  	_ =	swait.ge [sflag:s7], $0x2000  }
0x2c: {  	[sflag:s7] =	ssyncset.done $0x0  }
0x2d: {  	s19 =	sadd.s32 $0xC000, s5;
	[sflag:s7] =	ssyncadd.s32 $0xFFFFE000  }
0x2e: {  	[spmem:s19] =	stream.linear.scatter [tilespmem:s6], [sflag:$0x4], $0x2000, $0x38;
	[tilespmem:$0x1FD80] =	vst v63  }
0x2f: {  	_ =	swait.ge [sflag:s7], $0x2000  }
0x30: {  	[sflag:s7] =	ssyncset.done $0x0  }
0x31: {  	s20 =	sadd.s32 $0xE000, s5;
	[sflag:s7] =	ssyncadd.s32 $0xFFFFE000  }
0x32: {  	[spmem:s20] =	stream.linear.scatter [tilespmem:s6], [sflag:$0x4], $0x2000, $0x38;
	[tilespmem:$0x1FD80] =	vst v63  }
0x33: {  	_ =	swait.ge [sflag:s7], $0x2000  }
0x34: {  	[sflag:s7] =	ssyncset.done $0x0  }
0x35: {  	s21 =	sadd.s32 $0x10000, s5;
	[sflag:s7] =	ssyncadd.s32 $0xFFFFE000  }
0x36: {  	[spmem:s21] =	stream.linear.scatter [tilespmem:s6], [sflag:$0x4], $0x2000, $0x38;
	[tilespmem:$0x1FD80] =	vst v63  }
0x37: {  	_ =	swait.ge [sflag:s7], $0x2000  }
0x38: {  	[sflag:s7] =	ssyncset.done $0x0  }
0x39: {  	s22 =	sadd.s32 $0x12000, s5;
	[sflag:s7] =	ssyncadd.s32 $0xFFFFE000  }
0x3a: {  	[spmem:s22] =	stream.linear.scatter [tilespmem:s6], [sflag:$0x4], $0x2000, $0x38;
	[tilespmem:$0x1FD80] =	vst v63  }
0x3b: {  	_ =	swait.ge [sflag:s7], $0x2000  }
0x3c: {  	s23 =	smul.u32 $0x5000, s2;
	[sflag:s7] =	ssyncset.done $0x0  }
0x3d: {  	v63 =	vimm.s32 $0xFFFFFFFF;
	[sflag:s7] =	ssyncadd.s32 $0xFFFFE000  }
0x3e: {  	s14 =	sshrl.u32 s23, $0x3;
	[tilespmem:$0xBB90] =	vst v63  }
0x3f: {  	s8 =	simm.s32 $0x0;
	s15 =	sadd.s32 s12, s14;
	[bflag:$0x0] =	sbarrier.arrive $0xFFFF  }
0x40: {  	[tilespmem:s8], [sflag:$0x4] =	stream.linear.gather [hbm4b:s15+s8], $0x80, $0x38;
	[tilespmem:$0x1FD80] =	vst v63  }
0x41: {  	s16 =	sadd.s32 $0x10, s15;
	s17 =	simm.s32 $0x100  }
0x42: {  	[tilespmem:s17], [sflag:$0x4] =	stream.linear.gather [hbm4b:s16+s8], $0x80, $0x38;
	[tilespmem:$0x1FD80] =	vst v63  }
0x43: {  	s25 =	simm.s32 $0x200;
	s24 =	sadd.s32 $0x20, s15  }
0x44: {  	[tilespmem:s25], [sflag:$0x4] =	stream.linear.gather [hbm4b:s24+s8], $0x80, $0x38;
	[tilespmem:$0x1FD80] =	vst v63  }
0x45: {  	s26 =	simm.s32 $0x300;
	s15 =	sadd.s32 $0x30, s15  }
0x46: {  	[tilespmem:s26], [sflag:$0x4] =	stream.linear.gather [hbm4b:s15+s8], $0x80, $0x38;
	[tilespmem:$0x1FD80] =	vst v63  }
0x47: {  	s29 =	simm.s32 $0x400;
	_ =	swait.ge [sflag:s7], $0x200  }
0x48: {  	s31 =	simm.s32 $0x500;
	s23 =	simm.s32 $0x900;
	[sflag:s7] =	ssyncset.done $0x0  }
0x49: {  	s9 =	sadd.s32 s13, s9;
	s28 =	sadd.s32 s11, s14;
	[sflag:s7] =	ssyncadd.s32 $0xFFFFFE00  }
0x4a: {  	[tilespmem:s29], [sflag:$0x4] =	stream.linear.gather [hbm4b:s28+s8], $0x80, $0x38;
	[tilespmem:$0x1FD80] =	vst v63  }
0x4b: {  	s13 =	simm.s32 $0x40;
	s30 =	sadd.s32 $0x10, s28;
	s14 =	sadd.s32 s10, s14  }
0x4c: {  	[tilespmem:s31], [sflag:$0x4] =	stream.linear.gather [hbm4b:s30+s8], $0x80, $0x38;
	[tilespmem:$0x1FD80] =	vst v63  }
0x4d: {  	s18 =	sadd.s32 $0x20, s28;
	s19 =	simm.s32 $0x600;
	s20 =	simm.s32 $0x700  }
0x4e: {  	[tilespmem:s19], [sflag:$0x4] =	stream.linear.gather [hbm4b:s18+s8], $0x80, $0x38;
	[tilespmem:$0x1FD80] =	vst v63  }
0x4f: {  	s21 =	simm.s32 $0x800;
	s22 =	sadd.s32 $0x10, s14;
	s15 =	sadd.s32 $0x30, s28  }
0x50: {  	[tilespmem:s20], [sflag:$0x4] =	stream.linear.gather [hbm4b:s15+s8], $0x80, $0x38;
	[tilespmem:$0x1FD80] =	vst v63  }
0x51: {  	s16 =	simm.s32 $0x5380;
	s17 =	simm.s32 $0x7380;
	_ =	swait.ge [sflag:s7], $0x200  }
0x52: {  	s24 =	sadd.s32 $0x20, s14;
	s25 =	simm.s32 $0xA00;
	[sflag:s7] =	ssyncset.done $0x0  }
0x53: {  	s26 =	simm.s32 $0xB00;
	s28 =	smul.u32 $0xA00, s2;
	[sflag:s7] =	ssyncadd.s32 $0xFFFFFE00  }
0x54: {  	[tilespmem:s21], [sflag:$0x4] =	stream.linear.gather [hbm4b:s14+s8], $0x80, $0x38;
	[tilespmem:$0x1FD80] =	vst v63  }
0x55: {  	s29 =	sadd.s32 s28, s10;
	s30 =	sadd.s32 s28, s11;
	s31 =	sadd.s32 s28, s12  }
0x56: {  	[tilespmem:s23], [sflag:$0x4] =	stream.linear.gather [hbm4b:s22+s8], $0x80, $0x38;
	[tilespmem:$0x1FD80] =	vst v63  }
0x57: {  	s10 =	sadd.s32 $0x40, s29;
	s11 =	sadd.s32 $0x40, s30;
	s12 =	sadd.s32 $0x40, s31  }
0x58: {  	[tilespmem:s25], [sflag:$0x4] =	stream.linear.gather [hbm4b:s24+s8], $0x80, $0x38;
	[tilespmem:$0x1FD80] =	vst v63  }
0x59: {  	s18 =	simm.s32 $0xBC80;
	s19 =	simm.s32 $0xC00;
	s14 =	sadd.s32 $0x30, s14  }
0x5a: {  	[tilespmem:s26], [sflag:$0x4] =	stream.linear.gather [hbm4b:s14+s8], $0x80, $0x38;
	[tilespmem:$0x1FD80] =	vst v63  }
0x5b: {  	s15 =	simm.s32 $0x1;
	s20 =	simm.s32 $0x2;
	_ =	swait.ge [sflag:s7], $0x200  }
0x5c: {  	s21 =	simm.s32 $0xBD00;
	s22 =	simm.s32 $0x0;
	[sflag:s7] =	ssyncset.done $0x0  }
0x5d: {  	s23 =	simm.s32 $0x0;
	s14 =	simm.s32 $0x3380;
	[sflag:s7] =	ssyncadd.s32 $0xFFFFFE00  }
.LBB2_3:
0x5e: {  	p0 =	seq.s32 s22, $0x0  }
0x5f: {  	s24 =	simm.s32 @!p0 $0x3  }
0x60: {  	_ =	swait.ge @!p0 [sflag:s24], $0x200  }
0x61: {  	[sflag:s24] =	ssyncset.done @!p0 $0x0  }
0x62: {  	[sflag:s24] =	ssyncadd.s32 @!p0 $0xFFFFFE00  }
0x63: {  	_ =	swait.ge @!p0 [sflag:s24], $0x200  }
0x64: {  	[sflag:s24] =	ssyncset.done @!p0 $0x0  }
0x65: {  	[sflag:s24] =	ssyncadd.s32 @!p0 $0xFFFFFE00  }
0x66: {  	_ =	swait.ge @!p0 [sflag:s24], $0x200  }
0x67: {  	s25 =	sand.u32 $0x1, s23;
	p1 =	seq.s32 @!p0 s22, $0x4E000;
	[sflag:s24] =	ssyncset.done @!p0 $0x0  }
0x68: {  	p1 =	por p0, !p1;
	[sflag:s24] =	ssyncadd.s32 @!p0 $0xFFFFFE00;
	s24 =	simm.s32 @!p0 $0x80  }
0x69: {  	s24 =	sshll.u32 @p1 s25, $0x7  }
0x6a: {  	s26 =	sxor.u32 @p1 $0x80, s24  }
0x6b: {  	[tilespmem:s26], [sflag:$0x3] =	stream.linear.gather @p1 [hbm4b:s12+s8], $0x80, $0x38;
	[tilespmem:$0x1FD80] =	vst v63  }
0x6c: {  	s28 =	sadd.s32 @p1 $0x10, s12;
	s29 =	sor.u32 @p1 $0x100, s26  }
0x6d: {  	[tilespmem:s29], [sflag:$0x3] =	stream.linear.gather @p1 [hbm4b:s28+s8], $0x80, $0x38;
	[tilespmem:$0x1FD80] =	vst v63  }
0x6e: {  	s28 =	sadd.s32 @p1 $0x20, s12;
	s29 =	sor.u32 @p1 $0x200, s26  }
0x6f: {  	[tilespmem:s29], [sflag:$0x3] =	stream.linear.gather @p1 [hbm4b:s28+s8], $0x80, $0x38;
	[tilespmem:$0x1FD80] =	vst v63  }
0x70: {  	s28 =	sadd.s32 @p1 $0x30, s12;
	s29 =	sor.u32 @p1 $0x300, s26  }
0x71: {  	[tilespmem:s29], [sflag:$0x3] =	stream.linear.gather @p1 [hbm4b:s28+s8], $0x80, $0x38;
	[tilespmem:$0x1FD80] =	vst v63  }
0x72: {  	s28 =	sor.u32 @p1 $0x400, s26  }
0x73: {  	[tilespmem:s28], [sflag:$0x3] =	stream.linear.gather @p1 [hbm4b:s11+s8], $0x80, $0x38;
	[tilespmem:$0x1FD80] =	vst v63  }
0x74: {  	s29 =	sor.u32 @p1 $0x500, s26;
	s28 =	sadd.s32 @p1 $0x10, s11  }
0x75: {  	[tilespmem:s29], [sflag:$0x3] =	stream.linear.gather @p1 [hbm4b:s28+s8], $0x80, $0x38;
	[tilespmem:$0x1FD80] =	vst v63  }
0x76: {  	s28 =	sadd.s32 @p1 $0x20, s11;
	s29 =	sor.u32 @p1 $0x600, s26  }
0x77: {  	[tilespmem:s29], [sflag:$0x3] =	stream.linear.gather @p1 [hbm4b:s28+s8], $0x80, $0x38;
	[tilespmem:$0x1FD80] =	vst v63  }
0x78: {  	s28 =	sadd.s32 @p1 $0x30, s11;
	s29 =	sor.u32 @p1 $0x700, s26  }
0x79: {  	[tilespmem:s29], [sflag:$0x3] =	stream.linear.gather @p1 [hbm4b:s28+s8], $0x80, $0x38;
	[tilespmem:$0x1FD80] =	vst v63  }
0x7a: {  	s28 =	sor.u32 @p1 $0x800, s26  }
0x7b: {  	[tilespmem:s28], [sflag:$0x3] =	stream.linear.gather @p1 [hbm4b:s10+s8], $0x80, $0x38;
	[tilespmem:$0x1FD80] =	vst v63  }
0x7c: {  	s29 =	sor.u32 @p1 $0x900, s26;
	s28 =	sadd.s32 @p1 $0x10, s10  }
0x7d: {  	[tilespmem:s29], [sflag:$0x3] =	stream.linear.gather @p1 [hbm4b:s28+s8], $0x80, $0x38;
	[tilespmem:$0x1FD80] =	vst v63  }
0x7e: {  	s28 =	sadd.s32 @p1 $0x20, s10;
	s29 =	sor.u32 @p1 $0xA00, s26  }
0x7f: {  	[tilespmem:s29], [sflag:$0x3] =	stream.linear.gather @p1 [hbm4b:s28+s8], $0x80, $0x38;
	[tilespmem:$0x1FD80] =	vst v63  }
0x80: {  	s25 =	sshll.u32 s25, $0x7;
	s26 =	sor.u32 @p1 $0xB00, s26;
	s28 =	sadd.s32 @p1 $0x30, s10  }
0x81: {  	[tilespmem:s26], [sflag:$0x3] =	stream.linear.gather @p1 [hbm4b:s28+s8], $0x80, $0x38;
	[tilespmem:$0x1FD80] =	vst v63  }
0x82: {  	v0 =	vld [tilespmem:s25+$0x400];
	_ =	sdelay $0x4  }
0x83: {  	[tilespmem:$0xBC80] =	vst v0  }
0x84: {  	v0 =	vld [tilespmem:s25+$0x410];
	_ =	sdelay $0x4  }
0x85: {  	[tilespmem:$0xBC90] =	vst v0  }
0x86: {  	v0 =	vld [tilespmem:s25+$0x420];
	_ =	sdelay $0x4  }
0x87: {  	[tilespmem:$0xBCA0] =	vst v0  }
0x88: {  	v0 =	vld [tilespmem:s25+$0x430];
	_ =	sdelay $0x4  }
0x89: {  	[tilespmem:$0xBCB0] =	vst v0  }
0x8a: {  	[tilespmem:s14], [sflag:$0x1] =	stream.indirect.gather [hbm4b:s4+s13], $0x80, s24, s13, $0xb8;
	[tilespmem:$0x1FD80] =	vst v63  }
0x8b: {  	_ =	swait.ge [sflag:s15], $0x2000  }
0x8c: {  	[sflag:s15] =	ssyncset.done $0x0  }
0x8d: {  	[sflag:s15] =	ssyncadd.s32 $0xFFFFE000  }
0x8e: {  	v28 =	vld [tilespmem:s24+$0x440];
	_ =	sdelay $0x4  }
0x8f: {  	[tilespmem:$0xBD00] =	vst v28  }
0x90: {  	v0 =	vld [tilespmem:s24+$0x450];
	_ =	sdelay $0x4  }
0x91: {  	[tilespmem:$0xBD10] =	vst v0  }
0x92: {  	v0 =	vld [tilespmem:s24+$0x460];
	_ =	sdelay $0x4  }
0x93: {  	[tilespmem:$0xBD20] =	vst v0  }
0x94: {  	v0 =	vld [tilespmem:s24+$0x470];
	_ =	sdelay $0x4  }
0x95: {  	s29 =	sadd.s32 $0x40, s24;
	[tilespmem:$0xBD30] =	vst v0  }
0x96: {  	[tilespmem:s16], [sflag:$0x1] =	stream.indirect.gather [hbm4b:s4+s13], $0x80, s29, s13, $0xb8;
	[tilespmem:$0x1FD80] =	vst v63  }
0x97: {  	s25 =	sadd.s32 s22, s9  }
0x98: {  	[tilespmem:s17], [sflag:$0x4] =	stream.linear.gather [hbm4b:s25+s8], $0x2000, $0x38;
	[tilespmem:$0x1FD80] =	vst v63  }
0x99: {  	_ =	swait.ge [sflag:s7], $0x2000  }
0x9a: {  	[sflag:s7] =	ssyncset.done $0x0  }
0x9b: {  	[sflag:s7] =	ssyncadd.s32 $0xFFFFE000  }
0x9c: {  	[spmem:s1] =	stream.indirect.scatter.add.f32 [tilespmem:s14], [sflag:$0x2], $0x80, s18, s13, $0xb8;
	[tilespmem:$0x1FD80] =	vst v63  }
0x9d: {  	_ = 	snop  }
0x9e: {  	[spmem:s1] =	stream.indirect.scatter.add.f32 [tilespmem:s17], [sflag:$0x2], $0x80, s18, s13, $0xb8;
	[tilespmem:$0x1FD80] =	vst v63  }
0x9f: {  	v29 =	vld [tilespmem:s24+$0x0];
	_ =	sdelay $0x6  }
0xa0: {  	v1 =	vld [tilespmem:s24+$0x800]  }
0xa1: {  	v0 =	vld.idx.msk [tilespmem:v29+s19+$0x0], $0xffff  }
0xa2: {  	v2 =	vld [tilespmem:s24+$0x400];
	_ =	sdelay $0x3  }
0xa3: {  	v0 =	vadd.f32 v0, v1  }
0xa4: {  	v30 =	vxor.u32 $0x80000000, v2  }
0xa5: {  	(xrf1) =	vsort.ascd.msk.u32 $0xffff, v30, v0;
	_ =	sdelay $0xd  }
0xa6: {  	v0, v1, _ =	vpop (xrf1)  }
0xa7: {  	v0 =	vxor.u32 $0x80000000, v0  }
0xa8: {  	(xrf2) =	vadd.scan.msk.f32 $0xffff, v1;
	[tilespmem:$0xBB80] =	vst v0  }
0xa9: {  	v31 =	vld [tilespmem:$0xBB81];
	_ =	sdelay $0x4  }
0xaa: {  	vm0 =	vne.s32 v0, v31;
	vm1 =	vgt.s32 v31, $0xFFFFFFFF  }
0xab: {  	vm2 =	vgt.s32 v31, $0x0;
	vm1 =	vmand vm1, vm0  }
0xac: {  	v1 =	vnsel vm2, $0x0, v31;
	_ =	sdelay $0x1  }
0xad: {  	v32, _, _ =	vpop (xrf2)  }
0xae: {  	v3 =	vsub.f32 $0.0e+00, v32  }
0xaf: {  	[tilespmem:v0+s6+$0x0] =	vst.idx.add.f32.msk vm0, v32  }
0xb0: {  	s30 =	sor.u32 $0x10, s24;
	[tilespmem:v1+s6+$0x0] =	vst.idx.add.f32.msk vm1, v3  }
0xb1: {  	v0 =	vld [tilespmem:s30+$0x0];
	_ =	sdelay $0x5  }
0xb2: {  	s31 =	sor.u32 $0x810, s24  }
0xb3: {  	v1 =	vld [tilespmem:s31+$0x0]  }
0xb4: {  	s28 =	sor.u32 $0x410, s24;
	v0 =	vld.idx.msk [tilespmem:v0+s19+$0x0], $0xffff  }
0xb5: {  	v2 =	vld [tilespmem:s28+$0x0];
	_ =	sdelay $0x3  }
0xb6: {  	v0 =	vadd.f32 v0, v1  }
0xb7: {  	v33 =	vxor.u32 $0x80000000, v2  }
0xb8: {  	(xrf1) =	vsort.ascd.msk.u32 $0xffff, v33, v0;
	_ =	sdelay $0xd  }
0xb9: {  	v0, v1, _ =	vpop (xrf1)  }
0xba: {  	(xrf2) =	vadd.scan.msk.f32 $0xffff, v1;
	_ =	sdelay $0x8  }
0xbb: {  	v0 =	vxor.u32 $0x80000000, v0  }
0xbc: {  	v1, _, _ =	vpop (xrf2);
	[tilespmem:$0xBB80] =	vst v0  }
0xbd: {  	v34 =	vld [tilespmem:$0xBB81];
	_ =	sdelay $0x4  }
0xbe: {  	vm7 =	vne.s32 v0, v34;
	vm8 =	vgt.s32 v34, $0xFFFFFFFF  }
0xbf: {  	vm9 =	vgt.s32 v34, $0x0;
	vm1 =	vmand vm8, vm7  }
0xc0: {  	v2 =	vnsel vm9, $0x0, v34;
	_ =	sdelay $0x2  }
0xc1: {  	v35 =	vsub.f32 $0.0e+00, v1  }
0xc2: {  	[tilespmem:v0+s6+$0x0] =	vst.idx.add.f32.msk vm7, v1  }
0xc3: {  	s29 =	sor.u32 $0x20, s24;
	[tilespmem:v2+s6+$0x0] =	vst.idx.add.f32.msk vm1, v35  }
0xc4: {  	v0 =	vld [tilespmem:s29+$0x0];
	_ =	sdelay $0x5  }
0xc5: {  	s30 =	sor.u32 $0x820, s24  }
0xc6: {  	v1 =	vld [tilespmem:s30+$0x0]  }
0xc7: {  	s31 =	sor.u32 $0x420, s24;
	v0 =	vld.idx.msk [tilespmem:v0+s19+$0x0], $0xffff  }
0xc8: {  	v2 =	vld [tilespmem:s31+$0x0];
	_ =	sdelay $0x3  }
0xc9: {  	v0 =	vadd.f32 v0, v1  }
0xca: {  	v36 =	vxor.u32 $0x80000000, v2  }
0xcb: {  	(xrf1) =	vsort.ascd.msk.u32 $0xffff, v36, v0;
	_ =	sdelay $0xd  }
0xcc: {  	v0, v1, _ =	vpop (xrf1)  }
0xcd: {  	v0 =	vxor.u32 $0x80000000, v0  }
0xce: {  	(xrf2) =	vadd.scan.msk.f32 $0xffff, v1;
	[tilespmem:$0xBB80] =	vst v0  }
0xcf: {  	v37 =	vld [tilespmem:$0xBB81];
	_ =	sdelay $0x4  }
0xd0: {  	vm10 =	vne.s32 v0, v37;
	vm11 =	vgt.s32 v37, $0xFFFFFFFF  }
0xd1: {  	vm12 =	vgt.s32 v37, $0x0;
	vm1 =	vmand vm11, vm10  }
0xd2: {  	v1 =	vnsel vm12, $0x0, v37;
	_ =	sdelay $0x1  }
0xd3: {  	v38, _, _ =	vpop (xrf2)  }
0xd4: {  	v39 =	vsub.f32 $0.0e+00, v38  }
0xd5: {  	[tilespmem:v0+s6+$0x0] =	vst.idx.add.f32.msk vm10, v38  }
0xd6: {  	s28 =	sor.u32 $0x30, s24;
	[tilespmem:v1+s6+$0x0] =	vst.idx.add.f32.msk vm1, v39  }
0xd7: {  	v0 =	vld [tilespmem:s28+$0x0];
	_ =	sdelay $0x5  }
0xd8: {  	s29 =	sor.u32 $0x830, s24  }
0xd9: {  	v1 =	vld [tilespmem:s29+$0x0]  }
0xda: {  	s30 =	sor.u32 $0x430, s24;
	v0 =	vld.idx.msk [tilespmem:v0+s19+$0x0], $0xffff  }
0xdb: {  	v2 =	vld [tilespmem:s30+$0x0];
	_ =	sdelay $0x3  }
0xdc: {  	v0 =	vadd.f32 v0, v1  }
0xdd: {  	v40 =	vxor.u32 $0x80000000, v2  }
0xde: {  	(xrf1) =	vsort.ascd.msk.u32 $0xffff, v40, v0;
	_ =	sdelay $0xd  }
0xdf: {  	v0, v1, _ =	vpop (xrf1)  }
0xe0: {  	v0 =	vxor.u32 $0x80000000, v0  }
0xe1: {  	(xrf2) =	vadd.scan.msk.f32 $0xffff, v1;
	[tilespmem:$0xBB80] =	vst v0  }
0xe2: {  	v41 =	vld [tilespmem:$0xBB81];
	_ =	sdelay $0x4  }
0xe3: {  	vm13 =	vne.s32 v0, v41;
	vm14 =	vgt.s32 v41, $0xFFFFFFFF  }
0xe4: {  	vm15 =	vgt.s32 v41, $0x0;
	vm1 =	vmand vm14, vm13  }
0xe5: {  	v1 =	vnsel vm15, $0x0, v41;
	_ =	sdelay $0x1  }
0xe6: {  	v42, _, _ =	vpop (xrf2)  }
0xe7: {  	v43 =	vsub.f32 $0.0e+00, v42  }
0xe8: {  	[tilespmem:v0+s6+$0x0] =	vst.idx.add.f32.msk vm13, v42  }
0xe9: {  	[tilespmem:v1+s6+$0x0] =	vst.idx.add.f32.msk vm1, v43  }
0xea: {  	_ =	swait.ge [sflag:s15], $0x2000  }
0xeb: {  	[sflag:s15] =	ssyncset.done $0x0  }
0xec: {  	[sflag:s15] =	ssyncadd.s32 $0xFFFFE000  }
0xed: {  	_ =	swait.ge [sflag:s20], $0x2000  }
0xee: {  	[sflag:s20] =	ssyncset.done $0x0  }
0xef: {  	[sflag:s20] =	ssyncadd.s32 $0xFFFFE000  }
0xf0: {  	_ =	swait.ge [sflag:s20], $0x2000  }
0xf1: {  	[sflag:s20] =	ssyncset.done $0x0  }
0xf2: {  	[sflag:s20] =	ssyncadd.s32 $0xFFFFE000  }
0xf3: {  	v44 =	vld [tilespmem:s24+$0x500];
	_ =	sdelay $0x4  }
0xf4: {  	[tilespmem:$0xBC80] =	vst v44  }
0xf5: {  	v0 =	vld [tilespmem:s24+$0x510];
	_ =	sdelay $0x4  }
0xf6: {  	[tilespmem:$0xBC90] =	vst v0  }
0xf7: {  	v0 =	vld [tilespmem:s24+$0x520];
	_ =	sdelay $0x4  }
0xf8: {  	[tilespmem:$0xBCA0] =	vst v0  }
0xf9: {  	v0 =	vld [tilespmem:s24+$0x530];
	_ =	sdelay $0x4  }
0xfa: {  	s31 =	sor.u32 $0x100, s24;
	[tilespmem:$0xBCB0] =	vst v0  }
0xfb: {  	[tilespmem:s14], [sflag:$0x1] =	stream.indirect.gather [hbm4b:s4+s13], $0x80, s31, s13, $0xb8;
	[tilespmem:$0x1FD80] =	vst v63  }
0xfc: {  	s28 =	sadd.s32 $0x400, s25  }
0xfd: {  	[tilespmem:s17], [sflag:$0x4] =	stream.linear.gather [hbm4b:s28+s8], $0x2000, $0x38;
	[tilespmem:$0x1FD80] =	vst v63  }
0xfe: {  	_ =	swait.ge [sflag:s7], $0x2000  }
0xff: {  	[sflag:s7] =	ssyncset.done $0x0  }
0x100: {  	[sflag:s7] =	ssyncadd.s32 $0xFFFFE000  }
0x101: {  	[spmem:s1] =	stream.indirect.scatter.add.f32 [tilespmem:s16], [sflag:$0x2], $0x80, s21, s13, $0xb8;
	[tilespmem:$0x1FD80] =	vst v63  }
0x102: {  	s29 =	sor.u32 $0x40, s24  }
0x103: {  	[spmem:s1] =	stream.indirect.scatter.add.f32 [tilespmem:s17], [sflag:$0x2], $0x80, s21, s13, $0xb8;
	[tilespmem:$0x1FD80] =	vst v63  }
0x104: {  	v45 =	vld [tilespmem:s29+$0x0];
	_ =	sdelay $0x5  }
0x105: {  	s30 =	sor.u32 $0x840, s24  }
0x106: {  	v46 =	vld [tilespmem:s30+$0x0]  }
0x107: {  	s31 =	sor.u32 $0x440, s24;
	v0 =	vld.idx.msk [tilespmem:v45+s19+$0x0], $0xffff  }
0x108: {  	v47 =	vld [tilespmem:s31+$0x0];
	_ =	sdelay $0x3  }
0x109: {  	v0 =	vadd.f32 v0, v46  }
0x10a: {  	v48 =	vxor.u32 $0x80000000, v47  }
0x10b: {  	(xrf1) =	vsort.ascd.msk.u32 $0xffff, v48, v0;
	_ =	sdelay $0xd  }
0x10c: {  	v0, v1, _ =	vpop (xrf1)  }
0x10d: {  	v0 =	vxor.u32 $0x80000000, v0  }
0x10e: {  	(xrf2) =	vadd.scan.msk.f32 $0xffff, v1;
	[tilespmem:$0xBB80] =	vst v0  }
0x10f: {  	v49 =	vld [tilespmem:$0xBB81];
	_ =	sdelay $0x4  }
0x110: {  	vm4 =	vne.s32 v0, v49;
	vm5 =	vgt.s32 v49, $0xFFFFFFFF  }
0x111: {  	vm6 =	vgt.s32 v49, $0x0;
	vm1 =	vmand vm5, vm4  }
0x112: {  	v1 =	vnsel vm6, $0x0, v49;
	_ =	sdelay $0x1  }
0x113: {  	v50, _, _ =	vpop (xrf2)  }
0x114: {  	v51 =	vsub.f32 $0.0e+00, v50  }
0x115: {  	[tilespmem:v0+s6+$0x0] =	vst.idx.add.f32.msk vm4, v50  }
0x116: {  	s28 =	sor.u32 $0x50, s24;
	[tilespmem:v1+s6+$0x0] =	vst.idx.add.f32.msk vm1, v51  }
0x117: {  	v0 =	vld [tilespmem:s28+$0x0];
	_ =	sdelay $0x5  }
0x118: {  	s29 =	sor.u32 $0x850, s24  }
0x119: {  	v1 =	vld [tilespmem:s29+$0x0]  }
0x11a: {  	s30 =	sor.u32 $0x450, s24;
	v0 =	vld.idx.msk [tilespmem:v0+s19+$0x0], $0xffff  }
0x11b: {  	v2 =	vld [tilespmem:s30+$0x0];
	_ =	sdelay $0x3  }
0x11c: {  	v0 =	vadd.f32 v0, v1  }
0x11d: {  	v52 =	vxor.u32 $0x80000000, v2  }
0x11e: {  	(xrf1) =	vsort.ascd.msk.u32 $0xffff, v52, v0;
	_ =	sdelay $0xd  }
0x11f: {  	v0, v1, _ =	vpop (xrf1)  }
0x120: {  	v0 =	vxor.u32 $0x80000000, v0  }
0x121: {  	(xrf2) =	vadd.scan.msk.f32 $0xffff, v1;
	[tilespmem:$0xBB80] =	vst v0  }
0x122: {  	v53 =	vld [tilespmem:$0xBB81];
	_ =	sdelay $0x4  }
0x123: {  	vm7 =	vne.s32 v0, v53;
	vm8 =	vgt.s32 v53, $0xFFFFFFFF  }
0x124: {  	vm9 =	vgt.s32 v53, $0x0;
	vm1 =	vmand vm8, vm7  }
0x125: {  	v1 =	vnsel vm9, $0x0, v53;
	_ =	sdelay $0x1  }
0x126: {  	v54, _, _ =	vpop (xrf2)  }
0x127: {  	v55 =	vsub.f32 $0.0e+00, v54  }
0x128: {  	[tilespmem:v0+s6+$0x0] =	vst.idx.add.f32.msk vm7, v54  }
0x129: {  	s31 =	sor.u32 $0x60, s24;
	[tilespmem:v1+s6+$0x0] =	vst.idx.add.f32.msk vm1, v55  }
0x12a: {  	v0 =	vld [tilespmem:s31+$0x0];
	_ =	sdelay $0x5  }
0x12b: {  	s28 =	sor.u32 $0x860, s24  }
0x12c: {  	v1 =	vld [tilespmem:s28+$0x0]  }
0x12d: {  	s29 =	sor.u32 $0x460, s24;
	v0 =	vld.idx.msk [tilespmem:v0+s19+$0x0], $0xffff  }
0x12e: {  	v2 =	vld [tilespmem:s29+$0x0];
	_ =	sdelay $0x3  }
0x12f: {  	v0 =	vadd.f32 v0, v1  }
0x130: {  	v56 =	vxor.u32 $0x80000000, v2  }
0x131: {  	(xrf1) =	vsort.ascd.msk.u32 $0xffff, v56, v0;
	_ =	sdelay $0xd  }
0x132: {  	v0, v1, _ =	vpop (xrf1)  }
0x133: {  	v0 =	vxor.u32 $0x80000000, v0  }
0x134: {  	(xrf2) =	vadd.scan.msk.f32 $0xffff, v1;
	[tilespmem:$0xBB80] =	vst v0  }
0x135: {  	v57 =	vld [tilespmem:$0xBB81];
	_ =	sdelay $0x4  }
0x136: {  	vm10 =	vne.s32 v0, v57;
	vm11 =	vgt.s32 v57, $0xFFFFFFFF  }
0x137: {  	vm12 =	vgt.s32 v57, $0x0;
	vm1 =	vmand vm11, vm10  }
0x138: {  	v1 =	vnsel vm12, $0x0, v57;
	_ =	sdelay $0x1  }
0x139: {  	v58, _, _ =	vpop (xrf2)  }
0x13a: {  	v59 =	vsub.f32 $0.0e+00, v58  }
0x13b: {  	[tilespmem:v0+s6+$0x0] =	vst.idx.add.f32.msk vm10, v58  }
0x13c: {  	s30 =	sor.u32 $0x70, s24;
	[tilespmem:v1+s6+$0x0] =	vst.idx.add.f32.msk vm1, v59  }
0x13d: {  	v0 =	vld [tilespmem:s30+$0x0];
	_ =	sdelay $0x5  }
0x13e: {  	s31 =	sor.u32 $0x870, s24  }
0x13f: {  	v1 =	vld [tilespmem:s31+$0x0]  }
0x140: {  	s28 =	sor.u32 $0x470, s24;
	v0 =	vld.idx.msk [tilespmem:v0+s19+$0x0], $0xffff  }
0x141: {  	v2 =	vld [tilespmem:s28+$0x0];
	_ =	sdelay $0x3  }
0x142: {  	v0 =	vadd.f32 v0, v1  }
0x143: {  	v60 =	vxor.u32 $0x80000000, v2  }
0x144: {  	(xrf1) =	vsort.ascd.msk.u32 $0xffff, v60, v0;
	_ =	sdelay $0xd  }
0x145: {  	v0, v1, _ =	vpop (xrf1)  }
0x146: {  	v0 =	vxor.u32 $0x80000000, v0  }
0x147: {  	(xrf2) =	vadd.scan.msk.f32 $0xffff, v1;
	[tilespmem:$0xBB80] =	vst v0  }
0x148: {  	v61 =	vld [tilespmem:$0xBB81];
	_ =	sdelay $0x4  }
0x149: {  	vm13 =	vne.s32 v0, v61;
	vm14 =	vgt.s32 v61, $0xFFFFFFFF  }
0x14a: {  	vm15 =	vgt.s32 v61, $0x0;
	vm1 =	vmand vm14, vm13  }
0x14b: {  	v1 =	vnsel vm15, $0x0, v61;
	_ =	sdelay $0x1  }
0x14c: {  	v62, _, _ =	vpop (xrf2)  }
0x14d: {  	v63 =	vsub.f32 $0.0e+00, v62  }
0x14e: {  	[tilespmem:v0+s6+$0x0] =	vst.idx.add.f32.msk vm13, v62  }
0x14f: {  	[tilespmem:v1+s6+$0x0] =	vst.idx.add.f32.msk vm1, v63  }
0x150: {  	_ =	swait.ge [sflag:s15], $0x2000  }
0x151: {  	[sflag:s15] =	ssyncset.done $0x0  }
0x152: {  	[sflag:s15] =	ssyncadd.s32 $0xFFFFE000  }
0x153: {  	_ =	swait.ge [sflag:s20], $0x2000  }
0x154: {  	[sflag:s20] =	ssyncset.done $0x0  }
0x155: {  	[sflag:s20] =	ssyncadd.s32 $0xFFFFE000  }
0x156: {  	_ =	swait.ge [sflag:s20], $0x2000  }
0x157: {  	[sflag:s20] =	ssyncset.done $0x0  }
0x158: {  	[sflag:s20] =	ssyncadd.s32 $0xFFFFE000  }
0x159: {  	v4 =	vld [tilespmem:s24+$0x540];
	_ =	sdelay $0x4  }
0x15a: {  	[tilespmem:$0xBD00] =	vst v4  }
0x15b: {  	v0 =	vld [tilespmem:s24+$0x550];
	_ =	sdelay $0x4  }
0x15c: {  	[tilespmem:$0xBD10] =	vst v0  }
0x15d: {  	v0 =	vld [tilespmem:s24+$0x560];
	_ =	sdelay $0x4  }
0x15e: {  	[tilespmem:$0xBD20] =	vst v0  }
0x15f: {  	v0 =	vld [tilespmem:s24+$0x570];
	_ =	sdelay $0x4  }
0x160: {  	s29 =	sadd.s32 $0x140, s24;
	[tilespmem:$0xBD30] =	vst v0  }
0x161: {  	[tilespmem:s16], [sflag:$0x1] =	stream.indirect.gather [hbm4b:s4+s13], $0x80, s29, s13, $0xb8;
	[tilespmem:$0x1FD80] =	vst v63  }
0x162: {  	s30 =	sadd.s32 $0x800, s25  }
0x163: {  	[tilespmem:s17], [sflag:$0x4] =	stream.linear.gather [hbm4b:s30+s8], $0x2000, $0x38;
	[tilespmem:$0x1FD80] =	vst v63  }
0x164: {  	_ =	swait.ge [sflag:s7], $0x2000  }
0x165: {  	[sflag:s7] =	ssyncset.done $0x0  }
0x166: {  	[sflag:s7] =	ssyncadd.s32 $0xFFFFE000  }
0x167: {  	[spmem:s1] =	stream.indirect.scatter.add.f32 [tilespmem:s14], [sflag:$0x2], $0x80, s18, s13, $0xb8;
	[tilespmem:$0x1FD80] =	vst v63  }
0x168: {  	_ = 	snop  }
0x169: {  	[spmem:s1] =	stream.indirect.scatter.add.f32 [tilespmem:s17], [sflag:$0x2], $0x80, s18, s13, $0xb8;
	[tilespmem:$0x1FD80] =	vst v63  }
0x16a: {  	v5 =	vld [tilespmem:s24+$0x100];
	_ =	sdelay $0x6  }
0x16b: {  	v6 =	vld [tilespmem:s24+$0x900]  }
0x16c: {  	v0 =	vld.idx.msk [tilespmem:v5+s19+$0x0], $0xffff  }
0x16d: {  	v7 =	vld [tilespmem:s24+$0x500];
	_ =	sdelay $0x3  }
0x16e: {  	v0 =	vadd.f32 v0, v6  }
0x16f: {  	v8 =	vxor.u32 $0x80000000, v7  }
0x170: {  	(xrf1) =	vsort.ascd.msk.u32 $0xffff, v8, v0;
	_ =	sdelay $0xd  }
0x171: {  	v0, v1, _ =	vpop (xrf1)  }
0x172: {  	v0 =	vxor.u32 $0x80000000, v0  }
0x173: {  	(xrf2) =	vadd.scan.msk.f32 $0xffff, v1;
	[tilespmem:$0xBB80] =	vst v0  }
0x174: {  	v9 =	vld [tilespmem:$0xBB81];
	_ =	sdelay $0x4  }
0x175: {  	vm4 =	vne.s32 v0, v9;
	vm5 =	vgt.s32 v9, $0xFFFFFFFF  }
0x176: {  	vm6 =	vgt.s32 v9, $0x0;
	vm1 =	vmand vm5, vm4  }
0x177: {  	v1 =	vnsel vm6, $0x0, v9;
	_ =	sdelay $0x1  }
0x178: {  	v10, _, _ =	vpop (xrf2)  }
0x179: {  	v11 =	vsub.f32 $0.0e+00, v10  }
0x17a: {  	[tilespmem:v0+s6+$0x0] =	vst.idx.add.f32.msk vm4, v10  }
0x17b: {  	[tilespmem:v1+s6+$0x0] =	vst.idx.add.f32.msk vm1, v11  }
0x17c: {  	v0 =	vld [tilespmem:s24+$0x110];
	_ =	sdelay $0x6  }
0x17d: {  	v1 =	vld [tilespmem:s24+$0x910]  }
0x17e: {  	v0 =	vld.idx.msk [tilespmem:v0+s19+$0x0], $0xffff  }
0x17f: {  	v2 =	vld [tilespmem:s24+$0x510];
	_ =	sdelay $0x3  }
0x180: {  	v0 =	vadd.f32 v0, v1  }
0x181: {  	v12 =	vxor.u32 $0x80000000, v2  }
0x182: {  	(xrf1) =	vsort.ascd.msk.u32 $0xffff, v12, v0;
	_ =	sdelay $0xd  }
0x183: {  	v0, v1, _ =	vpop (xrf1)  }
0x184: {  	v0 =	vxor.u32 $0x80000000, v0  }
0x185: {  	(xrf2) =	vadd.scan.msk.f32 $0xffff, v1;
	[tilespmem:$0xBB80] =	vst v0  }
0x186: {  	v13 =	vld [tilespmem:$0xBB81];
	_ =	sdelay $0x4  }
0x187: {  	vm7 =	vne.s32 v0, v13;
	vm8 =	vgt.s32 v13, $0xFFFFFFFF  }
0x188: {  	vm9 =	vgt.s32 v13, $0x0;
	vm1 =	vmand vm8, vm7  }
0x189: {  	v1 =	vnsel vm9, $0x0, v13;
	_ =	sdelay $0x1  }
0x18a: {  	v14, _, _ =	vpop (xrf2)  }
0x18b: {  	v15 =	vsub.f32 $0.0e+00, v14  }
0x18c: {  	[tilespmem:v0+s6+$0x0] =	vst.idx.add.f32.msk vm7, v14  }
0x18d: {  	[tilespmem:v1+s6+$0x0] =	vst.idx.add.f32.msk vm1, v15  }
0x18e: {  	v0 =	vld [tilespmem:s24+$0x120];
	_ =	sdelay $0x6  }
0x18f: {  	v1 =	vld [tilespmem:s24+$0x920]  }
0x190: {  	v0 =	vld.idx.msk [tilespmem:v0+s19+$0x0], $0xffff  }
0x191: {  	v2 =	vld [tilespmem:s24+$0x520];
	_ =	sdelay $0x3  }
0x192: {  	v0 =	vadd.f32 v0, v1  }
0x193: {  	v16 =	vxor.u32 $0x80000000, v2  }
0x194: {  	(xrf1) =	vsort.ascd.msk.u32 $0xffff, v16, v0;
	_ =	sdelay $0xd  }
0x195: {  	v0, v1, _ =	vpop (xrf1)  }
0x196: {  	v0 =	vxor.u32 $0x80000000, v0  }
0x197: {  	(xrf2) =	vadd.scan.msk.f32 $0xffff, v1;
	[tilespmem:$0xBB80] =	vst v0  }
0x198: {  	v17 =	vld [tilespmem:$0xBB81];
	_ =	sdelay $0x4  }
0x199: {  	vm10 =	vne.s32 v0, v17;
	vm11 =	vgt.s32 v17, $0xFFFFFFFF  }
0x19a: {  	vm12 =	vgt.s32 v17, $0x0;
	vm1 =	vmand vm11, vm10  }
0x19b: {  	v1 =	vnsel vm12, $0x0, v17;
	_ =	sdelay $0x1  }
0x19c: {  	v18, _, _ =	vpop (xrf2)  }
0x19d: {  	v19 =	vsub.f32 $0.0e+00, v18  }
0x19e: {  	[tilespmem:v0+s6+$0x0] =	vst.idx.add.f32.msk vm10, v18  }
0x19f: {  	[tilespmem:v1+s6+$0x0] =	vst.idx.add.f32.msk vm1, v19  }
0x1a0: {  	v0 =	vld [tilespmem:s24+$0x130];
	_ =	sdelay $0x6  }
0x1a1: {  	v1 =	vld [tilespmem:s24+$0x930]  }
0x1a2: {  	v0 =	vld.idx.msk [tilespmem:v0+s19+$0x0], $0xffff  }
0x1a3: {  	v2 =	vld [tilespmem:s24+$0x530];
	_ =	sdelay $0x3  }
0x1a4: {  	v0 =	vadd.f32 v0, v1  }
0x1a5: {  	v20 =	vxor.u32 $0x80000000, v2  }
0x1a6: {  	(xrf1) =	vsort.ascd.msk.u32 $0xffff, v20, v0;
	_ =	sdelay $0xd  }
0x1a7: {  	v0, v1, _ =	vpop (xrf1)  }
0x1a8: {  	v0 =	vxor.u32 $0x80000000, v0  }
0x1a9: {  	(xrf2) =	vadd.scan.msk.f32 $0xffff, v1;
	[tilespmem:$0xBB80] =	vst v0  }
0x1aa: {  	v21 =	vld [tilespmem:$0xBB81];
	_ =	sdelay $0x4  }
0x1ab: {  	vm13 =	vne.s32 v0, v21;
	vm14 =	vgt.s32 v21, $0xFFFFFFFF  }
0x1ac: {  	vm15 =	vgt.s32 v21, $0x0;
	vm1 =	vmand vm14, vm13  }
0x1ad: {  	v1 =	vnsel vm15, $0x0, v21;
	_ =	sdelay $0x1  }
0x1ae: {  	v22, _, _ =	vpop (xrf2)  }
0x1af: {  	v23 =	vsub.f32 $0.0e+00, v22  }
0x1b0: {  	[tilespmem:v0+s6+$0x0] =	vst.idx.add.f32.msk vm13, v22  }
0x1b1: {  	[tilespmem:v1+s6+$0x0] =	vst.idx.add.f32.msk vm1, v23  }
0x1b2: {  	_ =	swait.ge [sflag:s15], $0x2000  }
0x1b3: {  	[sflag:s15] =	ssyncset.done $0x0  }
0x1b4: {  	[sflag:s15] =	ssyncadd.s32 $0xFFFFE000  }
0x1b5: {  	_ =	swait.ge [sflag:s20], $0x2000  }
0x1b6: {  	[sflag:s20] =	ssyncset.done $0x0  }
0x1b7: {  	[sflag:s20] =	ssyncadd.s32 $0xFFFFE000  }
0x1b8: {  	_ =	swait.ge [sflag:s20], $0x2000  }
0x1b9: {  	[sflag:s20] =	ssyncset.done $0x0  }
0x1ba: {  	[sflag:s20] =	ssyncadd.s32 $0xFFFFE000  }
0x1bb: {  	v24 =	vld [tilespmem:s24+$0x600];
	_ =	sdelay $0x4  }
0x1bc: {  	[tilespmem:$0xBC80] =	vst v24  }
0x1bd: {  	v0 =	vld [tilespmem:s24+$0x610];
	_ =	sdelay $0x4  }
0x1be: {  	[tilespmem:$0xBC90] =	vst v0  }
0x1bf: {  	v0 =	vld [tilespmem:s24+$0x620];
	_ =	sdelay $0x4  }
0x1c0: {  	[tilespmem:$0xBCA0] =	vst v0  }
0x1c1: {  	v0 =	vld [tilespmem:s24+$0x630];
	_ =	sdelay $0x4  }
0x1c2: {  	s31 =	sor.u32 $0x200, s24;
	[tilespmem:$0xBCB0] =	vst v0  }
0x1c3: {  	[tilespmem:s14], [sflag:$0x1] =	stream.indirect.gather [hbm4b:s4+s13], $0x80, s31, s13, $0xb8;
	[tilespmem:$0x1FD80] =	vst v63  }
0x1c4: {  	s28 =	sadd.s32 $0xC00, s25  }
0x1c5: {  	[tilespmem:s17], [sflag:$0x4] =	stream.linear.gather [hbm4b:s28+s8], $0x2000, $0x38;
	[tilespmem:$0x1FD80] =	vst v63  }
0x1c6: {  	_ =	swait.ge [sflag:s7], $0x2000  }
0x1c7: {  	[sflag:s7] =	ssyncset.done $0x0  }
0x1c8: {  	[sflag:s7] =	ssyncadd.s32 $0xFFFFE000  }
0x1c9: {  	[spmem:s1] =	stream.indirect.scatter.add.f32 [tilespmem:s16], [sflag:$0x2], $0x80, s21, s13, $0xb8;
	[tilespmem:$0x1FD80] =	vst v63  }
0x1ca: {  	s29 =	sor.u32 $0x140, s24  }
0x1cb: {  	[spmem:s1] =	stream.indirect.scatter.add.f32 [tilespmem:s17], [sflag:$0x2], $0x80, s21, s13, $0xb8;
	[tilespmem:$0x1FD80] =	vst v63  }
0x1cc: {  	v25 =	vld [tilespmem:s29+$0x0];
	_ =	sdelay $0x5  }
0x1cd: {  	s30 =	sor.u32 $0x940, s24  }
0x1ce: {  	v26 =	vld [tilespmem:s30+$0x0]  }
0x1cf: {  	s31 =	sor.u32 $0x540, s24;
	v0 =	vld.idx.msk [tilespmem:v25+s19+$0x0], $0xffff  }
0x1d0: {  	v27 =	vld [tilespmem:s31+$0x0];
	_ =	sdelay $0x3  }
0x1d1: {  	v0 =	vadd.f32 v0, v26  }
0x1d2: {  	v28 =	vxor.u32 $0x80000000, v27  }
0x1d3: {  	(xrf1) =	vsort.ascd.msk.u32 $0xffff, v28, v0;
	_ =	sdelay $0xd  }
0x1d4: {  	v0, v1, _ =	vpop (xrf1)  }
0x1d5: {  	v0 =	vxor.u32 $0x80000000, v0  }
0x1d6: {  	(xrf2) =	vadd.scan.msk.f32 $0xffff, v1;
	[tilespmem:$0xBB80] =	vst v0  }
0x1d7: {  	v29 =	vld [tilespmem:$0xBB81];
	_ =	sdelay $0x4  }
0x1d8: {  	vm4 =	vne.s32 v0, v29;
	vm5 =	vgt.s32 v29, $0xFFFFFFFF  }
0x1d9: {  	vm6 =	vgt.s32 v29, $0x0;
	vm1 =	vmand vm5, vm4  }
0x1da: {  	v1 =	vnsel vm6, $0x0, v29;
	_ =	sdelay $0x1  }
0x1db: {  	v30, _, _ =	vpop (xrf2)  }
0x1dc: {  	v31 =	vsub.f32 $0.0e+00, v30  }
0x1dd: {  	[tilespmem:v0+s6+$0x0] =	vst.idx.add.f32.msk vm4, v30  }
0x1de: {  	[tilespmem:v1+s6+$0x0] =	vst.idx.add.f32.msk vm1, v31  }
0x1df: {  	v0 =	vld [tilespmem:s24+$0x150];
	_ =	sdelay $0x6  }
0x1e0: {  	v1 =	vld [tilespmem:s24+$0x950]  }
0x1e1: {  	v0 =	vld.idx.msk [tilespmem:v0+s19+$0x0], $0xffff  }
0x1e2: {  	v2 =	vld [tilespmem:s24+$0x550];
	_ =	sdelay $0x3  }
0x1e3: {  	v0 =	vadd.f32 v0, v1  }
0x1e4: {  	v32 =	vxor.u32 $0x80000000, v2  }
0x1e5: {  	(xrf1) =	vsort.ascd.msk.u32 $0xffff, v32, v0;
	_ =	sdelay $0xd  }
0x1e6: {  	v0, v1, _ =	vpop (xrf1)  }
0x1e7: {  	v0 =	vxor.u32 $0x80000000, v0  }
0x1e8: {  	(xrf2) =	vadd.scan.msk.f32 $0xffff, v1;
	[tilespmem:$0xBB80] =	vst v0  }
0x1e9: {  	v33 =	vld [tilespmem:$0xBB81];
	_ =	sdelay $0x4  }
0x1ea: {  	vm7 =	vne.s32 v0, v33;
	vm8 =	vgt.s32 v33, $0xFFFFFFFF  }
0x1eb: {  	vm9 =	vgt.s32 v33, $0x0;
	vm1 =	vmand vm8, vm7  }
0x1ec: {  	v1 =	vnsel vm9, $0x0, v33;
	_ =	sdelay $0x1  }
0x1ed: {  	v34, _, _ =	vpop (xrf2)  }
0x1ee: {  	v35 =	vsub.f32 $0.0e+00, v34  }
0x1ef: {  	[tilespmem:v0+s6+$0x0] =	vst.idx.add.f32.msk vm7, v34  }
0x1f0: {  	[tilespmem:v1+s6+$0x0] =	vst.idx.add.f32.msk vm1, v35  }
0x1f1: {  	v0 =	vld [tilespmem:s24+$0x160];
	_ =	sdelay $0x6  }
0x1f2: {  	v1 =	vld [tilespmem:s24+$0x960]  }
0x1f3: {  	v0 =	vld.idx.msk [tilespmem:v0+s19+$0x0], $0xffff  }
0x1f4: {  	v2 =	vld [tilespmem:s24+$0x560];
	_ =	sdelay $0x3  }
0x1f5: {  	v0 =	vadd.f32 v0, v1  }
0x1f6: {  	v36 =	vxor.u32 $0x80000000, v2  }
0x1f7: {  	(xrf1) =	vsort.ascd.msk.u32 $0xffff, v36, v0;
	_ =	sdelay $0xd  }
0x1f8: {  	v0, v1, _ =	vpop (xrf1)  }
0x1f9: {  	v0 =	vxor.u32 $0x80000000, v0  }
0x1fa: {  	(xrf2) =	vadd.scan.msk.f32 $0xffff, v1;
	[tilespmem:$0xBB80] =	vst v0  }
0x1fb: {  	v37 =	vld [tilespmem:$0xBB81];
	_ =	sdelay $0x4  }
0x1fc: {  	vm10 =	vne.s32 v0, v37;
	vm11 =	vgt.s32 v37, $0xFFFFFFFF  }
0x1fd: {  	vm12 =	vgt.s32 v37, $0x0;
	vm1 =	vmand vm11, vm10  }
0x1fe: {  	v1 =	vnsel vm12, $0x0, v37;
	_ =	sdelay $0x1  }
0x1ff: {  	v38, _, _ =	vpop (xrf2)  }
0x200: {  	v39 =	vsub.f32 $0.0e+00, v38  }
0x201: {  	[tilespmem:v0+s6+$0x0] =	vst.idx.add.f32.msk vm10, v38  }
0x202: {  	[tilespmem:v1+s6+$0x0] =	vst.idx.add.f32.msk vm1, v39  }
0x203: {  	v0 =	vld [tilespmem:s24+$0x170];
	_ =	sdelay $0x6  }
0x204: {  	v1 =	vld [tilespmem:s24+$0x970]  }
0x205: {  	v0 =	vld.idx.msk [tilespmem:v0+s19+$0x0], $0xffff  }
0x206: {  	v2 =	vld [tilespmem:s24+$0x570];
	_ =	sdelay $0x3  }
0x207: {  	v0 =	vadd.f32 v0, v1  }
0x208: {  	v40 =	vxor.u32 $0x80000000, v2  }
0x209: {  	(xrf1) =	vsort.ascd.msk.u32 $0xffff, v40, v0;
	_ =	sdelay $0xd  }
0x20a: {  	v0, v1, _ =	vpop (xrf1)  }
0x20b: {  	v0 =	vxor.u32 $0x80000000, v0  }
0x20c: {  	(xrf2) =	vadd.scan.msk.f32 $0xffff, v1;
	[tilespmem:$0xBB80] =	vst v0  }
0x20d: {  	v41 =	vld [tilespmem:$0xBB81];
	_ =	sdelay $0x4  }
0x20e: {  	vm13 =	vne.s32 v0, v41;
	vm14 =	vgt.s32 v41, $0xFFFFFFFF  }
0x20f: {  	vm15 =	vgt.s32 v41, $0x0;
	vm1 =	vmand vm14, vm13  }
0x210: {  	v1 =	vnsel vm15, $0x0, v41;
	_ =	sdelay $0x1  }
0x211: {  	v42, _, _ =	vpop (xrf2)  }
0x212: {  	v43 =	vsub.f32 $0.0e+00, v42  }
0x213: {  	[tilespmem:v0+s6+$0x0] =	vst.idx.add.f32.msk vm13, v42  }
0x214: {  	[tilespmem:v1+s6+$0x0] =	vst.idx.add.f32.msk vm1, v43  }
0x215: {  	_ =	swait.ge [sflag:s15], $0x2000  }
0x216: {  	[sflag:s15] =	ssyncset.done $0x0  }
0x217: {  	[sflag:s15] =	ssyncadd.s32 $0xFFFFE000  }
0x218: {  	_ =	swait.ge [sflag:s20], $0x2000  }
0x219: {  	[sflag:s20] =	ssyncset.done $0x0  }
0x21a: {  	[sflag:s20] =	ssyncadd.s32 $0xFFFFE000  }
0x21b: {  	_ =	swait.ge [sflag:s20], $0x2000  }
0x21c: {  	[sflag:s20] =	ssyncset.done $0x0  }
0x21d: {  	[sflag:s20] =	ssyncadd.s32 $0xFFFFE000  }
0x21e: {  	v44 =	vld [tilespmem:s24+$0x640];
	_ =	sdelay $0x4  }
0x21f: {  	[tilespmem:$0xBD00] =	vst v44  }
0x220: {  	v0 =	vld [tilespmem:s24+$0x650];
	_ =	sdelay $0x4  }
0x221: {  	[tilespmem:$0xBD10] =	vst v0  }
0x222: {  	v0 =	vld [tilespmem:s24+$0x660];
	_ =	sdelay $0x4  }
0x223: {  	[tilespmem:$0xBD20] =	vst v0  }
0x224: {  	v0 =	vld [tilespmem:s24+$0x670];
	_ =	sdelay $0x4  }
0x225: {  	s28 =	sadd.s32 $0x240, s24;
	[tilespmem:$0xBD30] =	vst v0  }
0x226: {  	[tilespmem:s16], [sflag:$0x1] =	stream.indirect.gather [hbm4b:s4+s13], $0x80, s28, s13, $0xb8;
	[tilespmem:$0x1FD80] =	vst v63  }
0x227: {  	s29 =	sadd.s32 $0x1000, s25  }
0x228: {  	[tilespmem:s17], [sflag:$0x4] =	stream.linear.gather [hbm4b:s29+s8], $0x2000, $0x38;
	[tilespmem:$0x1FD80] =	vst v63  }
0x229: {  	_ =	swait.ge [sflag:s7], $0x2000  }
0x22a: {  	[sflag:s7] =	ssyncset.done $0x0  }
0x22b: {  	[sflag:s7] =	ssyncadd.s32 $0xFFFFE000  }
0x22c: {  	[spmem:s1] =	stream.indirect.scatter.add.f32 [tilespmem:s14], [sflag:$0x2], $0x80, s18, s13, $0xb8;
	[tilespmem:$0x1FD80] =	vst v63  }
0x22d: {  	_ = 	snop  }
0x22e: {  	[spmem:s1] =	stream.indirect.scatter.add.f32 [tilespmem:s17], [sflag:$0x2], $0x80, s18, s13, $0xb8;
	[tilespmem:$0x1FD80] =	vst v63  }
0x22f: {  	v45 =	vld [tilespmem:s24+$0x200];
	_ =	sdelay $0x6  }
0x230: {  	v46 =	vld [tilespmem:s24+$0xA00]  }
0x231: {  	v0 =	vld.idx.msk [tilespmem:v45+s19+$0x0], $0xffff  }
0x232: {  	v47 =	vld [tilespmem:s24+$0x600];
	_ =	sdelay $0x3  }
0x233: {  	v0 =	vadd.f32 v0, v46  }
0x234: {  	v48 =	vxor.u32 $0x80000000, v47  }
0x235: {  	(xrf1) =	vsort.ascd.msk.u32 $0xffff, v48, v0;
	_ =	sdelay $0xd  }
0x236: {  	v0, v1, _ =	vpop (xrf1)  }
0x237: {  	v0 =	vxor.u32 $0x80000000, v0  }
0x238: {  	(xrf2) =	vadd.scan.msk.f32 $0xffff, v1;
	[tilespmem:$0xBB80] =	vst v0  }
0x239: {  	v49 =	vld [tilespmem:$0xBB81];
	_ =	sdelay $0x4  }
0x23a: {  	vm4 =	vne.s32 v0, v49;
	vm5 =	vgt.s32 v49, $0xFFFFFFFF  }
0x23b: {  	vm6 =	vgt.s32 v49, $0x0;
	vm1 =	vmand vm5, vm4  }
0x23c: {  	v1 =	vnsel vm6, $0x0, v49;
	_ =	sdelay $0x1  }
0x23d: {  	v50, _, _ =	vpop (xrf2)  }
0x23e: {  	v51 =	vsub.f32 $0.0e+00, v50  }
0x23f: {  	[tilespmem:v0+s6+$0x0] =	vst.idx.add.f32.msk vm4, v50  }
0x240: {  	[tilespmem:v1+s6+$0x0] =	vst.idx.add.f32.msk vm1, v51  }
0x241: {  	v0 =	vld [tilespmem:s24+$0x210];
	_ =	sdelay $0x6  }
0x242: {  	v1 =	vld [tilespmem:s24+$0xA10]  }
0x243: {  	v0 =	vld.idx.msk [tilespmem:v0+s19+$0x0], $0xffff  }
0x244: {  	v2 =	vld [tilespmem:s24+$0x610];
	_ =	sdelay $0x3  }
0x245: {  	v0 =	vadd.f32 v0, v1  }
0x246: {  	v52 =	vxor.u32 $0x80000000, v2  }
0x247: {  	(xrf1) =	vsort.ascd.msk.u32 $0xffff, v52, v0;
	_ =	sdelay $0xd  }
0x248: {  	v0, v1, _ =	vpop (xrf1)  }
0x249: {  	v0 =	vxor.u32 $0x80000000, v0  }
0x24a: {  	(xrf2) =	vadd.scan.msk.f32 $0xffff, v1;
	[tilespmem:$0xBB80] =	vst v0  }
0x24b: {  	v53 =	vld [tilespmem:$0xBB81];
	_ =	sdelay $0x4  }
0x24c: {  	vm7 =	vne.s32 v0, v53;
	vm8 =	vgt.s32 v53, $0xFFFFFFFF  }
0x24d: {  	vm9 =	vgt.s32 v53, $0x0;
	vm1 =	vmand vm8, vm7  }
0x24e: {  	v1 =	vnsel vm9, $0x0, v53;
	_ =	sdelay $0x1  }
0x24f: {  	v54, _, _ =	vpop (xrf2)  }
0x250: {  	v55 =	vsub.f32 $0.0e+00, v54  }
0x251: {  	[tilespmem:v0+s6+$0x0] =	vst.idx.add.f32.msk vm7, v54  }
0x252: {  	[tilespmem:v1+s6+$0x0] =	vst.idx.add.f32.msk vm1, v55  }
0x253: {  	v0 =	vld [tilespmem:s24+$0x220];
	_ =	sdelay $0x6  }
0x254: {  	v1 =	vld [tilespmem:s24+$0xA20]  }
0x255: {  	v0 =	vld.idx.msk [tilespmem:v0+s19+$0x0], $0xffff  }
0x256: {  	v2 =	vld [tilespmem:s24+$0x620];
	_ =	sdelay $0x3  }
0x257: {  	v0 =	vadd.f32 v0, v1  }
0x258: {  	v56 =	vxor.u32 $0x80000000, v2  }
0x259: {  	(xrf1) =	vsort.ascd.msk.u32 $0xffff, v56, v0;
	_ =	sdelay $0xd  }
0x25a: {  	v0, v1, _ =	vpop (xrf1)  }
0x25b: {  	v0 =	vxor.u32 $0x80000000, v0  }
0x25c: {  	(xrf2) =	vadd.scan.msk.f32 $0xffff, v1;
	[tilespmem:$0xBB80] =	vst v0  }
0x25d: {  	v57 =	vld [tilespmem:$0xBB81];
	_ =	sdelay $0x4  }
0x25e: {  	vm10 =	vne.s32 v0, v57;
	vm11 =	vgt.s32 v57, $0xFFFFFFFF  }
0x25f: {  	vm12 =	vgt.s32 v57, $0x0;
	vm1 =	vmand vm11, vm10  }
0x260: {  	v1 =	vnsel vm12, $0x0, v57;
	_ =	sdelay $0x1  }
0x261: {  	v58, _, _ =	vpop (xrf2)  }
0x262: {  	v59 =	vsub.f32 $0.0e+00, v58  }
0x263: {  	[tilespmem:v0+s6+$0x0] =	vst.idx.add.f32.msk vm10, v58  }
0x264: {  	[tilespmem:v1+s6+$0x0] =	vst.idx.add.f32.msk vm1, v59  }
0x265: {  	v0 =	vld [tilespmem:s24+$0x230];
	_ =	sdelay $0x6  }
0x266: {  	v1 =	vld [tilespmem:s24+$0xA30]  }
0x267: {  	v0 =	vld.idx.msk [tilespmem:v0+s19+$0x0], $0xffff  }
0x268: {  	v2 =	vld [tilespmem:s24+$0x630];
	_ =	sdelay $0x3  }
0x269: {  	v0 =	vadd.f32 v0, v1  }
0x26a: {  	v60 =	vxor.u32 $0x80000000, v2  }
0x26b: {  	(xrf1) =	vsort.ascd.msk.u32 $0xffff, v60, v0;
	_ =	sdelay $0xd  }
0x26c: {  	v0, v1, _ =	vpop (xrf1)  }
0x26d: {  	v0 =	vxor.u32 $0x80000000, v0  }
0x26e: {  	(xrf2) =	vadd.scan.msk.f32 $0xffff, v1;
	[tilespmem:$0xBB80] =	vst v0  }
0x26f: {  	v61 =	vld [tilespmem:$0xBB81];
	_ =	sdelay $0x4  }
0x270: {  	vm13 =	vne.s32 v0, v61;
	vm14 =	vgt.s32 v61, $0xFFFFFFFF  }
0x271: {  	vm15 =	vgt.s32 v61, $0x0;
	vm1 =	vmand vm14, vm13  }
0x272: {  	v1 =	vnsel vm15, $0x0, v61;
	_ =	sdelay $0x1  }
0x273: {  	v62, _, _ =	vpop (xrf2)  }
0x274: {  	v63 =	vsub.f32 $0.0e+00, v62  }
0x275: {  	[tilespmem:v0+s6+$0x0] =	vst.idx.add.f32.msk vm13, v62  }
0x276: {  	[tilespmem:v1+s6+$0x0] =	vst.idx.add.f32.msk vm1, v63  }
0x277: {  	_ =	swait.ge [sflag:s15], $0x2000  }
0x278: {  	[sflag:s15] =	ssyncset.done $0x0  }
0x279: {  	[sflag:s15] =	ssyncadd.s32 $0xFFFFE000  }
0x27a: {  	_ =	swait.ge [sflag:s20], $0x2000  }
0x27b: {  	[sflag:s20] =	ssyncset.done $0x0  }
0x27c: {  	[sflag:s20] =	ssyncadd.s32 $0xFFFFE000  }
0x27d: {  	_ =	swait.ge [sflag:s20], $0x2000  }
0x27e: {  	[sflag:s20] =	ssyncset.done $0x0  }
0x27f: {  	[sflag:s20] =	ssyncadd.s32 $0xFFFFE000  }
0x280: {  	v5 =	vld [tilespmem:s24+$0x700];
	_ =	sdelay $0x4  }
0x281: {  	[tilespmem:$0xBC80] =	vst v5  }
0x282: {  	v0 =	vld [tilespmem:s24+$0x710];
	_ =	sdelay $0x4  }
0x283: {  	[tilespmem:$0xBC90] =	vst v0  }
0x284: {  	v0 =	vld [tilespmem:s24+$0x720];
	_ =	sdelay $0x4  }
0x285: {  	[tilespmem:$0xBCA0] =	vst v0  }
0x286: {  	v0 =	vld [tilespmem:s24+$0x730];
	_ =	sdelay $0x4  }
0x287: {  	s30 =	sor.u32 $0x300, s24;
	[tilespmem:$0xBCB0] =	vst v0  }
0x288: {  	[tilespmem:s14], [sflag:$0x1] =	stream.indirect.gather [hbm4b:s4+s13], $0x80, s30, s13, $0xb8;
	[tilespmem:$0x1FD80] =	vst v63  }
0x289: {  	s31 =	sadd.s32 $0x1400, s25  }
0x28a: {  	[tilespmem:s17], [sflag:$0x4] =	stream.linear.gather [hbm4b:s31+s8], $0x2000, $0x38;
	[tilespmem:$0x1FD80] =	vst v63  }
0x28b: {  	_ =	swait.ge [sflag:s7], $0x2000  }
0x28c: {  	[sflag:s7] =	ssyncset.done $0x0  }
0x28d: {  	[sflag:s7] =	ssyncadd.s32 $0xFFFFE000  }
0x28e: {  	[spmem:s1] =	stream.indirect.scatter.add.f32 [tilespmem:s16], [sflag:$0x2], $0x80, s21, s13, $0xb8;
	[tilespmem:$0x1FD80] =	vst v63  }
0x28f: {  	s28 =	sor.u32 $0x240, s24  }
0x290: {  	[spmem:s1] =	stream.indirect.scatter.add.f32 [tilespmem:s17], [sflag:$0x2], $0x80, s21, s13, $0xb8;
	[tilespmem:$0x1FD80] =	vst v63  }
0x291: {  	v6 =	vld [tilespmem:s28+$0x0];
	_ =	sdelay $0x5  }
0x292: {  	s29 =	sor.u32 $0xA40, s24  }
0x293: {  	v7 =	vld [tilespmem:s29+$0x0]  }
0x294: {  	s30 =	sor.u32 $0x640, s24;
	v0 =	vld.idx.msk [tilespmem:v6+s19+$0x0], $0xffff  }
0x295: {  	v8 =	vld [tilespmem:s30+$0x0];
	_ =	sdelay $0x3  }
0x296: {  	v0 =	vadd.f32 v0, v7  }
0x297: {  	v9 =	vxor.u32 $0x80000000, v8  }
0x298: {  	(xrf1) =	vsort.ascd.msk.u32 $0xffff, v9, v0;
	_ =	sdelay $0xd  }
0x299: {  	v0, v1, _ =	vpop (xrf1)  }
0x29a: {  	v0 =	vxor.u32 $0x80000000, v0  }
0x29b: {  	(xrf2) =	vadd.scan.msk.f32 $0xffff, v1;
	[tilespmem:$0xBB80] =	vst v0  }
0x29c: {  	v10 =	vld [tilespmem:$0xBB81];
	_ =	sdelay $0x4  }
0x29d: {  	vm4 =	vne.s32 v0, v10;
	vm5 =	vgt.s32 v10, $0xFFFFFFFF  }
0x29e: {  	vm6 =	vgt.s32 v10, $0x0;
	vm1 =	vmand vm5, vm4  }
0x29f: {  	v1 =	vnsel vm6, $0x0, v10;
	_ =	sdelay $0x1  }
0x2a0: {  	v11, _, _ =	vpop (xrf2)  }
0x2a1: {  	v12 =	vsub.f32 $0.0e+00, v11  }
0x2a2: {  	[tilespmem:v0+s6+$0x0] =	vst.idx.add.f32.msk vm4, v11  }
0x2a3: {  	[tilespmem:v1+s6+$0x0] =	vst.idx.add.f32.msk vm1, v12  }
0x2a4: {  	v0 =	vld [tilespmem:s24+$0x250];
	_ =	sdelay $0x6  }
0x2a5: {  	v1 =	vld [tilespmem:s24+$0xA50]  }
0x2a6: {  	v0 =	vld.idx.msk [tilespmem:v0+s19+$0x0], $0xffff  }
0x2a7: {  	v2 =	vld [tilespmem:s24+$0x650];
	_ =	sdelay $0x3  }
0x2a8: {  	v0 =	vadd.f32 v0, v1  }
0x2a9: {  	v13 =	vxor.u32 $0x80000000, v2  }
0x2aa: {  	(xrf1) =	vsort.ascd.msk.u32 $0xffff, v13, v0;
	_ =	sdelay $0xd  }
0x2ab: {  	v0, v1, _ =	vpop (xrf1)  }
0x2ac: {  	v0 =	vxor.u32 $0x80000000, v0  }
0x2ad: {  	(xrf2) =	vadd.scan.msk.f32 $0xffff, v1;
	[tilespmem:$0xBB80] =	vst v0  }
0x2ae: {  	v14 =	vld [tilespmem:$0xBB81];
	_ =	sdelay $0x4  }
0x2af: {  	vm7 =	vne.s32 v0, v14;
	vm8 =	vgt.s32 v14, $0xFFFFFFFF  }
0x2b0: {  	vm9 =	vgt.s32 v14, $0x0;
	vm1 =	vmand vm8, vm7  }
0x2b1: {  	v1 =	vnsel vm9, $0x0, v14;
	_ =	sdelay $0x1  }
0x2b2: {  	v15, _, _ =	vpop (xrf2)  }
0x2b3: {  	v16 =	vsub.f32 $0.0e+00, v15  }
0x2b4: {  	[tilespmem:v0+s6+$0x0] =	vst.idx.add.f32.msk vm7, v15  }
0x2b5: {  	[tilespmem:v1+s6+$0x0] =	vst.idx.add.f32.msk vm1, v16  }
0x2b6: {  	v0 =	vld [tilespmem:s24+$0x260];
	_ =	sdelay $0x6  }
0x2b7: {  	v1 =	vld [tilespmem:s24+$0xA60]  }
0x2b8: {  	v0 =	vld.idx.msk [tilespmem:v0+s19+$0x0], $0xffff  }
0x2b9: {  	v2 =	vld [tilespmem:s24+$0x660];
	_ =	sdelay $0x3  }
0x2ba: {  	v0 =	vadd.f32 v0, v1  }
0x2bb: {  	v17 =	vxor.u32 $0x80000000, v2  }
0x2bc: {  	(xrf1) =	vsort.ascd.msk.u32 $0xffff, v17, v0;
	_ =	sdelay $0xd  }
0x2bd: {  	v0, v1, _ =	vpop (xrf1)  }
0x2be: {  	v0 =	vxor.u32 $0x80000000, v0  }
0x2bf: {  	(xrf2) =	vadd.scan.msk.f32 $0xffff, v1;
	[tilespmem:$0xBB80] =	vst v0  }
0x2c0: {  	v18 =	vld [tilespmem:$0xBB81];
	_ =	sdelay $0x4  }
0x2c1: {  	vm10 =	vne.s32 v0, v18;
	vm11 =	vgt.s32 v18, $0xFFFFFFFF  }
0x2c2: {  	vm12 =	vgt.s32 v18, $0x0;
	vm1 =	vmand vm11, vm10  }
0x2c3: {  	v1 =	vnsel vm12, $0x0, v18;
	_ =	sdelay $0x1  }
0x2c4: {  	v19, _, _ =	vpop (xrf2)  }
0x2c5: {  	v20 =	vsub.f32 $0.0e+00, v19  }
0x2c6: {  	[tilespmem:v0+s6+$0x0] =	vst.idx.add.f32.msk vm10, v19  }
0x2c7: {  	[tilespmem:v1+s6+$0x0] =	vst.idx.add.f32.msk vm1, v20  }
0x2c8: {  	v0 =	vld [tilespmem:s24+$0x270];
	_ =	sdelay $0x6  }
0x2c9: {  	v1 =	vld [tilespmem:s24+$0xA70]  }
0x2ca: {  	v0 =	vld.idx.msk [tilespmem:v0+s19+$0x0], $0xffff  }
0x2cb: {  	v2 =	vld [tilespmem:s24+$0x670];
	_ =	sdelay $0x3  }
0x2cc: {  	v0 =	vadd.f32 v0, v1  }
0x2cd: {  	v21 =	vxor.u32 $0x80000000, v2  }
0x2ce: {  	(xrf1) =	vsort.ascd.msk.u32 $0xffff, v21, v0;
	_ =	sdelay $0xd  }
0x2cf: {  	v0, v1, _ =	vpop (xrf1)  }
0x2d0: {  	v0 =	vxor.u32 $0x80000000, v0  }
0x2d1: {  	(xrf2) =	vadd.scan.msk.f32 $0xffff, v1;
	[tilespmem:$0xBB80] =	vst v0  }
0x2d2: {  	v22 =	vld [tilespmem:$0xBB81];
	_ =	sdelay $0x4  }
0x2d3: {  	vm13 =	vne.s32 v0, v22;
	vm14 =	vgt.s32 v22, $0xFFFFFFFF  }
0x2d4: {  	vm15 =	vgt.s32 v22, $0x0;
	vm1 =	vmand vm14, vm13  }
0x2d5: {  	v1 =	vnsel vm15, $0x0, v22;
	_ =	sdelay $0x1  }
0x2d6: {  	v23, _, _ =	vpop (xrf2)  }
0x2d7: {  	v24 =	vsub.f32 $0.0e+00, v23  }
0x2d8: {  	[tilespmem:v0+s6+$0x0] =	vst.idx.add.f32.msk vm13, v23  }
0x2d9: {  	[tilespmem:v1+s6+$0x0] =	vst.idx.add.f32.msk vm1, v24  }
0x2da: {  	_ =	swait.ge [sflag:s15], $0x2000  }
0x2db: {  	[sflag:s15] =	ssyncset.done $0x0  }
0x2dc: {  	[sflag:s15] =	ssyncadd.s32 $0xFFFFE000  }
0x2dd: {  	_ =	swait.ge [sflag:s20], $0x2000  }
0x2de: {  	[sflag:s20] =	ssyncset.done $0x0  }
0x2df: {  	[sflag:s20] =	ssyncadd.s32 $0xFFFFE000  }
0x2e0: {  	_ =	swait.ge [sflag:s20], $0x2000  }
0x2e1: {  	[sflag:s20] =	ssyncset.done $0x0  }
0x2e2: {  	[sflag:s20] =	ssyncadd.s32 $0xFFFFE000  }
0x2e3: {  	v25 =	vld [tilespmem:s24+$0x740];
	_ =	sdelay $0x4  }
0x2e4: {  	[tilespmem:$0xBD00] =	vst v25  }
0x2e5: {  	v0 =	vld [tilespmem:s24+$0x750];
	_ =	sdelay $0x4  }
0x2e6: {  	[tilespmem:$0xBD10] =	vst v0  }
0x2e7: {  	v0 =	vld [tilespmem:s24+$0x760];
	_ =	sdelay $0x4  }
0x2e8: {  	[tilespmem:$0xBD20] =	vst v0  }
0x2e9: {  	v0 =	vld [tilespmem:s24+$0x770];
	_ =	sdelay $0x4  }
0x2ea: {  	s31 =	sadd.s32 $0x340, s24;
	[tilespmem:$0xBD30] =	vst v0  }
0x2eb: {  	[tilespmem:s16], [sflag:$0x1] =	stream.indirect.gather [hbm4b:s4+s13], $0x80, s31, s13, $0xb8;
	[tilespmem:$0x1FD80] =	vst v63  }
0x2ec: {  	s28 =	sadd.s32 $0x1800, s25  }
0x2ed: {  	[tilespmem:s17], [sflag:$0x4] =	stream.linear.gather [hbm4b:s28+s8], $0x2000, $0x38;
	[tilespmem:$0x1FD80] =	vst v63  }
0x2ee: {  	_ =	swait.ge [sflag:s7], $0x2000  }
0x2ef: {  	[sflag:s7] =	ssyncset.done $0x0  }
0x2f0: {  	[sflag:s7] =	ssyncadd.s32 $0xFFFFE000  }
0x2f1: {  	[spmem:s1] =	stream.indirect.scatter.add.f32 [tilespmem:s14], [sflag:$0x2], $0x80, s18, s13, $0xb8;
	[tilespmem:$0x1FD80] =	vst v63  }
0x2f2: {  	_ = 	snop  }
0x2f3: {  	[spmem:s1] =	stream.indirect.scatter.add.f32 [tilespmem:s17], [sflag:$0x2], $0x80, s18, s13, $0xb8;
	[tilespmem:$0x1FD80] =	vst v63  }
0x2f4: {  	v26 =	vld [tilespmem:s24+$0x300];
	_ =	sdelay $0x6  }
0x2f5: {  	v27 =	vld [tilespmem:s24+$0xB00]  }
0x2f6: {  	v0 =	vld.idx.msk [tilespmem:v26+s19+$0x0], $0xffff  }
0x2f7: {  	v28 =	vld [tilespmem:s24+$0x700];
	_ =	sdelay $0x3  }
0x2f8: {  	v0 =	vadd.f32 v0, v27  }
0x2f9: {  	v29 =	vxor.u32 $0x80000000, v28  }
0x2fa: {  	(xrf1) =	vsort.ascd.msk.u32 $0xffff, v29, v0;
	_ =	sdelay $0xd  }
0x2fb: {  	v0, v1, _ =	vpop (xrf1)  }
0x2fc: {  	v0 =	vxor.u32 $0x80000000, v0  }
0x2fd: {  	(xrf2) =	vadd.scan.msk.f32 $0xffff, v1;
	[tilespmem:$0xBB80] =	vst v0  }
0x2fe: {  	v30 =	vld [tilespmem:$0xBB81];
	_ =	sdelay $0x4  }
0x2ff: {  	vm4 =	vne.s32 v0, v30;
	vm5 =	vgt.s32 v30, $0xFFFFFFFF  }
0x300: {  	vm6 =	vgt.s32 v30, $0x0;
	vm1 =	vmand vm5, vm4  }
0x301: {  	v1 =	vnsel vm6, $0x0, v30;
	_ =	sdelay $0x1  }
0x302: {  	v31, _, _ =	vpop (xrf2)  }
0x303: {  	v32 =	vsub.f32 $0.0e+00, v31  }
0x304: {  	[tilespmem:v0+s6+$0x0] =	vst.idx.add.f32.msk vm4, v31  }
0x305: {  	[tilespmem:v1+s6+$0x0] =	vst.idx.add.f32.msk vm1, v32  }
0x306: {  	v0 =	vld [tilespmem:s24+$0x310];
	_ =	sdelay $0x6  }
0x307: {  	v1 =	vld [tilespmem:s24+$0xB10]  }
0x308: {  	v0 =	vld.idx.msk [tilespmem:v0+s19+$0x0], $0xffff  }
0x309: {  	v2 =	vld [tilespmem:s24+$0x710];
	_ =	sdelay $0x3  }
0x30a: {  	v0 =	vadd.f32 v0, v1  }
0x30b: {  	v33 =	vxor.u32 $0x80000000, v2  }
0x30c: {  	(xrf1) =	vsort.ascd.msk.u32 $0xffff, v33, v0;
	_ =	sdelay $0xd  }
0x30d: {  	v0, v1, _ =	vpop (xrf1)  }
0x30e: {  	v0 =	vxor.u32 $0x80000000, v0  }
0x30f: {  	(xrf2) =	vadd.scan.msk.f32 $0xffff, v1;
	[tilespmem:$0xBB80] =	vst v0  }
0x310: {  	v34 =	vld [tilespmem:$0xBB81];
	_ =	sdelay $0x4  }
0x311: {  	vm7 =	vne.s32 v0, v34;
	vm8 =	vgt.s32 v34, $0xFFFFFFFF  }
0x312: {  	vm9 =	vgt.s32 v34, $0x0;
	vm1 =	vmand vm8, vm7  }
0x313: {  	v1 =	vnsel vm9, $0x0, v34;
	_ =	sdelay $0x1  }
0x314: {  	v35, _, _ =	vpop (xrf2)  }
0x315: {  	v36 =	vsub.f32 $0.0e+00, v35  }
0x316: {  	[tilespmem:v0+s6+$0x0] =	vst.idx.add.f32.msk vm7, v35  }
0x317: {  	[tilespmem:v1+s6+$0x0] =	vst.idx.add.f32.msk vm1, v36  }
0x318: {  	v0 =	vld [tilespmem:s24+$0x320];
	_ =	sdelay $0x6  }
0x319: {  	v1 =	vld [tilespmem:s24+$0xB20]  }
0x31a: {  	v0 =	vld.idx.msk [tilespmem:v0+s19+$0x0], $0xffff  }
0x31b: {  	v2 =	vld [tilespmem:s24+$0x720];
	_ =	sdelay $0x3  }
0x31c: {  	v0 =	vadd.f32 v0, v1  }
0x31d: {  	v37 =	vxor.u32 $0x80000000, v2  }
0x31e: {  	(xrf1) =	vsort.ascd.msk.u32 $0xffff, v37, v0;
	_ =	sdelay $0xd  }
0x31f: {  	v0, v1, _ =	vpop (xrf1)  }
0x320: {  	v0 =	vxor.u32 $0x80000000, v0  }
0x321: {  	(xrf2) =	vadd.scan.msk.f32 $0xffff, v1;
	[tilespmem:$0xBB80] =	vst v0  }
0x322: {  	v38 =	vld [tilespmem:$0xBB81];
	_ =	sdelay $0x4  }
0x323: {  	vm10 =	vne.s32 v0, v38;
	vm11 =	vgt.s32 v38, $0xFFFFFFFF  }
0x324: {  	vm12 =	vgt.s32 v38, $0x0;
	vm1 =	vmand vm11, vm10  }
0x325: {  	v1 =	vnsel vm12, $0x0, v38;
	_ =	sdelay $0x1  }
0x326: {  	v39, _, _ =	vpop (xrf2)  }
0x327: {  	v40 =	vsub.f32 $0.0e+00, v39  }
0x328: {  	[tilespmem:v0+s6+$0x0] =	vst.idx.add.f32.msk vm10, v39  }
0x329: {  	[tilespmem:v1+s6+$0x0] =	vst.idx.add.f32.msk vm1, v40  }
0x32a: {  	v0 =	vld [tilespmem:s24+$0x330];
	_ =	sdelay $0x6  }
0x32b: {  	v1 =	vld [tilespmem:s24+$0xB30]  }
0x32c: {  	v0 =	vld.idx.msk [tilespmem:v0+s19+$0x0], $0xffff  }
0x32d: {  	v2 =	vld [tilespmem:s24+$0x730];
	_ =	sdelay $0x3  }
0x32e: {  	v0 =	vadd.f32 v0, v1  }
0x32f: {  	v41 =	vxor.u32 $0x80000000, v2  }
0x330: {  	(xrf1) =	vsort.ascd.msk.u32 $0xffff, v41, v0;
	_ =	sdelay $0xd  }
0x331: {  	v0, v1, _ =	vpop (xrf1)  }
0x332: {  	v0 =	vxor.u32 $0x80000000, v0  }
0x333: {  	(xrf2) =	vadd.scan.msk.f32 $0xffff, v1;
	[tilespmem:$0xBB80] =	vst v0  }
0x334: {  	v42 =	vld [tilespmem:$0xBB81];
	_ =	sdelay $0x4  }
0x335: {  	vm13 =	vne.s32 v0, v42;
	vm14 =	vgt.s32 v42, $0xFFFFFFFF  }
0x336: {  	vm15 =	vgt.s32 v42, $0x0;
	vm1 =	vmand vm14, vm13  }
0x337: {  	v1 =	vnsel vm15, $0x0, v42;
	_ =	sdelay $0x1  }
0x338: {  	v43, _, _ =	vpop (xrf2)  }
0x339: {  	v44 =	vsub.f32 $0.0e+00, v43  }
0x33a: {  	[tilespmem:v0+s6+$0x0] =	vst.idx.add.f32.msk vm13, v43  }
0x33b: {  	[tilespmem:v1+s6+$0x0] =	vst.idx.add.f32.msk vm1, v44  }
0x33c: {  	_ =	swait.ge [sflag:s15], $0x2000  }
0x33d: {  	[sflag:s15] =	ssyncset.done $0x0  }
0x33e: {  	[sflag:s15] =	ssyncadd.s32 $0xFFFFE000  }
0x33f: {  	_ =	swait.ge [sflag:s20], $0x2000  }
0x340: {  	[sflag:s20] =	ssyncset.done $0x0  }
0x341: {  	[sflag:s20] =	ssyncadd.s32 $0xFFFFE000  }
0x342: {  	_ =	swait.ge [sflag:s20], $0x2000  }
0x343: {  	[sflag:s20] =	ssyncset.done $0x0  }
0x344: {  	s25 =	sadd.s32 $0x1C00, s25;
	[sflag:s20] =	ssyncadd.s32 $0xFFFFE000  }
0x345: {  	[tilespmem:s17], [sflag:$0x4] =	stream.linear.gather [hbm4b:s25+s8], $0x2000, $0x38;
	[tilespmem:$0x1FD80] =	vst v63  }
0x346: {  	_ =	swait.ge [sflag:s7], $0x2000  }
0x347: {  	[sflag:s7] =	ssyncset.done $0x0  }
0x348: {  	[sflag:s7] =	ssyncadd.s32 $0xFFFFE000  }
0x349: {  	[spmem:s1] =	stream.indirect.scatter.add.f32 [tilespmem:s16], [sflag:$0x2], $0x80, s21, s13, $0xb8;
	[tilespmem:$0x1FD80] =	vst v63  }
0x34a: {  	s29 =	sor.u32 $0x340, s24  }
0x34b: {  	[spmem:s1] =	stream.indirect.scatter.add.f32 [tilespmem:s17], [sflag:$0x2], $0x80, s21, s13, $0xb8;
	[tilespmem:$0x1FD80] =	vst v63  }
0x34c: {  	v45 =	vld [tilespmem:s29+$0x0];
	_ =	sdelay $0x5  }
0x34d: {  	s30 =	sor.u32 $0xB40, s24  }
0x34e: {  	v46 =	vld [tilespmem:s30+$0x0]  }
0x34f: {  	s31 =	sor.u32 $0x740, s24;
	v0 =	vld.idx.msk [tilespmem:v45+s19+$0x0], $0xffff  }
0x350: {  	v47 =	vld [tilespmem:s31+$0x0];
	_ =	sdelay $0x3  }
0x351: {  	v0 =	vadd.f32 v0, v46  }
0x352: {  	v48 =	vxor.u32 $0x80000000, v47  }
0x353: {  	(xrf1) =	vsort.ascd.msk.u32 $0xffff, v48, v0;
	_ =	sdelay $0xd  }
0x354: {  	v0, v1, _ =	vpop (xrf1)  }
0x355: {  	v0 =	vxor.u32 $0x80000000, v0  }
0x356: {  	(xrf2) =	vadd.scan.msk.f32 $0xffff, v1;
	[tilespmem:$0xBB80] =	vst v0  }
0x357: {  	v49 =	vld [tilespmem:$0xBB81];
	_ =	sdelay $0x4  }
0x358: {  	vm4 =	vne.s32 v0, v49;
	vm5 =	vgt.s32 v49, $0xFFFFFFFF  }
0x359: {  	vm6 =	vgt.s32 v49, $0x0;
	vm1 =	vmand vm5, vm4  }
0x35a: {  	v1 =	vnsel vm6, $0x0, v49;
	_ =	sdelay $0x1  }
0x35b: {  	v50, _, _ =	vpop (xrf2)  }
0x35c: {  	v51 =	vsub.f32 $0.0e+00, v50  }
0x35d: {  	[tilespmem:v0+s6+$0x0] =	vst.idx.add.f32.msk vm4, v50  }
0x35e: {  	[tilespmem:v1+s6+$0x0] =	vst.idx.add.f32.msk vm1, v51  }
0x35f: {  	v0 =	vld [tilespmem:s24+$0x350];
	_ =	sdelay $0x6  }
0x360: {  	v1 =	vld [tilespmem:s24+$0xB50]  }
0x361: {  	v0 =	vld.idx.msk [tilespmem:v0+s19+$0x0], $0xffff  }
0x362: {  	v2 =	vld [tilespmem:s24+$0x750];
	_ =	sdelay $0x3  }
0x363: {  	v0 =	vadd.f32 v0, v1  }
0x364: {  	v52 =	vxor.u32 $0x80000000, v2  }
0x365: {  	(xrf1) =	vsort.ascd.msk.u32 $0xffff, v52, v0;
	_ =	sdelay $0xd  }
0x366: {  	v0, v1, _ =	vpop (xrf1)  }
0x367: {  	v0 =	vxor.u32 $0x80000000, v0  }
0x368: {  	(xrf2) =	vadd.scan.msk.f32 $0xffff, v1;
	[tilespmem:$0xBB80] =	vst v0  }
0x369: {  	v53 =	vld [tilespmem:$0xBB81];
	_ =	sdelay $0x4  }
0x36a: {  	vm7 =	vne.s32 v0, v53;
	vm8 =	vgt.s32 v53, $0xFFFFFFFF  }
0x36b: {  	vm9 =	vgt.s32 v53, $0x0;
	vm1 =	vmand vm8, vm7  }
0x36c: {  	v1 =	vnsel vm9, $0x0, v53;
	_ =	sdelay $0x1  }
0x36d: {  	v54, _, _ =	vpop (xrf2)  }
0x36e: {  	v55 =	vsub.f32 $0.0e+00, v54  }
0x36f: {  	[tilespmem:v0+s6+$0x0] =	vst.idx.add.f32.msk vm7, v54  }
0x370: {  	[tilespmem:v1+s6+$0x0] =	vst.idx.add.f32.msk vm1, v55  }
0x371: {  	v0 =	vld [tilespmem:s24+$0x360];
	_ =	sdelay $0x6  }
0x372: {  	v1 =	vld [tilespmem:s24+$0xB60]  }
0x373: {  	v0 =	vld.idx.msk [tilespmem:v0+s19+$0x0], $0xffff  }
0x374: {  	v2 =	vld [tilespmem:s24+$0x760];
	_ =	sdelay $0x3  }
0x375: {  	v0 =	vadd.f32 v0, v1  }
0x376: {  	v56 =	vxor.u32 $0x80000000, v2  }
0x377: {  	(xrf1) =	vsort.ascd.msk.u32 $0xffff, v56, v0;
	_ =	sdelay $0xd  }
0x378: {  	v0, v1, _ =	vpop (xrf1)  }
0x379: {  	v0 =	vxor.u32 $0x80000000, v0  }
0x37a: {  	(xrf2) =	vadd.scan.msk.f32 $0xffff, v1;
	[tilespmem:$0xBB80] =	vst v0  }
0x37b: {  	v57 =	vld [tilespmem:$0xBB81];
	_ =	sdelay $0x4  }
0x37c: {  	vm10 =	vne.s32 v0, v57;
	vm11 =	vgt.s32 v57, $0xFFFFFFFF  }
0x37d: {  	vm12 =	vgt.s32 v57, $0x0;
	vm1 =	vmand vm11, vm10  }
0x37e: {  	v1 =	vnsel vm12, $0x0, v57;
	_ =	sdelay $0x1  }
0x37f: {  	v58, _, _ =	vpop (xrf2)  }
0x380: {  	v59 =	vsub.f32 $0.0e+00, v58  }
0x381: {  	[tilespmem:v0+s6+$0x0] =	vst.idx.add.f32.msk vm10, v58  }
0x382: {  	[tilespmem:v1+s6+$0x0] =	vst.idx.add.f32.msk vm1, v59  }
0x383: {  	v0 =	vld [tilespmem:s24+$0x370];
	_ =	sdelay $0x6  }
0x384: {  	v1 =	vld [tilespmem:s24+$0xB70]  }
0x385: {  	v0 =	vld.idx.msk [tilespmem:v0+s19+$0x0], $0xffff  }
0x386: {  	v2 =	vld [tilespmem:s24+$0x770];
	_ =	sdelay $0x3  }
0x387: {  	v0 =	vadd.f32 v0, v1  }
0x388: {  	v60 =	vxor.u32 $0x80000000, v2  }
0x389: {  	(xrf1) =	vsort.ascd.msk.u32 $0xffff, v60, v0;
	_ =	sdelay $0xd  }
0x38a: {  	v0, v1, _ =	vpop (xrf1)  }
0x38b: {  	v0 =	vxor.u32 $0x80000000, v0  }
0x38c: {  	(xrf2) =	vadd.scan.msk.f32 $0xffff, v1;
	[tilespmem:$0xBB80] =	vst v0  }
0x38d: {  	v61 =	vld [tilespmem:$0xBB81];
	_ =	sdelay $0x4  }
0x38e: {  	vm13 =	vne.s32 v0, v61;
	vm14 =	vgt.s32 v61, $0xFFFFFFFF  }
0x38f: {  	vm15 =	vgt.s32 v61, $0x0;
	vm1 =	vmand vm14, vm13  }
0x390: {  	v1 =	vnsel vm15, $0x0, v61;
	_ =	sdelay $0x1  }
0x391: {  	v62, _, _ =	vpop (xrf2)  }
0x392: {  	v63 =	vsub.f32 $0.0e+00, v62  }
0x393: {  	[tilespmem:v0+s6+$0x0] =	vst.idx.add.f32.msk vm13, v62  }
0x394: {  	s22 =	sadd.s32 $0x2000, s22;
	[tilespmem:v1+s6+$0x0] =	vst.idx.add.f32.msk vm1, v63  }
0x395: {  	p0 =	sne.s32 s22, $0x50000;
	_ =	swait.ge [sflag:s20], $0x2000  }
.Ltmp1:
0x396: {  	[sflag:s20] =	ssyncset.done $0x0;
	(pc) =	sbr.rel @p0 .LBB2_3-.Ltmp1, $4  }
0x397: {  	[sflag:s20] =	ssyncadd.s32 $0xFFFFE000  }
0x398: {  	_ =	swait.ge [sflag:s20], $0x2000  }
0x399: {  	s23 =	sadd.s32 $0x1, s23;
	s12 =	sadd.s32 $0x40, s12;
	[sflag:s20] =	ssyncset.done $0x0  }
0x39a: {  	s11 =	sadd.s32 $0x40, s11;
	s10 =	sadd.s32 $0x40, s10;
	[sflag:s20] =	ssyncadd.s32 $0xFFFFE000  }
0x39b: {  	s4 =	simm.s32 $0x50;
	s6 =	simm.s32 $0xBC00;
	s7 =	simm.s32 $0x9380  }
0x39c: {  	[spmem:s1] =	stream.indirect.scatter.add.f32 [tilespmem:s7], [sflag:$0x4], $0x80, s6, s4, $0xb8;
	[tilespmem:$0x1FD80] =	vst v63  }
0x39d: {  	s4 =	simm.s32 $0x4  }
0x39e: {  	s9 =	smul.u32 $0x2800, s2;
	_ =	swait.ge [sflag:s4], $0x2800  }
0x39f: {  	s10 =	smul.u32 $0x280, s2;
	s8 =	sshll.u32 s2, $0x6;
	[sflag:s4] =	ssyncset.done $0x0  }
0x3a0: {  	s5 =	sshrl.u32 s5, $0x3;
	s11 =	sor.u32 $0x1C04, s8;
	[sflag:s4] =	ssyncadd.s32 $0xFFFFD800  }
0x3a1: {  	s9 =	sadd.s32 s3, s9;
	s12 =	sor.u32 $0x40, s10;
	[bflag:$0x0] =	sbarrier.arrive $0xFFFF  }
0x3a2: {  	[hbm:s9], [sflag:s11] =	dma.local [spmem:s5], $0x400  }
0x3a3: {  	s14 =	sadd.s32 $0x80, s10;
	s13 =	sshll.u32 s12, $0x7;
	_ =	swait.ge [sflag:s4], $0x400  }
0x3a4: {  	s8 =	sadd.s32 s13, s1;
	s5 =	sshll.u32 s12, $0x4;
	[sflag:s4] =	ssyncset.done $0x0  }
0x3a5: {  	s8 =	sshrl.u32 s8, $0x3;
	s5 =	sadd.s32 s3, s5;
	[sflag:s4] =	ssyncadd.s32 $0xFFFFFC00  }
0x3a6: {  	[hbm:s5], [sflag:s11] =	dma.local [spmem:s8], $0x400  }
0x3a7: {  	s16 =	sadd.s32 $0xC0, s10;
	s15 =	sshll.u32 s14, $0x7;
	_ =	swait.ge [sflag:s4], $0x400  }
0x3a8: {  	s8 =	sadd.s32 s15, s1;
	s5 =	sshll.u32 s14, $0x4;
	[sflag:s4] =	ssyncset.done $0x0  }
0x3a9: {  	s5 =	sadd.s32 s3, s5;
	s8 =	sshrl.u32 s8, $0x3;
	[sflag:s4] =	ssyncadd.s32 $0xFFFFFC00  }
0x3aa: {  	[hbm:s5], [sflag:s11] =	dma.local [spmem:s8], $0x400  }
0x3ab: {  	s18 =	sadd.s32 $0x100, s10;
	s17 =	sshll.u32 s16, $0x7;
	_ =	swait.ge [sflag:s4], $0x400  }
0x3ac: {  	s8 =	sadd.s32 s17, s1;
	s5 =	sshll.u32 s16, $0x4;
	[sflag:s4] =	ssyncset.done $0x0  }
0x3ad: {  	s5 =	sadd.s32 s3, s5;
	s8 =	sshrl.u32 s8, $0x3;
	[sflag:s4] =	ssyncadd.s32 $0xFFFFFC00  }
0x3ae: {  	[hbm:s5], [sflag:s11] =	dma.local [spmem:s8], $0x400  }
0x3af: {  	s20 =	sadd.s32 $0x140, s10;
	s19 =	sshll.u32 s18, $0x7;
	_ =	swait.ge [sflag:s4], $0x400  }
0x3b0: {  	s8 =	sadd.s32 s19, s1;
	s5 =	sshll.u32 s18, $0x4;
	[sflag:s4] =	ssyncset.done $0x0  }
0x3b1: {  	s5 =	sadd.s32 s3, s5;
	s8 =	sshrl.u32 s8, $0x3;
	[sflag:s4] =	ssyncadd.s32 $0xFFFFFC00  }
0x3b2: {  	[hbm:s5], [sflag:s11] =	dma.local [spmem:s8], $0x400  }
0x3b3: {  	s22 =	sadd.s32 $0x180, s10;
	s21 =	sshll.u32 s20, $0x7;
	_ =	swait.ge [sflag:s4], $0x400  }
0x3b4: {  	s8 =	sadd.s32 s21, s1;
	s5 =	sshll.u32 s20, $0x4;
	[sflag:s4] =	ssyncset.done $0x0  }
0x3b5: {  	s5 =	sadd.s32 s3, s5;
	s8 =	sshrl.u32 s8, $0x3;
	[sflag:s4] =	ssyncadd.s32 $0xFFFFFC00  }
0x3b6: {  	[hbm:s5], [sflag:s11] =	dma.local [spmem:s8], $0x400  }
0x3b7: {  	s24 =	sadd.s32 $0x1C0, s10;
	s23 =	sshll.u32 s22, $0x7;
	_ =	swait.ge [sflag:s4], $0x400  }
0x3b8: {  	s8 =	sadd.s32 s23, s1;
	s5 =	sshll.u32 s22, $0x4;
	[sflag:s4] =	ssyncset.done $0x0  }
0x3b9: {  	s5 =	sadd.s32 s3, s5;
	s8 =	sshrl.u32 s8, $0x3;
	[sflag:s4] =	ssyncadd.s32 $0xFFFFFC00  }
0x3ba: {  	[hbm:s5], [sflag:s11] =	dma.local [spmem:s8], $0x400  }
0x3bb: {  	s26 =	sadd.s32 $0x200, s10;
	s25 =	sshll.u32 s24, $0x7;
	_ =	swait.ge [sflag:s4], $0x400  }
0x3bc: {  	s8 =	sadd.s32 s25, s1;
	s5 =	sshll.u32 s24, $0x4;
	[sflag:s4] =	ssyncset.done $0x0  }
0x3bd: {  	s5 =	sadd.s32 s3, s5;
	s8 =	sshrl.u32 s8, $0x3;
	[sflag:s4] =	ssyncadd.s32 $0xFFFFFC00  }
0x3be: {  	[hbm:s5], [sflag:s11] =	dma.local [spmem:s8], $0x400  }
0x3bf: {  	s29 =	sadd.s32 $0x240, s10;
	s28 =	sshll.u32 s26, $0x7;
	_ =	swait.ge [sflag:s4], $0x400  }
0x3c0: {  	s8 =	sadd.s32 s28, s1;
	s5 =	sshll.u32 s26, $0x4;
	[sflag:s4] =	ssyncset.done $0x0  }
0x3c1: {  	s5 =	sadd.s32 s3, s5;
	s8 =	sshrl.u32 s8, $0x3;
	[sflag:s4] =	ssyncadd.s32 $0xFFFFFC00  }
0x3c2: {  	[hbm:s5], [sflag:s11] =	dma.local [spmem:s8], $0x400  }
0x3c3: {  	s7 =	sshll.u32 s29, $0x7;
	_ =	swait.ge [sflag:s4], $0x400  }
0x3c4: {  	s30 =	sadd.s32 s7, s1;
	s5 =	sshll.u32 s29, $0x4;
	[sflag:s4] =	ssyncset.done $0x0  }
0x3c5: {  	s1 =	sshrl.u32 s30, $0x3;
	s31 =	sadd.s32 s3, s5;
	[sflag:s4] =	ssyncadd.s32 $0xFFFFFC00  }
0x3c6: {  	[hbm:s31], [sflag:s11] =	dma.local [spmem:s1], $0x400  }
0x3c7: {  	_ =	swait.ge [sflag:s4], $0x400  }
0x3c8: {  	[sflag:s4] =	ssyncset.done $0x0  }
0x3c9: {  	[sflag:s4] =	ssyncadd.s32 $0xFFFFFC00  }
0x3ca: {  	_ =	sfence.sel $0x180000  }
0x3cb: {  	[bflag:$0x0] =	sbarrier.arrive $0xFFFF  }
0x3cc: {  	p0 =	sne.s32 s2, $0x0;
	_ =	strace $0x90000047  }
0x3cd: {  	s0 =	sadd.s32 @!p0 $0x100000, s0;
	[bflag:$0x2] =	sbarrier.arrive $0xFFFF  }
0x3ce: {  	[sflag:s0] =	ssyncadd.tile.s32 @!p0 $0x1;
	_ =	shalt  }
.Lfunc_end2:
_tile_overlayer_lowered:
.L_overlay_start_2:
0x3cf: {  	(tag) =	ssettag $0x2  }
0x3d0: {  	s0 =	rddreg [dreg:$0x0];
	s2 =	stileid.u32  }
0x3d1: {  	s1 =	rddreg [dreg:$0x1];
	p0 =	sne.s32 s2, $0x0  }
0x3d2: {  	s3 =	rddreg [dreg:$0x2];
	[bflag:$0x3] =	sbarrier.arrive $0xFFFF;
	s2 =	simm.s32 @!p0 $0x1C04  }
0x3d3: {  	[timem:s3], [sflag:s2] =	dma.local @!p0 [hbm:s0], s1  }
0x3d4: {  	s0 =	simm.s32 @!p0 $0x4  }
0x3d5: {  	_ =	swait.ge @!p0 [sflag:s0], s1  }
0x3d6: {  	s1 =	ssub.s32 @!p0 $0x0, s1;
	[sflag:s0] =	ssyncset.done @!p0 $0x0  }
0x3d7: {  	[sflag:s0] =	ssyncadd.s32 @!p0 s1  }
0x3d8: {  	[bflag:$0x3] =	sbarrier.arrive $0xFFFF  }
0x3d9: {  	_ =	shalt  }

</sc_bundles>
